<compile_context>
chip_gen: v7x
topology: tpu7x:2x2x1
jax: 0.10.2.dev20260603
libtpu: 0.0.44.dev20260713+nightly
codegen_flags: <defaults>
</compile_context>

<pallas_src>
import functools

import jax
import jax.numpy as jnp
from jax import lax
from jax.experimental import pallas as pl
from jax.experimental.pallas import tpu as pltpu
from jax.experimental.pallas import tpu_sc as plsc

N_IN = 16384
N_OUT = 16384
BATCH = 1024
DEGREE = 2

NC, NS, L = 2, 16, 16
NW = NC * NS
ROWS_PER_W = BATCH // NW
PAIRS_PER_W = ROWS_PER_W // 2
NVEC = N_OUT // L
QCHUNK = NVEC // 4
QWORDS = QCHUNK * L

DX = 1.0 / (N_IN - 1)
EPSILON = 1e-8
SCALE = 1.0 / (DX + EPSILON)
WQ = 65535.0
INV_WQ = 1.0 / WQ

_mesh = plsc.VectorSubcoreMesh(core_axis_name="c", subcore_axis_name="s")


@functools.partial(
    pl.kernel,
    out_type=jax.ShapeDtypeStruct((BATCH, N_OUT), jnp.float32),
    mesh=_mesh,
    compiler_params=pltpu.CompilerParams(needs_layout_passes=False),
    scratch_types=[
        pltpu.VMEM((N_IN,), jnp.float32),
        pltpu.VMEM((N_IN,), jnp.float32),
        pltpu.VMEM((N_IN,), jnp.float32),
        pltpu.VMEM((N_IN,), jnp.float32),
        pltpu.VMEM((2, QWORDS), jnp.float32),
        pltpu.VMEM((2, QWORDS), jnp.float32),
        pltpu.VMEM((2, QWORDS), jnp.float32),
        pltpu.VMEM((N_OUT,), jnp.int32),
        pltpu.VMEM((N_OUT,), jnp.int32),
        pltpu.SemaphoreType.DMA,
        pltpu.SemaphoreType.DMA,
        pltpu.SemaphoreType.DMA,
        pltpu.SemaphoreType.DMA,
        pltpu.SemaphoreType.DMA,
        pltpu.SemaphoreType.DMA,
        pltpu.SemaphoreType.DMA,
    ],
)
def _abacus_sc(act_hbm, sp_hbm, out_hbm,
               rb0, rb1, rb2, rb3, q0, q1, q2, tab0, tab1,
               si0, si1, si2, si3, so0, so1, so2):
    wid = lax.axis_index("c") * NS + lax.axis_index("s")
    iota2 = lax.iota(jnp.int32, L) * 2
    qbufs = (q0, q1, q2)
    souts = (so0, so1, so2)

    pltpu.async_copy(sp_hbm.at[pl.ds(0, N_IN)], rb0, si0)
    pltpu.async_copy(sp_hbm.at[pl.ds(N_IN, N_IN)], rb1, si1)
    pltpu.make_async_copy(sp_hbm.at[pl.ds(0, N_IN)], rb0, si0).wait()
    pltpu.make_async_copy(sp_hbm.at[pl.ds(N_IN, N_IN)], rb1, si1).wait()

    def pack_entry(v):
        v = jnp.clip(v, 0.0, 1.0)
        fi = (v * float(N_IN - 1)).astype(jnp.int32)
        fi = jnp.minimum(fi, N_IN - 2)
        xl = fi.astype(jnp.float32) * DX
        w = (v - xl) * SCALE
        wb = lax.bitcast_convert_type(w, jnp.int32)
        wb = (wb + 0x8000) & jnp.int32(-65536)
        return wb | fi

    def make_tables(src, jlo, jhi, qoff):
        @plsc.parallel_loop(jlo, jhi, unroll=8)
        def body(j):
            q = iota2 + (j * (2 * L) - qoff)
            v0 = plsc.load_gather(src, [q])
            v1 = plsc.load_gather(src, [q + 1])
            tab0[pl.ds(j * L, L)] = pack_entry(v0)
            tab1[pl.ds(j * L, L)] = pack_entry(v1)

    make_tables(rb0, 0, NVEC // 2, 0)
    make_tables(rb1, NVEC // 2, NVEC, N_IN)

    base = wid * ROWS_PER_W

    pltpu.async_copy(act_hbm.at[base], rb0, si0)
    pltpu.async_copy(act_hbm.at[base + 1], rb1, si1)

    def wait_slot(qb, sq):
        pltpu.make_async_copy(
            qb, out_hbm.at[pl.ds(base, 2), pl.ds(0, QWORDS)], sq).wait()

    def do_pair(p, bu, bv, su, sv, pbu, pbv, psu, psv):
        ru = base + 2 * p
        rv = ru + 1
        pltpu.make_async_copy(act_hbm.at[ru], bu, su).wait()
        pltpu.make_async_copy(act_hbm.at[rv], bv, sv).wait()

        @pl.when(p < PAIRS_PER_W - 1)
        def _():
            pltpu.async_copy(act_hbm.at[ru + 2], pbu, psu)
            pltpu.async_copy(act_hbm.at[rv + 2], pbv, psv)

        for c in range(4):
            slot = c % 3
            qb = qbufs[slot]
            sq = souts[slot]
            if c < 3:
                @pl.when(p > 0)
                def _():
                    wait_slot(qb, sq)
            else:
                wait_slot(qb, sq)

            cbase = c * QWORDS

            @plsc.parallel_loop(c * QCHUNK, (c + 1) * QCHUNK, unroll=2)
            def inner(j):
                o = j * L
                lo = o - cbase
                p0 = tab0[pl.ds(o, L)]
                p1 = tab1[pl.ds(o, L)]
                i0 = p0 & 0xFFFF
                i1 = p1 & 0xFFFF
                i0r = i0 + 1
                i1r = i1 + 1
                a0 = lax.bitcast_convert_type(p0 & jnp.int32(-65536),
                                              jnp.float32)
                a1 = lax.bitcast_convert_type(p1 & jnp.int32(-65536),
                                              jnp.float32)
                u0l = plsc.load_gather(bu, [i0])
                u0r = plsc.load_gather(bu, [i0r])
                u1l = plsc.load_gather(bu, [i1])
                u1r = plsc.load_gather(bu, [i1r])
                v0l = plsc.load_gather(bv, [i0])
                v0r = plsc.load_gather(bv, [i0r])
                v1l = plsc.load_gather(bv, [i1])
                v1r = plsc.load_gather(bv, [i1r])
                tu0 = u0l + (u0r - u0l) * a0
                tu1 = u1l + (u1r - u1l) * a1
                tv0 = v0l + (v0r - v0l) * a0
                tv1 = v1l + (v1r - v1l) * a1
                qb[0, pl.ds(lo, L)] = (1.0 - tu0) * (1.0 - tu1)
                qb[1, pl.ds(lo, L)] = (1.0 - tv0) * (1.0 - tv1)

            pltpu.async_copy(
                qb, out_hbm.at[pl.ds(ru, 2), pl.ds(cbase, QWORDS)], sq)

    def do_step(m, carry):
        do_pair(2 * m, rb0, rb1, si0, si1, rb2, rb3, si2, si3)
        do_pair(2 * m + 1, rb2, rb3, si2, si3, rb0, rb1, si0, si1)
        return carry

    lax.fori_loop(0, PAIRS_PER_W // 2, do_step, 0)

    for slot in range(3):
        wait_slot(qbufs[slot], souts[slot])


def kernel(activations, sample_points):
    sp_flat = sample_points.reshape(-1)
    return _abacus_sc(activations, sp_flat)

# --- scband reference (transcript-rebuilt; emitter-appended) ---
"""Pipeline reference for scband-sparse-abacus-layer-34626026340439 (READ-ONLY COPY).

The authoritative reference and input builder live on the scoring server;
editing this copy changes nothing except your own understanding.
"""

import jax, jax.numpy as jnp
import numpy as np

EPSILON = 1e-08
N_IN = 16384
N_OUT = 16384
DEGREE = 2


def interp1d(x, y, xnew):
    # x, y: (B, N); xnew: (B, Q). Linear interpolation, faithful to torch reference.
    slope = (y[:, 1:] - y[:, :-1]) / (x[:, 1:] - x[:, :-1] + EPSILON)
    idx = jax.vmap(lambda xr, xn: jnp.searchsorted(xr, xn))(x, xnew) - 1
    idx = jnp.clip(idx, 0, x.shape[-1] - 1)
    x_left = jnp.take_along_axis(x, idx, axis=-1)
    y_left = jnp.take_along_axis(y, idx, axis=-1)
    slope_idx = jnp.clip(idx, 0, slope.shape[-1] - 1)
    slope_left = jnp.take_along_axis(slope, slope_idx, axis=-1)
    return y_left + slope_left * (xnew - x_left)


def fuzzy_nand(activations):
    # activations: (B, N, degree) in [0, 1]
    return jnp.prod(1.0 - activations, axis=-1)


def setup_inputs(seed: int = 0) -> dict:
    key = jax.random.key(seed)
    k1, k2 = jax.random.split(key)
    activations = jax.random.uniform(k1, (1024, N_IN), dtype=jnp.float32)
    # learned parameter: sample_points of shape (output_shape, degree, coordinate_dim=1)
    sample_points = jax.random.uniform(k2, (N_OUT, DEGREE, 1), dtype=jnp.float32)
    return {"activations": activations, "sample_points": sample_points}


def reference(activations, sample_points):
    batch_size = activations.shape[0]
    sp = jnp.broadcast_to(sample_points[None], (batch_size,) + sample_points.shape)
    sp = jnp.clip(sp, 0.0, 1.0)
    act = jnp.clip(activations, 0.0, 1.0)
    x = jnp.broadcast_to(jnp.linspace(0.0, 1.0, N_IN, dtype=jnp.float32)[None, :], (batch_size, N_IN))
    xnew = sp.reshape(batch_size, -1)
    act = interp1d(x, act, xnew)
    act = act.reshape(batch_size, N_OUT, DEGREE)
    act = fuzzy_nand(act)
    return act

if __name__ == "__main__":
    import jax
    _d = setup_inputs()
    print(jax.jit(kernel)(*tuple(_d.values())))

</pallas_src>

<mosaic_0001>
#map = affine_map<(d0, d1) -> (0, 0)>
#map1 = affine_map<(d0, d1) -> (0)>
module attributes {stable_mosaic.version = 14 : i64} {
  func.func @_abacus_sc(%arg0: i32, %arg1: i32, %arg2: memref<1024x16384xf32, #tpu.memory_space<hbm>>, %arg3: memref<32768xf32, #tpu.memory_space<hbm>>, %arg4: memref<1024x16384xf32, #tpu.memory_space<hbm>>, %arg5: memref<16384xf32, #tpu.memory_space<vmem>>, %arg6: memref<16384xf32, #tpu.memory_space<vmem>>, %arg7: memref<16384xf32, #tpu.memory_space<vmem>>, %arg8: memref<16384xf32, #tpu.memory_space<vmem>>, %arg9: memref<2x4096xf32, #tpu.memory_space<vmem>>, %arg10: memref<2x4096xf32, #tpu.memory_space<vmem>>, %arg11: memref<2x4096xf32, #tpu.memory_space<vmem>>, %arg12: memref<16384xi32, #tpu.memory_space<vmem>>, %arg13: memref<16384xi32, #tpu.memory_space<vmem>>, %arg14: memref<!tpu.dma_semaphore, #tpu.memory_space<semaphore_mem>>, %arg15: memref<!tpu.dma_semaphore, #tpu.memory_space<semaphore_mem>>, %arg16: memref<!tpu.dma_semaphore, #tpu.memory_space<semaphore_mem>>, %arg17: memref<!tpu.dma_semaphore, #tpu.memory_space<semaphore_mem>>, %arg18: memref<!tpu.dma_semaphore, #tpu.memory_space<semaphore_mem>>, %arg19: memref<!tpu.dma_semaphore, #tpu.memory_space<semaphore_mem>>, %arg20: memref<!tpu.dma_semaphore, #tpu.memory_space<semaphore_mem>>) attributes {dimension_semantics = [#tpu.dimension_semantics<core_parallel>, #tpu.dimension_semantics<subcore_parallel>], iteration_bounds = array<i64: 2, 16>, scalar_prefetch = 0 : i64, scratch_operands = 16 : i64, tpu.core_type = #tpu.core_type<sc_vector_subcore>, window_params = [{transform_indices = #map}, {transform_indices = #map1}, {transform_indices = #map}]} {
    %mul3A = arith.constant 16 : i32
    %mul3A_0 = arith.muli %arg0, %mul3A : i32
    %add3A = arith.addi %mul3A_0, %arg1 : i32
    %iota3A = tpu.iota {dimensions = array<i32: 0>} : vector<16xi32>
    %mul3A_1 = arith.constant 2 : i32
    %mul3A_2 = vector.broadcast %mul3A_1 : i32 to vector<16xi32>
    %mul3A_3 = arith.muli %iota3A, %mul3A_2 : vector<16xi32>
    %dma_start3A = arith.constant 0 : i32
    %dma_start3A_4 = tpu.memref_slice %arg3[%dma_start3A] : memref<32768xf32, #tpu.memory_space<hbm>> -> memref<16384xf32, #tpu.memory_space<hbm>>
    %dma_start3A_5 = arith.constant 0 : i32
    %dma_start3A_6 = tpu.memref_slice %arg3[%dma_start3A_5] : memref<32768xf32, #tpu.memory_space<hbm>> -> memref<16384xf32, #tpu.memory_space<hbm>>
    tpu.enqueue_dma source(%dma_start3A_6 : memref<16384xf32, #tpu.memory_space<hbm>>) target(%arg5 : memref<16384xf32, #tpu.memory_space<vmem>>) target_semaphore(%arg14 : memref<!tpu.dma_semaphore, #tpu.memory_space<semaphore_mem>>)
    %dma_start3A_7 = arith.constant 16384 : i32
    %dma_start3A_8 = tpu.memref_slice %arg3[%dma_start3A_7] : memref<32768xf32, #tpu.memory_space<hbm>> -> memref<16384xf32, #tpu.memory_space<hbm>>
    %dma_start3A_9 = arith.constant 16384 : i32
    %dma_start3A_10 = tpu.memref_slice %arg3[%dma_start3A_9] : memref<32768xf32, #tpu.memory_space<hbm>> -> memref<16384xf32, #tpu.memory_space<hbm>>
    tpu.enqueue_dma source(%dma_start3A_10 : memref<16384xf32, #tpu.memory_space<hbm>>) target(%arg6 : memref<16384xf32, #tpu.memory_space<vmem>>) target_semaphore(%arg15 : memref<!tpu.dma_semaphore, #tpu.memory_space<semaphore_mem>>)
    %dma_wait3A = arith.constant 0 : i32
    %dma_wait3A_11 = tpu.memref_slice %arg3[%dma_wait3A] : memref<32768xf32, #tpu.memory_space<hbm>> -> memref<16384xf32, #tpu.memory_space<hbm>>
    %dma_wait3A_12 = arith.constant 0 : i32
    %dma_wait3A_13 = tpu.memref_slice %arg3[%dma_wait3A_12] : memref<32768xf32, #tpu.memory_space<hbm>> -> memref<16384xf32, #tpu.memory_space<hbm>>
    tpu.wait_dma2 semaphore(%arg14 : memref<!tpu.dma_semaphore, #tpu.memory_space<semaphore_mem>>) src(%dma_wait3A_13 : memref<16384xf32, #tpu.memory_space<hbm>>) dst(%arg5 : memref<16384xf32, #tpu.memory_space<vmem>>)
    %dma_wait3A_14 = arith.constant 16384 : i32
    %dma_wait3A_15 = tpu.memref_slice %arg3[%dma_wait3A_14] : memref<32768xf32, #tpu.memory_space<hbm>> -> memref<16384xf32, #tpu.memory_space<hbm>>
    %dma_wait3A_16 = arith.constant 16384 : i32
    %dma_wait3A_17 = tpu.memref_slice %arg3[%dma_wait3A_16] : memref<32768xf32, #tpu.memory_space<hbm>> -> memref<16384xf32, #tpu.memory_space<hbm>>
    tpu.wait_dma2 semaphore(%arg15 : memref<!tpu.dma_semaphore, #tpu.memory_space<semaphore_mem>>) src(%dma_wait3A_17 : memref<16384xf32, #tpu.memory_space<hbm>>) dst(%arg6 : memref<16384xf32, #tpu.memory_space<vmem>>)
    %parallel_loop3A = arith.constant 0 : i32
    %parallel_loop3A_18 = arith.constant 512 : i32
    %parallel_loop3A_19 = arith.constant 1 : i32
    scf.for %parallel_loop3A_56 = %parallel_loop3A to %parallel_loop3A_18 step %parallel_loop3A_19  : i32 {
      %parallel_loop3A_57 = arith.constant 32 : i32
      %parallel_loop3A_58 = arith.muli %parallel_loop3A_56, %parallel_loop3A_57 : i32
      %parallel_loop3A_59 = arith.constant 0 : i32
      %parallel_loop3A_60 = arith.subi %parallel_loop3A_58, %parallel_loop3A_59 : i32
      %parallel_loop3A_61 = vector.broadcast %parallel_loop3A_60 : i32 to vector<16xi32>
      %parallel_loop3A_62 = arith.addi %mul3A_3, %parallel_loop3A_61 : vector<16xi32>
      %parallel_loop3A_63 = tpu.vector_load_idx %arg5[%parallel_loop3A_62] : memref<16384xf32, #tpu.memory_space<vmem>>[vector<16xi32>], vector<16xf32>,
      %parallel_loop3A_64 = arith.constant 1 : i32
      %parallel_loop3A_65 = vector.broadcast %parallel_loop3A_64 : i32 to vector<16xi32>
      %parallel_loop3A_66 = arith.addi %parallel_loop3A_62, %parallel_loop3A_65 : vector<16xi32>
      %parallel_loop3A_67 = tpu.vector_load_idx %arg5[%parallel_loop3A_66] : memref<16384xf32, #tpu.memory_space<vmem>>[vector<16xi32>], vector<16xf32>,
      %parallel_loop3A_68 = arith.constant 0.000000e+00 : f32
      %parallel_loop3A_69 = arith.constant 1.000000e+00 : f32
      %parallel_loop3A_70 = vector.broadcast %parallel_loop3A_68 : f32 to vector<16xf32>
      %parallel_loop3A_71 = arith.maximumf %parallel_loop3A_70, %parallel_loop3A_63 : vector<16xf32>
      %parallel_loop3A_72 = vector.broadcast %parallel_loop3A_69 : f32 to vector<16xf32>
      %parallel_loop3A_73 = arith.minimumf %parallel_loop3A_72, %parallel_loop3A_71 : vector<16xf32>
      %parallel_loop3A_74 = arith.constant 1.638300e+04 : f32
      %parallel_loop3A_75 = vector.broadcast %parallel_loop3A_74 : f32 to vector<16xf32>
      %parallel_loop3A_76 = arith.mulf %parallel_loop3A_73, %parallel_loop3A_75 : vector<16xf32>
      %parallel_loop3A_77 = arith.fptosi %parallel_loop3A_76 : vector<16xf32> to vector<16xi32>
      %parallel_loop3A_78 = arith.constant 16382 : i32
      %parallel_loop3A_79 = vector.broadcast %parallel_loop3A_78 : i32 to vector<16xi32>
      %parallel_loop3A_80 = arith.minsi %parallel_loop3A_77, %parallel_loop3A_79 : vector<16xi32>
      %parallel_loop3A_81 = arith.sitofp %parallel_loop3A_80 : vector<16xi32> to vector<16xf32>
      %parallel_loop3A_82 = arith.constant 6.10388815E-5 : f32
      %parallel_loop3A_83 = vector.broadcast %parallel_loop3A_82 : f32 to vector<16xf32>
      %parallel_loop3A_84 = arith.mulf %parallel_loop3A_81, %parallel_loop3A_83 : vector<16xf32>
      %parallel_loop3A_85 = arith.subf %parallel_loop3A_73, %parallel_loop3A_84 : vector<16xf32>
      %parallel_loop3A_86 = arith.constant 16380.3164 : f32
      %parallel_loop3A_87 = vector.broadcast %parallel_loop3A_86 : f32 to vector<16xf32>
      %parallel_loop3A_88 = arith.mulf %parallel_loop3A_85, %parallel_loop3A_87 : vector<16xf32>
      %parallel_loop3A_89 = tpu.bitcast %parallel_loop3A_88 : vector<16xf32> -> vector<16xi32>
      %parallel_loop3A_90 = arith.constant 32768 : i32
      %parallel_loop3A_91 = vector.broadcast %parallel_loop3A_90 : i32 to vector<16xi32>
      %parallel_loop3A_92 = arith.addi %parallel_loop3A_89, %parallel_loop3A_91 : vector<16xi32>
      %parallel_loop3A_93 = arith.constant -65536 : i32
      %parallel_loop3A_94 = vector.broadcast %parallel_loop3A_93 : i32 to vector<16xi32>
      %parallel_loop3A_95 = arith.andi %parallel_loop3A_92, %parallel_loop3A_94 : vector<16xi32>
      %parallel_loop3A_96 = arith.ori %parallel_loop3A_95, %parallel_loop3A_80 : vector<16xi32>
      %parallel_loop3A_97 = arith.constant 16 : i32
      %parallel_loop3A_98 = arith.muli %parallel_loop3A_56, %parallel_loop3A_97 : i32
      %parallel_loop3A_99 = arith.index_cast %parallel_loop3A_98 : i32 to index
      %parallel_loop3A_100 = tpu.vector_load %arg12[%parallel_loop3A_99] {strides = array<i32>} : memref<16384xi32, #tpu.memory_space<vmem>>, vector<16xi32>,
      tpu.vector_store %arg12[%parallel_loop3A_99], %parallel_loop3A_96 {strides = array<i32>} : memref<16384xi32, #tpu.memory_space<vmem>>, vector<16xi32>,
      %parallel_loop3A_101 = arith.constant 0.000000e+00 : f32
      %parallel_loop3A_102 = arith.constant 1.000000e+00 : f32
      %parallel_loop3A_103 = vector.broadcast %parallel_loop3A_101 : f32 to vector<16xf32>
      %parallel_loop3A_104 = arith.maximumf %parallel_loop3A_103, %parallel_loop3A_67 : vector<16xf32>
      %parallel_loop3A_105 = vector.broadcast %parallel_loop3A_102 : f32 to vector<16xf32>
      %parallel_loop3A_106 = arith.minimumf %parallel_loop3A_105, %parallel_loop3A_104 : vector<16xf32>
      %parallel_loop3A_107 = arith.constant 1.638300e+04 : f32
      %parallel_loop3A_108 = vector.broadcast %parallel_loop3A_107 : f32 to vector<16xf32>
      %parallel_loop3A_109 = arith.mulf %parallel_loop3A_106, %parallel_loop3A_108 : vector<16xf32>
      %parallel_loop3A_110 = arith.fptosi %parallel_loop3A_109 : vector<16xf32> to vector<16xi32>
      %parallel_loop3A_111 = arith.constant 16382 : i32
      %parallel_loop3A_112 = vector.broadcast %parallel_loop3A_111 : i32 to vector<16xi32>
      %parallel_loop3A_113 = arith.minsi %parallel_loop3A_110, %parallel_loop3A_112 : vector<16xi32>
      %parallel_loop3A_114 = arith.sitofp %parallel_loop3A_113 : vector<16xi32> to vector<16xf32>
      %parallel_loop3A_115 = arith.constant 6.10388815E-5 : f32
      %parallel_loop3A_116 = vector.broadcast %parallel_loop3A_115 : f32 to vector<16xf32>
      %parallel_loop3A_117 = arith.mulf %parallel_loop3A_114, %parallel_loop3A_116 : vector<16xf32>
      %parallel_loop3A_118 = arith.subf %parallel_loop3A_106, %parallel_loop3A_117 : vector<16xf32>
      %parallel_loop3A_119 = arith.constant 16380.3164 : f32
      %parallel_loop3A_120 = vector.broadcast %parallel_loop3A_119 : f32 to vector<16xf32>
      %parallel_loop3A_121 = arith.mulf %parallel_loop3A_118, %parallel_loop3A_120 : vector<16xf32>
      %parallel_loop3A_122 = tpu.bitcast %parallel_loop3A_121 : vector<16xf32> -> vector<16xi32>
      %parallel_loop3A_123 = arith.constant 32768 : i32
      %parallel_loop3A_124 = vector.broadcast %parallel_loop3A_123 : i32 to vector<16xi32>
      %parallel_loop3A_125 = arith.addi %parallel_loop3A_122, %parallel_loop3A_124 : vector<16xi32>
      %parallel_loop3A_126 = arith.constant -65536 : i32
      %parallel_loop3A_127 = vector.broadcast %parallel_loop3A_126 : i32 to vector<16xi32>
      %parallel_loop3A_128 = arith.andi %parallel_loop3A_125, %parallel_loop3A_127 : vector<16xi32>
      %parallel_loop3A_129 = arith.ori %parallel_loop3A_128, %parallel_loop3A_113 : vector<16xi32>
      %parallel_loop3A_130 = arith.constant 16 : i32
      %parallel_loop3A_131 = arith.muli %parallel_loop3A_56, %parallel_loop3A_130 : i32
      %parallel_loop3A_132 = arith.index_cast %parallel_loop3A_131 : i32 to index
      %parallel_loop3A_133 = tpu.vector_load %arg13[%parallel_loop3A_132] {strides = array<i32>} : memref<16384xi32, #tpu.memory_space<vmem>>, vector<16xi32>,
      tpu.vector_store %arg13[%parallel_loop3A_132], %parallel_loop3A_129 {strides = array<i32>} : memref<16384xi32, #tpu.memory_space<vmem>>, vector<16xi32>,
    } {sc.loop_unroll_factor = 8 : i64, sc.parallel_access}
    %parallel_loop3A_20 = arith.constant 512 : i32
    %parallel_loop3A_21 = arith.constant 1024 : i32
    %parallel_loop3A_22 = arith.constant 1 : i32
    scf.for %parallel_loop3A_56 = %parallel_loop3A_20 to %parallel_loop3A_21 step %parallel_loop3A_22  : i32 {
      %parallel_loop3A_57 = arith.constant 32 : i32
      %parallel_loop3A_58 = arith.muli %parallel_loop3A_56, %parallel_loop3A_57 : i32
      %parallel_loop3A_59 = arith.constant 16384 : i32
      %parallel_loop3A_60 = arith.subi %parallel_loop3A_58, %parallel_loop3A_59 : i32
      %parallel_loop3A_61 = vector.broadcast %parallel_loop3A_60 : i32 to vector<16xi32>
      %parallel_loop3A_62 = arith.addi %mul3A_3, %parallel_loop3A_61 : vector<16xi32>
      %parallel_loop3A_63 = tpu.vector_load_idx %arg6[%parallel_loop3A_62] : memref<16384xf32, #tpu.memory_space<vmem>>[vector<16xi32>], vector<16xf32>,
      %parallel_loop3A_64 = arith.constant 1 : i32
      %parallel_loop3A_65 = vector.broadcast %parallel_loop3A_64 : i32 to vector<16xi32>
      %parallel_loop3A_66 = arith.addi %parallel_loop3A_62, %parallel_loop3A_65 : vector<16xi32>
      %parallel_loop3A_67 = tpu.vector_load_idx %arg6[%parallel_loop3A_66] : memref<16384xf32, #tpu.memory_space<vmem>>[vector<16xi32>], vector<16xf32>,
      %parallel_loop3A_68 = arith.constant 0.000000e+00 : f32
      %parallel_loop3A_69 = arith.constant 1.000000e+00 : f32
      %parallel_loop3A_70 = vector.broadcast %parallel_loop3A_68 : f32 to vector<16xf32>
      %parallel_loop3A_71 = arith.maximumf %parallel_loop3A_70, %parallel_loop3A_63 : vector<16xf32>
      %parallel_loop3A_72 = vector.broadcast %parallel_loop3A_69 : f32 to vector<16xf32>
      %parallel_loop3A_73 = arith.minimumf %parallel_loop3A_72, %parallel_loop3A_71 : vector<16xf32>
      %parallel_loop3A_74 = arith.constant 1.638300e+04 : f32
      %parallel_loop3A_75 = vector.broadcast %parallel_loop3A_74 : f32 to vector<16xf32>
      %parallel_loop3A_76 = arith.mulf %parallel_loop3A_73, %parallel_loop3A_75 : vector<16xf32>
      %parallel_loop3A_77 = arith.fptosi %parallel_loop3A_76 : vector<16xf32> to vector<16xi32>
      %parallel_loop3A_78 = arith.constant 16382 : i32
      %parallel_loop3A_79 = vector.broadcast %parallel_loop3A_78 : i32 to vector<16xi32>
      %parallel_loop3A_80 = arith.minsi %parallel_loop3A_77, %parallel_loop3A_79 : vector<16xi32>
      %parallel_loop3A_81 = arith.sitofp %parallel_loop3A_80 : vector<16xi32> to vector<16xf32>
      %parallel_loop3A_82 = arith.constant 6.10388815E-5 : f32
      %parallel_loop3A_83 = vector.broadcast %parallel_loop3A_82 : f32 to vector<16xf32>
      %parallel_loop3A_84 = arith.mulf %parallel_loop3A_81, %parallel_loop3A_83 : vector<16xf32>
      %parallel_loop3A_85 = arith.subf %parallel_loop3A_73, %parallel_loop3A_84 : vector<16xf32>
      %parallel_loop3A_86 = arith.constant 16380.3164 : f32
      %parallel_loop3A_87 = vector.broadcast %parallel_loop3A_86 : f32 to vector<16xf32>
      %parallel_loop3A_88 = arith.mulf %parallel_loop3A_85, %parallel_loop3A_87 : vector<16xf32>
      %parallel_loop3A_89 = tpu.bitcast %parallel_loop3A_88 : vector<16xf32> -> vector<16xi32>
      %parallel_loop3A_90 = arith.constant 32768 : i32
      %parallel_loop3A_91 = vector.broadcast %parallel_loop3A_90 : i32 to vector<16xi32>
      %parallel_loop3A_92 = arith.addi %parallel_loop3A_89, %parallel_loop3A_91 : vector<16xi32>
      %parallel_loop3A_93 = arith.constant -65536 : i32
      %parallel_loop3A_94 = vector.broadcast %parallel_loop3A_93 : i32 to vector<16xi32>
      %parallel_loop3A_95 = arith.andi %parallel_loop3A_92, %parallel_loop3A_94 : vector<16xi32>
      %parallel_loop3A_96 = arith.ori %parallel_loop3A_95, %parallel_loop3A_80 : vector<16xi32>
      %parallel_loop3A_97 = arith.constant 16 : i32
      %parallel_loop3A_98 = arith.muli %parallel_loop3A_56, %parallel_loop3A_97 : i32
      %parallel_loop3A_99 = arith.index_cast %parallel_loop3A_98 : i32 to index
      %parallel_loop3A_100 = tpu.vector_load %arg12[%parallel_loop3A_99] {strides = array<i32>} : memref<16384xi32, #tpu.memory_space<vmem>>, vector<16xi32>,
      tpu.vector_store %arg12[%parallel_loop3A_99], %parallel_loop3A_96 {strides = array<i32>} : memref<16384xi32, #tpu.memory_space<vmem>>, vector<16xi32>,
      %parallel_loop3A_101 = arith.constant 0.000000e+00 : f32
      %parallel_loop3A_102 = arith.constant 1.000000e+00 : f32
      %parallel_loop3A_103 = vector.broadcast %parallel_loop3A_101 : f32 to vector<16xf32>
      %parallel_loop3A_104 = arith.maximumf %parallel_loop3A_103, %parallel_loop3A_67 : vector<16xf32>
      %parallel_loop3A_105 = vector.broadcast %parallel_loop3A_102 : f32 to vector<16xf32>
      %parallel_loop3A_106 = arith.minimumf %parallel_loop3A_105, %parallel_loop3A_104 : vector<16xf32>
      %parallel_loop3A_107 = arith.constant 1.638300e+04 : f32
      %parallel_loop3A_108 = vector.broadcast %parallel_loop3A_107 : f32 to vector<16xf32>
      %parallel_loop3A_109 = arith.mulf %parallel_loop3A_106, %parallel_loop3A_108 : vector<16xf32>
      %parallel_loop3A_110 = arith.fptosi %parallel_loop3A_109 : vector<16xf32> to vector<16xi32>
      %parallel_loop3A_111 = arith.constant 16382 : i32
      %parallel_loop3A_112 = vector.broadcast %parallel_loop3A_111 : i32 to vector<16xi32>
      %parallel_loop3A_113 = arith.minsi %parallel_loop3A_110, %parallel_loop3A_112 : vector<16xi32>
      %parallel_loop3A_114 = arith.sitofp %parallel_loop3A_113 : vector<16xi32> to vector<16xf32>
      %parallel_loop3A_115 = arith.constant 6.10388815E-5 : f32
      %parallel_loop3A_116 = vector.broadcast %parallel_loop3A_115 : f32 to vector<16xf32>
      %parallel_loop3A_117 = arith.mulf %parallel_loop3A_114, %parallel_loop3A_116 : vector<16xf32>
      %parallel_loop3A_118 = arith.subf %parallel_loop3A_106, %parallel_loop3A_117 : vector<16xf32>
      %parallel_loop3A_119 = arith.constant 16380.3164 : f32
      %parallel_loop3A_120 = vector.broadcast %parallel_loop3A_119 : f32 to vector<16xf32>
      %parallel_loop3A_121 = arith.mulf %parallel_loop3A_118, %parallel_loop3A_120 : vector<16xf32>
      %parallel_loop3A_122 = tpu.bitcast %parallel_loop3A_121 : vector<16xf32> -> vector<16xi32>
      %parallel_loop3A_123 = arith.constant 32768 : i32
      %parallel_loop3A_124 = vector.broadcast %parallel_loop3A_123 : i32 to vector<16xi32>
      %parallel_loop3A_125 = arith.addi %parallel_loop3A_122, %parallel_loop3A_124 : vector<16xi32>
      %parallel_loop3A_126 = arith.constant -65536 : i32
      %parallel_loop3A_127 = vector.broadcast %parallel_loop3A_126 : i32 to vector<16xi32>
      %parallel_loop3A_128 = arith.andi %parallel_loop3A_125, %parallel_loop3A_127 : vector<16xi32>
      %parallel_loop3A_129 = arith.ori %parallel_loop3A_128, %parallel_loop3A_113 : vector<16xi32>
      %parallel_loop3A_130 = arith.constant 16 : i32
      %parallel_loop3A_131 = arith.muli %parallel_loop3A_56, %parallel_loop3A_130 : i32
      %parallel_loop3A_132 = arith.index_cast %parallel_loop3A_131 : i32 to index
      %parallel_loop3A_133 = tpu.vector_load %arg13[%parallel_loop3A_132] {strides = array<i32>} : memref<16384xi32, #tpu.memory_space<vmem>>, vector<16xi32>,
      tpu.vector_store %arg13[%parallel_loop3A_132], %parallel_loop3A_129 {strides = array<i32>} : memref<16384xi32, #tpu.memory_space<vmem>>, vector<16xi32>,
    } {sc.loop_unroll_factor = 8 : i64, sc.parallel_access}
    %mul3A_23 = arith.constant 32 : i32
    %mul3A_24 = arith.muli %add3A, %mul3A_23 : i32
    %dma_start3A_25 = arith.constant 0 : i32
    %dma_start3A_26 = tpu.memref_slice %arg2[%mul3A_24, %dma_start3A_25] : memref<1024x16384xf32, #tpu.memory_space<hbm>> -> memref<1x16384xf32, #tpu.memory_space<hbm>>
    %dma_start3A_27 = tpu.memref_squeeze %dma_start3A_26 : memref<1x16384xf32, #tpu.memory_space<hbm>> -> memref<16384xf32, #tpu.memory_space<hbm>>
    %dma_start3A_28 = arith.constant 0 : i32
    %dma_start3A_29 = tpu.memref_slice %arg2[%mul3A_24, %dma_start3A_28] : memref<1024x16384xf32, #tpu.memory_space<hbm>> -> memref<1x16384xf32, #tpu.memory_space<hbm>>
    %dma_start3A_30 = tpu.memref_squeeze %dma_start3A_29 : memref<1x16384xf32, #tpu.memory_space<hbm>> -> memref<16384xf32, #tpu.memory_space<hbm>>
    tpu.enqueue_dma source(%dma_start3A_30 : memref<16384xf32, #tpu.memory_space<hbm>>) target(%arg5 : memref<16384xf32, #tpu.memory_space<vmem>>) target_semaphore(%arg14 : memref<!tpu.dma_semaphore, #tpu.memory_space<semaphore_mem>>)
    %add3A_31 = arith.constant 1 : i32
    %add3A_32 = arith.addi %mul3A_24, %add3A_31 : i32
    %dma_start3A_33 = arith.constant 0 : i32
    %dma_start3A_34 = tpu.memref_slice %arg2[%add3A_32, %dma_start3A_33] : memref<1024x16384xf32, #tpu.memory_space<hbm>> -> memref<1x16384xf32, #tpu.memory_space<hbm>>
    %dma_start3A_35 = tpu.memref_squeeze %dma_start3A_34 : memref<1x16384xf32, #tpu.memory_space<hbm>> -> memref<16384xf32, #tpu.memory_space<hbm>>
    %dma_start3A_36 = arith.constant 0 : i32
    %dma_start3A_37 = tpu.memref_slice %arg2[%add3A_32, %dma_start3A_36] : memref<1024x16384xf32, #tpu.memory_space<hbm>> -> memref<1x16384xf32, #tpu.memory_space<hbm>>
    %dma_start3A_38 = tpu.memref_squeeze %dma_start3A_37 : memref<1x16384xf32, #tpu.memory_space<hbm>> -> memref<16384xf32, #tpu.memory_space<hbm>>
    tpu.enqueue_dma source(%dma_start3A_38 : memref<16384xf32, #tpu.memory_space<hbm>>) target(%arg6 : memref<16384xf32, #tpu.memory_space<vmem>>) target_semaphore(%arg15 : memref<!tpu.dma_semaphore, #tpu.memory_space<semaphore_mem>>)
    %scan3A = arith.constant 0 : i32
    %scan3A_39 = arith.constant 0 : i32
    %scan3A_40 = arith.constant 8 : i32
    %scan3A_41 = arith.addi %scan3A_39, %scan3A_40 : i32
    %scan3A_42 = arith.constant 1 : i32
    scf.for %scan3A_56 = %scan3A_39 to %scan3A_41 step %scan3A_42  : i32 {
      %mul3A_57 = arith.constant 2 : i32
      %mul3A_58 = arith.muli %mul3A_57, %scan3A_56 : i32
      %mul3A_59 = arith.constant 2 : i32
      %mul3A_60 = arith.muli %mul3A_59, %mul3A_58 : i32
      %add3A_61 = arith.addi %mul3A_24, %mul3A_60 : i32
      %add3A_62 = arith.constant 1 : i32
      %add3A_63 = arith.addi %add3A_61, %add3A_62 : i32
      %dma_wait3A_64 = arith.constant 0 : i32
      %dma_wait3A_65 = tpu.memref_slice %arg2[%add3A_61, %dma_wait3A_64] : memref<1024x16384xf32, #tpu.memory_space<hbm>> -> memref<1x16384xf32, #tpu.memory_space<hbm>>
      %dma_wait3A_66 = tpu.memref_squeeze %dma_wait3A_65 : memref<1x16384xf32, #tpu.memory_space<hbm>> -> memref<16384xf32, #tpu.memory_space<hbm>>
      %dma_wait3A_67 = arith.constant 0 : i32
      %dma_wait3A_68 = tpu.memref_slice %arg2[%add3A_61, %dma_wait3A_67] : memref<1024x16384xf32, #tpu.memory_space<hbm>> -> memref<1x16384xf32, #tpu.memory_space<hbm>>
      %dma_wait3A_69 = tpu.memref_squeeze %dma_wait3A_68 : memref<1x16384xf32, #tpu.memory_space<hbm>> -> memref<16384xf32, #tpu.memory_space<hbm>>
      tpu.wait_dma2 semaphore(%arg14 : memref<!tpu.dma_semaphore, #tpu.memory_space<semaphore_mem>>) src(%dma_wait3A_69 : memref<16384xf32, #tpu.memory_space<hbm>>) dst(%arg5 : memref<16384xf32, #tpu.memory_space<vmem>>)
      %dma_wait3A_70 = arith.constant 0 : i32
      %dma_wait3A_71 = tpu.memref_slice %arg2[%add3A_63, %dma_wait3A_70] : memref<1024x16384xf32, #tpu.memory_space<hbm>> -> memref<1x16384xf32, #tpu.memory_space<hbm>>
      %dma_wait3A_72 = tpu.memref_squeeze %dma_wait3A_71 : memref<1x16384xf32, #tpu.memory_space<hbm>> -> memref<16384xf32, #tpu.memory_space<hbm>>
      %dma_wait3A_73 = arith.constant 0 : i32
      %dma_wait3A_74 = tpu.memref_slice %arg2[%add3A_63, %dma_wait3A_73] : memref<1024x16384xf32, #tpu.memory_space<hbm>> -> memref<1x16384xf32, #tpu.memory_space<hbm>>
      %dma_wait3A_75 = tpu.memref_squeeze %dma_wait3A_74 : memref<1x16384xf32, #tpu.memory_space<hbm>> -> memref<16384xf32, #tpu.memory_space<hbm>>
      tpu.wait_dma2 semaphore(%arg15 : memref<!tpu.dma_semaphore, #tpu.memory_space<semaphore_mem>>) src(%dma_wait3A_75 : memref<16384xf32, #tpu.memory_space<hbm>>) dst(%arg6 : memref<16384xf32, #tpu.memory_space<vmem>>)
      %lt3A = arith.constant 15 : i32
      %lt3A_76 = arith.cmpi slt, %mul3A_58, %lt3A : i32
      %convert_element_type3A = arith.extui %lt3A_76 : i1 to i32
      %cond3A = arith.constant 0 : i32
      %cond3A_77 = arith.cmpi ne, %convert_element_type3A, %cond3A : i32
      scf.if %cond3A_77 {
        %add3A_197 = arith.constant 2 : i32
        %add3A_198 = arith.addi %add3A_61, %add3A_197 : i32
        %dma_start3A_199 = arith.constant 0 : i32
        %dma_start3A_200 = tpu.memref_slice %arg2[%add3A_198, %dma_start3A_199] : memref<1024x16384xf32, #tpu.memory_space<hbm>> -> memref<1x16384xf32, #tpu.memory_space<hbm>>
        %dma_start3A_201 = tpu.memref_squeeze %dma_start3A_200 : memref<1x16384xf32, #tpu.memory_space<hbm>> -> memref<16384xf32, #tpu.memory_space<hbm>>
        %dma_start3A_202 = arith.constant 0 : i32
        %dma_start3A_203 = tpu.memref_slice %arg2[%add3A_198, %dma_start3A_202] : memref<1024x16384xf32, #tpu.memory_space<hbm>> -> memref<1x16384xf32, #tpu.memory_space<hbm>>
        %dma_start3A_204 = tpu.memref_squeeze %dma_start3A_203 : memref<1x16384xf32, #tpu.memory_space<hbm>> -> memref<16384xf32, #tpu.memory_space<hbm>>
        tpu.enqueue_dma source(%dma_start3A_204 : memref<16384xf32, #tpu.memory_space<hbm>>) target(%arg7 : memref<16384xf32, #tpu.memory_space<vmem>>) target_semaphore(%arg16 : memref<!tpu.dma_semaphore, #tpu.memory_space<semaphore_mem>>)
        %add3A_205 = arith.constant 2 : i32
        %add3A_206 = arith.addi %add3A_63, %add3A_205 : i32
        %dma_start3A_207 = arith.constant 0 : i32
        %dma_start3A_208 = tpu.memref_slice %arg2[%add3A_206, %dma_start3A_207] : memref<1024x16384xf32, #tpu.memory_space<hbm>> -> memref<1x16384xf32, #tpu.memory_space<hbm>>
        %dma_start3A_209 = tpu.memref_squeeze %dma_start3A_208 : memref<1x16384xf32, #tpu.memory_space<hbm>> -> memref<16384xf32, #tpu.memory_space<hbm>>
        %dma_start3A_210 = arith.constant 0 : i32
        %dma_start3A_211 = tpu.memref_slice %arg2[%add3A_206, %dma_start3A_210] : memref<1024x16384xf32, #tpu.memory_space<hbm>> -> memref<1x16384xf32, #tpu.memory_space<hbm>>
        %dma_start3A_212 = tpu.memref_squeeze %dma_start3A_211 : memref<1x16384xf32, #tpu.memory_space<hbm>> -> memref<16384xf32, #tpu.memory_space<hbm>>
        tpu.enqueue_dma source(%dma_start3A_212 : memref<16384xf32, #tpu.memory_space<hbm>>) target(%arg8 : memref<16384xf32, #tpu.memory_space<vmem>>) target_semaphore(%arg17 : memref<!tpu.dma_semaphore, #tpu.memory_space<semaphore_mem>>)
      } else {
      }
      %gt3A = arith.constant 0 : i32
      %gt3A_78 = arith.cmpi sgt, %mul3A_58, %gt3A : i32
      %convert_element_type3A_79 = arith.extui %gt3A_78 : i1 to i32
      %cond3A_80 = arith.constant 0 : i32
      %cond3A_81 = arith.cmpi ne, %convert_element_type3A_79, %cond3A_80 : i32
      scf.if %cond3A_81 {
        %dma_wait3A_197 = arith.constant 0 : i32
        %dma_wait3A_198 = tpu.memref_slice %arg4[%mul3A_24, %dma_wait3A_197] : memref<1024x16384xf32, #tpu.memory_space<hbm>> -> memref<2x4096xf32, #tpu.memory_space<hbm>>
        %dma_wait3A_199 = arith.constant 0 : i32
        %dma_wait3A_200 = tpu.memref_slice %arg4[%mul3A_24, %dma_wait3A_199] : memref<1024x16384xf32, #tpu.memory_space<hbm>> -> memref<2x4096xf32, #tpu.memory_space<hbm>>
        tpu.wait_dma2 semaphore(%arg18 : memref<!tpu.dma_semaphore, #tpu.memory_space<semaphore_mem>>) src(%arg9 : memref<2x4096xf32, #tpu.memory_space<vmem>>) dst(%dma_wait3A_200 : memref<2x4096xf32, #tpu.memory_space<hbm>>)
      } else {
      }
      %parallel_loop3A_82 = arith.constant 0 : i32
      %parallel_loop3A_83 = arith.constant 256 : i32
      %parallel_loop3A_84 = arith.constant 1 : i32
      scf.for %parallel_loop3A_197 = %parallel_loop3A_82 to %parallel_loop3A_83 step %parallel_loop3A_84  : i32 {
        %parallel_loop3A_198 = arith.constant 16 : i32
        %parallel_loop3A_199 = arith.muli %parallel_loop3A_197, %parallel_loop3A_198 : i32
        %parallel_loop3A_200 = arith.constant 0 : i32
        %parallel_loop3A_201 = arith.subi %parallel_loop3A_199, %parallel_loop3A_200 : i32
        %parallel_loop3A_202 = arith.index_cast %parallel_loop3A_199 : i32 to index
        %parallel_loop3A_203 = tpu.vector_load %arg12[%parallel_loop3A_202] {strides = array<i32>} : memref<16384xi32, #tpu.memory_space<vmem>>, vector<16xi32>,
        %parallel_loop3A_204 = arith.index_cast %parallel_loop3A_199 : i32 to index
        %parallel_loop3A_205 = tpu.vector_load %arg13[%parallel_loop3A_204] {strides = array<i32>} : memref<16384xi32, #tpu.memory_space<vmem>>, vector<16xi32>,
        %parallel_loop3A_206 = arith.constant 65535 : i32
        %parallel_loop3A_207 = vector.broadcast %parallel_loop3A_206 : i32 to vector<16xi32>
        %parallel_loop3A_208 = arith.andi %parallel_loop3A_203, %parallel_loop3A_207 : vector<16xi32>
        %parallel_loop3A_209 = arith.constant 65535 : i32
        %parallel_loop3A_210 = vector.broadcast %parallel_loop3A_209 : i32 to vector<16xi32>
        %parallel_loop3A_211 = arith.andi %parallel_loop3A_205, %parallel_loop3A_210 : vector<16xi32>
        %parallel_loop3A_212 = arith.constant 1 : i32
        %parallel_loop3A_213 = vector.broadcast %parallel_loop3A_212 : i32 to vector<16xi32>
        %parallel_loop3A_214 = arith.addi %parallel_loop3A_208, %parallel_loop3A_213 : vector<16xi32>
        %parallel_loop3A_215 = arith.constant 1 : i32
        %parallel_loop3A_216 = vector.broadcast %parallel_loop3A_215 : i32 to vector<16xi32>
        %parallel_loop3A_217 = arith.addi %parallel_loop3A_211, %parallel_loop3A_216 : vector<16xi32>
        %parallel_loop3A_218 = arith.constant -65536 : i32
        %parallel_loop3A_219 = vector.broadcast %parallel_loop3A_218 : i32 to vector<16xi32>
        %parallel_loop3A_220 = arith.andi %parallel_loop3A_203, %parallel_loop3A_219 : vector<16xi32>
        %parallel_loop3A_221 = tpu.bitcast %parallel_loop3A_220 : vector<16xi32> -> vector<16xf32>
        %parallel_loop3A_222 = arith.constant -65536 : i32
        %parallel_loop3A_223 = vector.broadcast %parallel_loop3A_222 : i32 to vector<16xi32>
        %parallel_loop3A_224 = arith.andi %parallel_loop3A_205, %parallel_loop3A_223 : vector<16xi32>
        %parallel_loop3A_225 = tpu.bitcast %parallel_loop3A_224 : vector<16xi32> -> vector<16xf32>
        %parallel_loop3A_226 = tpu.vector_load_idx %arg5[%parallel_loop3A_208] : memref<16384xf32, #tpu.memory_space<vmem>>[vector<16xi32>], vector<16xf32>,
        %parallel_loop3A_227 = tpu.vector_load_idx %arg5[%parallel_loop3A_214] : memref<16384xf32, #tpu.memory_space<vmem>>[vector<16xi32>], vector<16xf32>,
        %parallel_loop3A_228 = tpu.vector_load_idx %arg5[%parallel_loop3A_211] : memref<16384xf32, #tpu.memory_space<vmem>>[vector<16xi32>], vector<16xf32>,
        %parallel_loop3A_229 = tpu.vector_load_idx %arg5[%parallel_loop3A_217] : memref<16384xf32, #tpu.memory_space<vmem>>[vector<16xi32>], vector<16xf32>,
        %parallel_loop3A_230 = tpu.vector_load_idx %arg6[%parallel_loop3A_208] : memref<16384xf32, #tpu.memory_space<vmem>>[vector<16xi32>], vector<16xf32>,
        %parallel_loop3A_231 = tpu.vector_load_idx %arg6[%parallel_loop3A_214] : memref<16384xf32, #tpu.memory_space<vmem>>[vector<16xi32>], vector<16xf32>,
        %parallel_loop3A_232 = tpu.vector_load_idx %arg6[%parallel_loop3A_211] : memref<16384xf32, #tpu.memory_space<vmem>>[vector<16xi32>], vector<16xf32>,
        %parallel_loop3A_233 = tpu.vector_load_idx %arg6[%parallel_loop3A_217] : memref<16384xf32, #tpu.memory_space<vmem>>[vector<16xi32>], vector<16xf32>,
        %parallel_loop3A_234 = arith.subf %parallel_loop3A_227, %parallel_loop3A_226 : vector<16xf32>
        %parallel_loop3A_235 = arith.mulf %parallel_loop3A_234, %parallel_loop3A_221 : vector<16xf32>
        %parallel_loop3A_236 = arith.addf %parallel_loop3A_226, %parallel_loop3A_235 : vector<16xf32>
        %parallel_loop3A_237 = arith.subf %parallel_loop3A_229, %parallel_loop3A_228 : vector<16xf32>
        %parallel_loop3A_238 = arith.mulf %parallel_loop3A_237, %parallel_loop3A_225 : vector<16xf32>
        %parallel_loop3A_239 = arith.addf %parallel_loop3A_228, %parallel_loop3A_238 : vector<16xf32>
        %parallel_loop3A_240 = arith.subf %parallel_loop3A_231, %parallel_loop3A_230 : vector<16xf32>
        %parallel_loop3A_241 = arith.mulf %parallel_loop3A_240, %parallel_loop3A_221 : vector<16xf32>
        %parallel_loop3A_242 = arith.addf %parallel_loop3A_230, %parallel_loop3A_241 : vector<16xf32>
        %parallel_loop3A_243 = arith.subf %parallel_loop3A_233, %parallel_loop3A_232 : vector<16xf32>
        %parallel_loop3A_244 = arith.mulf %parallel_loop3A_243, %parallel_loop3A_225 : vector<16xf32>
        %parallel_loop3A_245 = arith.addf %parallel_loop3A_232, %parallel_loop3A_244 : vector<16xf32>
        %parallel_loop3A_246 = arith.constant 1.000000e+00 : f32
        %parallel_loop3A_247 = vector.broadcast %parallel_loop3A_246 : f32 to vector<16xf32>
        %parallel_loop3A_248 = arith.subf %parallel_loop3A_247, %parallel_loop3A_236 : vector<16xf32>
        %parallel_loop3A_249 = arith.constant 1.000000e+00 : f32
        %parallel_loop3A_250 = vector.broadcast %parallel_loop3A_249 : f32 to vector<16xf32>
        %parallel_loop3A_251 = arith.subf %parallel_loop3A_250, %parallel_loop3A_239 : vector<16xf32>
        %parallel_loop3A_252 = arith.mulf %parallel_loop3A_248, %parallel_loop3A_251 : vector<16xf32>
        %parallel_loop3A_253 = arith.constant 0 : i32
        %parallel_loop3A_254 = arith.index_cast %parallel_loop3A_253 : i32 to index
        %parallel_loop3A_255 = arith.index_cast %parallel_loop3A_201 : i32 to index
        %parallel_loop3A_256 = tpu.vector_load %arg9[%parallel_loop3A_254, %parallel_loop3A_255] {strides = array<i32>} : memref<2x4096xf32, #tpu.memory_space<vmem>>, vector<16xf32>,
        tpu.vector_store %arg9[%parallel_loop3A_254, %parallel_loop3A_255], %parallel_loop3A_252 {strides = array<i32>} : memref<2x4096xf32, #tpu.memory_space<vmem>>, vector<16xf32>,
        %parallel_loop3A_257 = arith.constant 1.000000e+00 : f32
        %parallel_loop3A_258 = vector.broadcast %parallel_loop3A_257 : f32 to vector<16xf32>
        %parallel_loop3A_259 = arith.subf %parallel_loop3A_258, %parallel_loop3A_242 : vector<16xf32>
        %parallel_loop3A_260 = arith.constant 1.000000e+00 : f32
        %parallel_loop3A_261 = vector.broadcast %parallel_loop3A_260 : f32 to vector<16xf32>
        %parallel_loop3A_262 = arith.subf %parallel_loop3A_261, %parallel_loop3A_245 : vector<16xf32>
        %parallel_loop3A_263 = arith.mulf %parallel_loop3A_259, %parallel_loop3A_262 : vector<16xf32>
        %parallel_loop3A_264 = arith.constant 1 : i32
        %parallel_loop3A_265 = arith.index_cast %parallel_loop3A_264 : i32 to index
        %parallel_loop3A_266 = arith.index_cast %parallel_loop3A_201 : i32 to index
        %parallel_loop3A_267 = tpu.vector_load %arg9[%parallel_loop3A_265, %parallel_loop3A_266] {strides = array<i32>} : memref<2x4096xf32, #tpu.memory_space<vmem>>, vector<16xf32>,
        tpu.vector_store %arg9[%parallel_loop3A_265, %parallel_loop3A_266], %parallel_loop3A_263 {strides = array<i32>} : memref<2x4096xf32, #tpu.memory_space<vmem>>, vector<16xf32>,
      } {sc.loop_unroll_factor = 2 : i64, sc.parallel_access}
      %dma_start3A_85 = arith.constant 0 : i32
      %dma_start3A_86 = tpu.memref_slice %arg4[%add3A_61, %dma_start3A_85] : memref<1024x16384xf32, #tpu.memory_space<hbm>> -> memref<2x4096xf32, #tpu.memory_space<hbm>>
      %dma_start3A_87 = arith.constant 0 : i32
      %dma_start3A_88 = tpu.memref_slice %arg4[%add3A_61, %dma_start3A_87] : memref<1024x16384xf32, #tpu.memory_space<hbm>> -> memref<2x4096xf32, #tpu.memory_space<hbm>>
      tpu.enqueue_dma source(%arg9 : memref<2x4096xf32, #tpu.memory_space<vmem>>) target(%dma_start3A_88 : memref<2x4096xf32, #tpu.memory_space<hbm>>) target_semaphore(%arg18 : memref<!tpu.dma_semaphore, #tpu.memory_space<semaphore_mem>>)
      %gt3A_89 = arith.constant 0 : i32
      %gt3A_90 = arith.cmpi sgt, %mul3A_58, %gt3A_89 : i32
      %convert_element_type3A_91 = arith.extui %gt3A_90 : i1 to i32
      %cond3A_92 = arith.constant 0 : i32
      %cond3A_93 = arith.cmpi ne, %convert_element_type3A_91, %cond3A_92 : i32
      scf.if %cond3A_93 {
        %dma_wait3A_197 = arith.constant 0 : i32
        %dma_wait3A_198 = tpu.memref_slice %arg4[%mul3A_24, %dma_wait3A_197] : memref<1024x16384xf32, #tpu.memory_space<hbm>> -> memref<2x4096xf32, #tpu.memory_space<hbm>>
        %dma_wait3A_199 = arith.constant 0 : i32
        %dma_wait3A_200 = tpu.memref_slice %arg4[%mul3A_24, %dma_wait3A_199] : memref<1024x16384xf32, #tpu.memory_space<hbm>> -> memref<2x4096xf32, #tpu.memory_space<hbm>>
        tpu.wait_dma2 semaphore(%arg19 : memref<!tpu.dma_semaphore, #tpu.memory_space<semaphore_mem>>) src(%arg10 : memref<2x4096xf32, #tpu.memory_space<vmem>>) dst(%dma_wait3A_200 : memref<2x4096xf32, #tpu.memory_space<hbm>>)
      } else {
      }
      %parallel_loop3A_94 = arith.constant 256 : i32
      %parallel_loop3A_95 = arith.constant 512 : i32
      %parallel_loop3A_96 = arith.constant 1 : i32
      scf.for %parallel_loop3A_197 = %parallel_loop3A_94 to %parallel_loop3A_95 step %parallel_loop3A_96  : i32 {
        %parallel_loop3A_198 = arith.constant 16 : i32
        %parallel_loop3A_199 = arith.muli %parallel_loop3A_197, %parallel_loop3A_198 : i32
        %parallel_loop3A_200 = arith.constant 4096 : i32
        %parallel_loop3A_201 = arith.subi %parallel_loop3A_199, %parallel_loop3A_200 : i32
        %parallel_loop3A_202 = arith.index_cast %parallel_loop3A_199 : i32 to index
        %parallel_loop3A_203 = tpu.vector_load %arg12[%parallel_loop3A_202] {strides = array<i32>} : memref<16384xi32, #tpu.memory_space<vmem>>, vector<16xi32>,
        %parallel_loop3A_204 = arith.index_cast %parallel_loop3A_199 : i32 to index
        %parallel_loop3A_205 = tpu.vector_load %arg13[%parallel_loop3A_204] {strides = array<i32>} : memref<16384xi32, #tpu.memory_space<vmem>>, vector<16xi32>,
        %parallel_loop3A_206 = arith.constant 65535 : i32
        %parallel_loop3A_207 = vector.broadcast %parallel_loop3A_206 : i32 to vector<16xi32>
        %parallel_loop3A_208 = arith.andi %parallel_loop3A_203, %parallel_loop3A_207 : vector<16xi32>
        %parallel_loop3A_209 = arith.constant 65535 : i32
        %parallel_loop3A_210 = vector.broadcast %parallel_loop3A_209 : i32 to vector<16xi32>
        %parallel_loop3A_211 = arith.andi %parallel_loop3A_205, %parallel_loop3A_210 : vector<16xi32>
        %parallel_loop3A_212 = arith.constant 1 : i32
        %parallel_loop3A_213 = vector.broadcast %parallel_loop3A_212 : i32 to vector<16xi32>
        %parallel_loop3A_214 = arith.addi %parallel_loop3A_208, %parallel_loop3A_213 : vector<16xi32>
        %parallel_loop3A_215 = arith.constant 1 : i32
        %parallel_loop3A_216 = vector.broadcast %parallel_loop3A_215 : i32 to vector<16xi32>
        %parallel_loop3A_217 = arith.addi %parallel_loop3A_211, %parallel_loop3A_216 : vector<16xi32>
        %parallel_loop3A_218 = arith.constant -65536 : i32
        %parallel_loop3A_219 = vector.broadcast %parallel_loop3A_218 : i32 to vector<16xi32>
        %parallel_loop3A_220 = arith.andi %parallel_loop3A_203, %parallel_loop3A_219 : vector<16xi32>
        %parallel_loop3A_221 = tpu.bitcast %parallel_loop3A_220 : vector<16xi32> -> vector<16xf32>
        %parallel_loop3A_222 = arith.constant -65536 : i32
        %parallel_loop3A_223 = vector.broadcast %parallel_loop3A_222 : i32 to vector<16xi32>
        %parallel_loop3A_224 = arith.andi %parallel_loop3A_205, %parallel_loop3A_223 : vector<16xi32>
        %parallel_loop3A_225 = tpu.bitcast %parallel_loop3A_224 : vector<16xi32> -> vector<16xf32>
        %parallel_loop3A_226 = tpu.vector_load_idx %arg5[%parallel_loop3A_208] : memref<16384xf32, #tpu.memory_space<vmem>>[vector<16xi32>], vector<16xf32>,
        %parallel_loop3A_227 = tpu.vector_load_idx %arg5[%parallel_loop3A_214] : memref<16384xf32, #tpu.memory_space<vmem>>[vector<16xi32>], vector<16xf32>,
        %parallel_loop3A_228 = tpu.vector_load_idx %arg5[%parallel_loop3A_211] : memref<16384xf32, #tpu.memory_space<vmem>>[vector<16xi32>], vector<16xf32>,
        %parallel_loop3A_229 = tpu.vector_load_idx %arg5[%parallel_loop3A_217] : memref<16384xf32, #tpu.memory_space<vmem>>[vector<16xi32>], vector<16xf32>,
        %parallel_loop3A_230 = tpu.vector_load_idx %arg6[%parallel_loop3A_208] : memref<16384xf32, #tpu.memory_space<vmem>>[vector<16xi32>], vector<16xf32>,
        %parallel_loop3A_231 = tpu.vector_load_idx %arg6[%parallel_loop3A_214] : memref<16384xf32, #tpu.memory_space<vmem>>[vector<16xi32>], vector<16xf32>,
        %parallel_loop3A_232 = tpu.vector_load_idx %arg6[%parallel_loop3A_211] : memref<16384xf32, #tpu.memory_space<vmem>>[vector<16xi32>], vector<16xf32>,
        %parallel_loop3A_233 = tpu.vector_load_idx %arg6[%parallel_loop3A_217] : memref<16384xf32, #tpu.memory_space<vmem>>[vector<16xi32>], vector<16xf32>,
        %parallel_loop3A_234 = arith.subf %parallel_loop3A_227, %parallel_loop3A_226 : vector<16xf32>
        %parallel_loop3A_235 = arith.mulf %parallel_loop3A_234, %parallel_loop3A_221 : vector<16xf32>
        %parallel_loop3A_236 = arith.addf %parallel_loop3A_226, %parallel_loop3A_235 : vector<16xf32>
        %parallel_loop3A_237 = arith.subf %parallel_loop3A_229, %parallel_loop3A_228 : vector<16xf32>
        %parallel_loop3A_238 = arith.mulf %parallel_loop3A_237, %parallel_loop3A_225 : vector<16xf32>
        %parallel_loop3A_239 = arith.addf %parallel_loop3A_228, %parallel_loop3A_238 : vector<16xf32>
        %parallel_loop3A_240 = arith.subf %parallel_loop3A_231, %parallel_loop3A_230 : vector<16xf32>
        %parallel_loop3A_241 = arith.mulf %parallel_loop3A_240, %parallel_loop3A_221 : vector<16xf32>
        %parallel_loop3A_242 = arith.addf %parallel_loop3A_230, %parallel_loop3A_241 : vector<16xf32>
        %parallel_loop3A_243 = arith.subf %parallel_loop3A_233, %parallel_loop3A_232 : vector<16xf32>
        %parallel_loop3A_244 = arith.mulf %parallel_loop3A_243, %parallel_loop3A_225 : vector<16xf32>
        %parallel_loop3A_245 = arith.addf %parallel_loop3A_232, %parallel_loop3A_244 : vector<16xf32>
        %parallel_loop3A_246 = arith.constant 1.000000e+00 : f32
        %parallel_loop3A_247 = vector.broadcast %parallel_loop3A_246 : f32 to vector<16xf32>
        %parallel_loop3A_248 = arith.subf %parallel_loop3A_247, %parallel_loop3A_236 : vector<16xf32>
        %parallel_loop3A_249 = arith.constant 1.000000e+00 : f32
        %parallel_loop3A_250 = vector.broadcast %parallel_loop3A_249 : f32 to vector<16xf32>
        %parallel_loop3A_251 = arith.subf %parallel_loop3A_250, %parallel_loop3A_239 : vector<16xf32>
        %parallel_loop3A_252 = arith.mulf %parallel_loop3A_248, %parallel_loop3A_251 : vector<16xf32>
        %parallel_loop3A_253 = arith.constant 0 : i32
        %parallel_loop3A_254 = arith.index_cast %parallel_loop3A_253 : i32 to index
        %parallel_loop3A_255 = arith.index_cast %parallel_loop3A_201 : i32 to index
        %parallel_loop3A_256 = tpu.vector_load %arg10[%parallel_loop3A_254, %parallel_loop3A_255] {strides = array<i32>} : memref<2x4096xf32, #tpu.memory_space<vmem>>, vector<16xf32>,
        tpu.vector_store %arg10[%parallel_loop3A_254, %parallel_loop3A_255], %parallel_loop3A_252 {strides = array<i32>} : memref<2x4096xf32, #tpu.memory_space<vmem>>, vector<16xf32>,
        %parallel_loop3A_257 = arith.constant 1.000000e+00 : f32
        %parallel_loop3A_258 = vector.broadcast %parallel_loop3A_257 : f32 to vector<16xf32>
        %parallel_loop3A_259 = arith.subf %parallel_loop3A_258, %parallel_loop3A_242 : vector<16xf32>
        %parallel_loop3A_260 = arith.constant 1.000000e+00 : f32
        %parallel_loop3A_261 = vector.broadcast %parallel_loop3A_260 : f32 to vector<16xf32>
        %parallel_loop3A_262 = arith.subf %parallel_loop3A_261, %parallel_loop3A_245 : vector<16xf32>
        %parallel_loop3A_263 = arith.mulf %parallel_loop3A_259, %parallel_loop3A_262 : vector<16xf32>
        %parallel_loop3A_264 = arith.constant 1 : i32
        %parallel_loop3A_265 = arith.index_cast %parallel_loop3A_264 : i32 to index
        %parallel_loop3A_266 = arith.index_cast %parallel_loop3A_201 : i32 to index
        %parallel_loop3A_267 = tpu.vector_load %arg10[%parallel_loop3A_265, %parallel_loop3A_266] {strides = array<i32>} : memref<2x4096xf32, #tpu.memory_space<vmem>>, vector<16xf32>,
        tpu.vector_store %arg10[%parallel_loop3A_265, %parallel_loop3A_266], %parallel_loop3A_263 {strides = array<i32>} : memref<2x4096xf32, #tpu.memory_space<vmem>>, vector<16xf32>,
      } {sc.loop_unroll_factor = 2 : i64, sc.parallel_access}
      %dma_start3A_97 = arith.constant 4096 : i32
      %dma_start3A_98 = tpu.memref_slice %arg4[%add3A_61, %dma_start3A_97] : memref<1024x16384xf32, #tpu.memory_space<hbm>> -> memref<2x4096xf32, #tpu.memory_space<hbm>>
      %dma_start3A_99 = arith.constant 4096 : i32
      %dma_start3A_100 = tpu.memref_slice %arg4[%add3A_61, %dma_start3A_99] : memref<1024x16384xf32, #tpu.memory_space<hbm>> -> memref<2x4096xf32, #tpu.memory_space<hbm>>
      tpu.enqueue_dma source(%arg10 : memref<2x4096xf32, #tpu.memory_space<vmem>>) target(%dma_start3A_100 : memref<2x4096xf32, #tpu.memory_space<hbm>>) target_semaphore(%arg19 : memref<!tpu.dma_semaphore, #tpu.memory_space<semaphore_mem>>)
      %gt3A_101 = arith.constant 0 : i32
      %gt3A_102 = arith.cmpi sgt, %mul3A_58, %gt3A_101 : i32
      %convert_element_type3A_103 = arith.extui %gt3A_102 : i1 to i32
      %cond3A_104 = arith.constant 0 : i32
      %cond3A_105 = arith.cmpi ne, %convert_element_type3A_103, %cond3A_104 : i32
      scf.if %cond3A_105 {
        %dma_wait3A_197 = arith.constant 0 : i32
        %dma_wait3A_198 = tpu.memref_slice %arg4[%mul3A_24, %dma_wait3A_197] : memref<1024x16384xf32, #tpu.memory_space<hbm>> -> memref<2x4096xf32, #tpu.memory_space<hbm>>
        %dma_wait3A_199 = arith.constant 0 : i32
        %dma_wait3A_200 = tpu.memref_slice %arg4[%mul3A_24, %dma_wait3A_199] : memref<1024x16384xf32, #tpu.memory_space<hbm>> -> memref<2x4096xf32, #tpu.memory_space<hbm>>
        tpu.wait_dma2 semaphore(%arg20 : memref<!tpu.dma_semaphore, #tpu.memory_space<semaphore_mem>>) src(%arg11 : memref<2x4096xf32, #tpu.memory_space<vmem>>) dst(%dma_wait3A_200 : memref<2x4096xf32, #tpu.memory_space<hbm>>)
      } else {
      }
      %parallel_loop3A_106 = arith.constant 512 : i32
      %parallel_loop3A_107 = arith.constant 768 : i32
      %parallel_loop3A_108 = arith.constant 1 : i32
      scf.for %parallel_loop3A_197 = %parallel_loop3A_106 to %parallel_loop3A_107 step %parallel_loop3A_108  : i32 {
        %parallel_loop3A_198 = arith.constant 16 : i32
        %parallel_loop3A_199 = arith.muli %parallel_loop3A_197, %parallel_loop3A_198 : i32
        %parallel_loop3A_200 = arith.constant 8192 : i32
        %parallel_loop3A_201 = arith.subi %parallel_loop3A_199, %parallel_loop3A_200 : i32
        %parallel_loop3A_202 = arith.index_cast %parallel_loop3A_199 : i32 to index
        %parallel_loop3A_203 = tpu.vector_load %arg12[%parallel_loop3A_202] {strides = array<i32>} : memref<16384xi32, #tpu.memory_space<vmem>>, vector<16xi32>,
        %parallel_loop3A_204 = arith.index_cast %parallel_loop3A_199 : i32 to index
        %parallel_loop3A_205 = tpu.vector_load %arg13[%parallel_loop3A_204] {strides = array<i32>} : memref<16384xi32, #tpu.memory_space<vmem>>, vector<16xi32>,
        %parallel_loop3A_206 = arith.constant 65535 : i32
        %parallel_loop3A_207 = vector.broadcast %parallel_loop3A_206 : i32 to vector<16xi32>
        %parallel_loop3A_208 = arith.andi %parallel_loop3A_203, %parallel_loop3A_207 : vector<16xi32>
        %parallel_loop3A_209 = arith.constant 65535 : i32
        %parallel_loop3A_210 = vector.broadcast %parallel_loop3A_209 : i32 to vector<16xi32>
        %parallel_loop3A_211 = arith.andi %parallel_loop3A_205, %parallel_loop3A_210 : vector<16xi32>
        %parallel_loop3A_212 = arith.constant 1 : i32
        %parallel_loop3A_213 = vector.broadcast %parallel_loop3A_212 : i32 to vector<16xi32>
        %parallel_loop3A_214 = arith.addi %parallel_loop3A_208, %parallel_loop3A_213 : vector<16xi32>
        %parallel_loop3A_215 = arith.constant 1 : i32
        %parallel_loop3A_216 = vector.broadcast %parallel_loop3A_215 : i32 to vector<16xi32>
        %parallel_loop3A_217 = arith.addi %parallel_loop3A_211, %parallel_loop3A_216 : vector<16xi32>
        %parallel_loop3A_218 = arith.constant -65536 : i32
        %parallel_loop3A_219 = vector.broadcast %parallel_loop3A_218 : i32 to vector<16xi32>
        %parallel_loop3A_220 = arith.andi %parallel_loop3A_203, %parallel_loop3A_219 : vector<16xi32>
        %parallel_loop3A_221 = tpu.bitcast %parallel_loop3A_220 : vector<16xi32> -> vector<16xf32>
        %parallel_loop3A_222 = arith.constant -65536 : i32
        %parallel_loop3A_223 = vector.broadcast %parallel_loop3A_222 : i32 to vector<16xi32>
        %parallel_loop3A_224 = arith.andi %parallel_loop3A_205, %parallel_loop3A_223 : vector<16xi32>
        %parallel_loop3A_225 = tpu.bitcast %parallel_loop3A_224 : vector<16xi32> -> vector<16xf32>
        %parallel_loop3A_226 = tpu.vector_load_idx %arg5[%parallel_loop3A_208] : memref<16384xf32, #tpu.memory_space<vmem>>[vector<16xi32>], vector<16xf32>,
        %parallel_loop3A_227 = tpu.vector_load_idx %arg5[%parallel_loop3A_214] : memref<16384xf32, #tpu.memory_space<vmem>>[vector<16xi32>], vector<16xf32>,
        %parallel_loop3A_228 = tpu.vector_load_idx %arg5[%parallel_loop3A_211] : memref<16384xf32, #tpu.memory_space<vmem>>[vector<16xi32>], vector<16xf32>,
        %parallel_loop3A_229 = tpu.vector_load_idx %arg5[%parallel_loop3A_217] : memref<16384xf32, #tpu.memory_space<vmem>>[vector<16xi32>], vector<16xf32>,
        %parallel_loop3A_230 = tpu.vector_load_idx %arg6[%parallel_loop3A_208] : memref<16384xf32, #tpu.memory_space<vmem>>[vector<16xi32>], vector<16xf32>,
        %parallel_loop3A_231 = tpu.vector_load_idx %arg6[%parallel_loop3A_214] : memref<16384xf32, #tpu.memory_space<vmem>>[vector<16xi32>], vector<16xf32>,
        %parallel_loop3A_232 = tpu.vector_load_idx %arg6[%parallel_loop3A_211] : memref<16384xf32, #tpu.memory_space<vmem>>[vector<16xi32>], vector<16xf32>,
        %parallel_loop3A_233 = tpu.vector_load_idx %arg6[%parallel_loop3A_217] : memref<16384xf32, #tpu.memory_space<vmem>>[vector<16xi32>], vector<16xf32>,
        %parallel_loop3A_234 = arith.subf %parallel_loop3A_227, %parallel_loop3A_226 : vector<16xf32>
        %parallel_loop3A_235 = arith.mulf %parallel_loop3A_234, %parallel_loop3A_221 : vector<16xf32>
        %parallel_loop3A_236 = arith.addf %parallel_loop3A_226, %parallel_loop3A_235 : vector<16xf32>
        %parallel_loop3A_237 = arith.subf %parallel_loop3A_229, %parallel_loop3A_228 : vector<16xf32>
        %parallel_loop3A_238 = arith.mulf %parallel_loop3A_237, %parallel_loop3A_225 : vector<16xf32>
        %parallel_loop3A_239 = arith.addf %parallel_loop3A_228, %parallel_loop3A_238 : vector<16xf32>
        %parallel_loop3A_240 = arith.subf %parallel_loop3A_231, %parallel_loop3A_230 : vector<16xf32>
        %parallel_loop3A_241 = arith.mulf %parallel_loop3A_240, %parallel_loop3A_221 : vector<16xf32>
        %parallel_loop3A_242 = arith.addf %parallel_loop3A_230, %parallel_loop3A_241 : vector<16xf32>
        %parallel_loop3A_243 = arith.subf %parallel_loop3A_233, %parallel_loop3A_232 : vector<16xf32>
        %parallel_loop3A_244 = arith.mulf %parallel_loop3A_243, %parallel_loop3A_225 : vector<16xf32>
        %parallel_loop3A_245 = arith.addf %parallel_loop3A_232, %parallel_loop3A_244 : vector<16xf32>
        %parallel_loop3A_246 = arith.constant 1.000000e+00 : f32
        %parallel_loop3A_247 = vector.broadcast %parallel_loop3A_246 : f32 to vector<16xf32>
        %parallel_loop3A_248 = arith.subf %parallel_loop3A_247, %parallel_loop3A_236 : vector<16xf32>
        %parallel_loop3A_249 = arith.constant 1.000000e+00 : f32
        %parallel_loop3A_250 = vector.broadcast %parallel_loop3A_249 : f32 to vector<16xf32>
        %parallel_loop3A_251 = arith.subf %parallel_loop3A_250, %parallel_loop3A_239 : vector<16xf32>
        %parallel_loop3A_252 = arith.mulf %parallel_loop3A_248, %parallel_loop3A_251 : vector<16xf32>
        %parallel_loop3A_253 = arith.constant 0 : i32
        %parallel_loop3A_254 = arith.index_cast %parallel_loop3A_253 : i32 to index
        %parallel_loop3A_255 = arith.index_cast %parallel_loop3A_201 : i32 to index
        %parallel_loop3A_256 = tpu.vector_load %arg11[%parallel_loop3A_254, %parallel_loop3A_255] {strides = array<i32>} : memref<2x4096xf32, #tpu.memory_space<vmem>>, vector<16xf32>,
        tpu.vector_store %arg11[%parallel_loop3A_254, %parallel_loop3A_255], %parallel_loop3A_252 {strides = array<i32>} : memref<2x4096xf32, #tpu.memory_space<vmem>>, vector<16xf32>,
        %parallel_loop3A_257 = arith.constant 1.000000e+00 : f32
        %parallel_loop3A_258 = vector.broadcast %parallel_loop3A_257 : f32 to vector<16xf32>
        %parallel_loop3A_259 = arith.subf %parallel_loop3A_258, %parallel_loop3A_242 : vector<16xf32>
        %parallel_loop3A_260 = arith.constant 1.000000e+00 : f32
        %parallel_loop3A_261 = vector.broadcast %parallel_loop3A_260 : f32 to vector<16xf32>
        %parallel_loop3A_262 = arith.subf %parallel_loop3A_261, %parallel_loop3A_245 : vector<16xf32>
        %parallel_loop3A_263 = arith.mulf %parallel_loop3A_259, %parallel_loop3A_262 : vector<16xf32>
        %parallel_loop3A_264 = arith.constant 1 : i32
        %parallel_loop3A_265 = arith.index_cast %parallel_loop3A_264 : i32 to index
        %parallel_loop3A_266 = arith.index_cast %parallel_loop3A_201 : i32 to index
        %parallel_loop3A_267 = tpu.vector_load %arg11[%parallel_loop3A_265, %parallel_loop3A_266] {strides = array<i32>} : memref<2x4096xf32, #tpu.memory_space<vmem>>, vector<16xf32>,
        tpu.vector_store %arg11[%parallel_loop3A_265, %parallel_loop3A_266], %parallel_loop3A_263 {strides = array<i32>} : memref<2x4096xf32, #tpu.memory_space<vmem>>, vector<16xf32>,
      } {sc.loop_unroll_factor = 2 : i64, sc.parallel_access}
      %dma_start3A_109 = arith.constant 8192 : i32
      %dma_start3A_110 = tpu.memref_slice %arg4[%add3A_61, %dma_start3A_109] : memref<1024x16384xf32, #tpu.memory_space<hbm>> -> memref<2x4096xf32, #tpu.memory_space<hbm>>
      %dma_start3A_111 = arith.constant 8192 : i32
      %dma_start3A_112 = tpu.memref_slice %arg4[%add3A_61, %dma_start3A_111] : memref<1024x16384xf32, #tpu.memory_space<hbm>> -> memref<2x4096xf32, #tpu.memory_space<hbm>>
      tpu.enqueue_dma source(%arg11 : memref<2x4096xf32, #tpu.memory_space<vmem>>) target(%dma_start3A_112 : memref<2x4096xf32, #tpu.memory_space<hbm>>) target_semaphore(%arg20 : memref<!tpu.dma_semaphore, #tpu.memory_space<semaphore_mem>>)
      %dma_wait3A_113 = arith.constant 0 : i32
      %dma_wait3A_114 = tpu.memref_slice %arg4[%mul3A_24, %dma_wait3A_113] : memref<1024x16384xf32, #tpu.memory_space<hbm>> -> memref<2x4096xf32, #tpu.memory_space<hbm>>
      %dma_wait3A_115 = arith.constant 0 : i32
      %dma_wait3A_116 = tpu.memref_slice %arg4[%mul3A_24, %dma_wait3A_115] : memref<1024x16384xf32, #tpu.memory_space<hbm>> -> memref<2x4096xf32, #tpu.memory_space<hbm>>
      tpu.wait_dma2 semaphore(%arg18 : memref<!tpu.dma_semaphore, #tpu.memory_space<semaphore_mem>>) src(%arg9 : memref<2x4096xf32, #tpu.memory_space<vmem>>) dst(%dma_wait3A_116 : memref<2x4096xf32, #tpu.memory_space<hbm>>)
      %parallel_loop3A_117 = arith.constant 768 : i32
      %parallel_loop3A_118 = arith.constant 1024 : i32
      %parallel_loop3A_119 = arith.constant 1 : i32
      scf.for %parallel_loop3A_197 = %parallel_loop3A_117 to %parallel_loop3A_118 step %parallel_loop3A_119  : i32 {
        %parallel_loop3A_198 = arith.constant 16 : i32
        %parallel_loop3A_199 = arith.muli %parallel_loop3A_197, %parallel_loop3A_198 : i32
        %parallel_loop3A_200 = arith.constant 12288 : i32
        %parallel_loop3A_201 = arith.subi %parallel_loop3A_199, %parallel_loop3A_200 : i32
        %parallel_loop3A_202 = arith.index_cast %parallel_loop3A_199 : i32 to index
        %parallel_loop3A_203 = tpu.vector_load %arg12[%parallel_loop3A_202] {strides = array<i32>} : memref<16384xi32, #tpu.memory_space<vmem>>, vector<16xi32>,
        %parallel_loop3A_204 = arith.index_cast %parallel_loop3A_199 : i32 to index
        %parallel_loop3A_205 = tpu.vector_load %arg13[%parallel_loop3A_204] {strides = array<i32>} : memref<16384xi32, #tpu.memory_space<vmem>>, vector<16xi32>,
        %parallel_loop3A_206 = arith.constant 65535 : i32
        %parallel_loop3A_207 = vector.broadcast %parallel_loop3A_206 : i32 to vector<16xi32>
        %parallel_loop3A_208 = arith.andi %parallel_loop3A_203, %parallel_loop3A_207 : vector<16xi32>
        %parallel_loop3A_209 = arith.constant 65535 : i32
        %parallel_loop3A_210 = vector.broadcast %parallel_loop3A_209 : i32 to vector<16xi32>
        %parallel_loop3A_211 = arith.andi %parallel_loop3A_205, %parallel_loop3A_210 : vector<16xi32>
        %parallel_loop3A_212 = arith.constant 1 : i32
        %parallel_loop3A_213 = vector.broadcast %parallel_loop3A_212 : i32 to vector<16xi32>
        %parallel_loop3A_214 = arith.addi %parallel_loop3A_208, %parallel_loop3A_213 : vector<16xi32>
        %parallel_loop3A_215 = arith.constant 1 : i32
        %parallel_loop3A_216 = vector.broadcast %parallel_loop3A_215 : i32 to vector<16xi32>
        %parallel_loop3A_217 = arith.addi %parallel_loop3A_211, %parallel_loop3A_216 : vector<16xi32>
        %parallel_loop3A_218 = arith.constant -65536 : i32
        %parallel_loop3A_219 = vector.broadcast %parallel_loop3A_218 : i32 to vector<16xi32>
        %parallel_loop3A_220 = arith.andi %parallel_loop3A_203, %parallel_loop3A_219 : vector<16xi32>
        %parallel_loop3A_221 = tpu.bitcast %parallel_loop3A_220 : vector<16xi32> -> vector<16xf32>
        %parallel_loop3A_222 = arith.constant -65536 : i32
        %parallel_loop3A_223 = vector.broadcast %parallel_loop3A_222 : i32 to vector<16xi32>
        %parallel_loop3A_224 = arith.andi %parallel_loop3A_205, %parallel_loop3A_223 : vector<16xi32>
        %parallel_loop3A_225 = tpu.bitcast %parallel_loop3A_224 : vector<16xi32> -> vector<16xf32>
        %parallel_loop3A_226 = tpu.vector_load_idx %arg5[%parallel_loop3A_208] : memref<16384xf32, #tpu.memory_space<vmem>>[vector<16xi32>], vector<16xf32>,
        %parallel_loop3A_227 = tpu.vector_load_idx %arg5[%parallel_loop3A_214] : memref<16384xf32, #tpu.memory_space<vmem>>[vector<16xi32>], vector<16xf32>,
        %parallel_loop3A_228 = tpu.vector_load_idx %arg5[%parallel_loop3A_211] : memref<16384xf32, #tpu.memory_space<vmem>>[vector<16xi32>], vector<16xf32>,
        %parallel_loop3A_229 = tpu.vector_load_idx %arg5[%parallel_loop3A_217] : memref<16384xf32, #tpu.memory_space<vmem>>[vector<16xi32>], vector<16xf32>,
        %parallel_loop3A_230 = tpu.vector_load_idx %arg6[%parallel_loop3A_208] : memref<16384xf32, #tpu.memory_space<vmem>>[vector<16xi32>], vector<16xf32>,
        %parallel_loop3A_231 = tpu.vector_load_idx %arg6[%parallel_loop3A_214] : memref<16384xf32, #tpu.memory_space<vmem>>[vector<16xi32>], vector<16xf32>,
        %parallel_loop3A_232 = tpu.vector_load_idx %arg6[%parallel_loop3A_211] : memref<16384xf32, #tpu.memory_space<vmem>>[vector<16xi32>], vector<16xf32>,
        %parallel_loop3A_233 = tpu.vector_load_idx %arg6[%parallel_loop3A_217] : memref<16384xf32, #tpu.memory_space<vmem>>[vector<16xi32>], vector<16xf32>,
        %parallel_loop3A_234 = arith.subf %parallel_loop3A_227, %parallel_loop3A_226 : vector<16xf32>
        %parallel_loop3A_235 = arith.mulf %parallel_loop3A_234, %parallel_loop3A_221 : vector<16xf32>
        %parallel_loop3A_236 = arith.addf %parallel_loop3A_226, %parallel_loop3A_235 : vector<16xf32>
        %parallel_loop3A_237 = arith.subf %parallel_loop3A_229, %parallel_loop3A_228 : vector<16xf32>
        %parallel_loop3A_238 = arith.mulf %parallel_loop3A_237, %parallel_loop3A_225 : vector<16xf32>
        %parallel_loop3A_239 = arith.addf %parallel_loop3A_228, %parallel_loop3A_238 : vector<16xf32>
        %parallel_loop3A_240 = arith.subf %parallel_loop3A_231, %parallel_loop3A_230 : vector<16xf32>
        %parallel_loop3A_241 = arith.mulf %parallel_loop3A_240, %parallel_loop3A_221 : vector<16xf32>
        %parallel_loop3A_242 = arith.addf %parallel_loop3A_230, %parallel_loop3A_241 : vector<16xf32>
        %parallel_loop3A_243 = arith.subf %parallel_loop3A_233, %parallel_loop3A_232 : vector<16xf32>
        %parallel_loop3A_244 = arith.mulf %parallel_loop3A_243, %parallel_loop3A_225 : vector<16xf32>
        %parallel_loop3A_245 = arith.addf %parallel_loop3A_232, %parallel_loop3A_244 : vector<16xf32>
        %parallel_loop3A_246 = arith.constant 1.000000e+00 : f32
        %parallel_loop3A_247 = vector.broadcast %parallel_loop3A_246 : f32 to vector<16xf32>
        %parallel_loop3A_248 = arith.subf %parallel_loop3A_247, %parallel_loop3A_236 : vector<16xf32>
        %parallel_loop3A_249 = arith.constant 1.000000e+00 : f32
        %parallel_loop3A_250 = vector.broadcast %parallel_loop3A_249 : f32 to vector<16xf32>
        %parallel_loop3A_251 = arith.subf %parallel_loop3A_250, %parallel_loop3A_239 : vector<16xf32>
        %parallel_loop3A_252 = arith.mulf %parallel_loop3A_248, %parallel_loop3A_251 : vector<16xf32>
        %parallel_loop3A_253 = arith.constant 0 : i32
        %parallel_loop3A_254 = arith.index_cast %parallel_loop3A_253 : i32 to index
        %parallel_loop3A_255 = arith.index_cast %parallel_loop3A_201 : i32 to index
        %parallel_loop3A_256 = tpu.vector_load %arg9[%parallel_loop3A_254, %parallel_loop3A_255] {strides = array<i32>} : memref<2x4096xf32, #tpu.memory_space<vmem>>, vector<16xf32>,
        tpu.vector_store %arg9[%parallel_loop3A_254, %parallel_loop3A_255], %parallel_loop3A_252 {strides = array<i32>} : memref<2x4096xf32, #tpu.memory_space<vmem>>, vector<16xf32>,
        %parallel_loop3A_257 = arith.constant 1.000000e+00 : f32
        %parallel_loop3A_258 = vector.broadcast %parallel_loop3A_257 : f32 to vector<16xf32>
        %parallel_loop3A_259 = arith.subf %parallel_loop3A_258, %parallel_loop3A_242 : vector<16xf32>
        %parallel_loop3A_260 = arith.constant 1.000000e+00 : f32
        %parallel_loop3A_261 = vector.broadcast %parallel_loop3A_260 : f32 to vector<16xf32>
        %parallel_loop3A_262 = arith.subf %parallel_loop3A_261, %parallel_loop3A_245 : vector<16xf32>
        %parallel_loop3A_263 = arith.mulf %parallel_loop3A_259, %parallel_loop3A_262 : vector<16xf32>
        %parallel_loop3A_264 = arith.constant 1 : i32
        %parallel_loop3A_265 = arith.index_cast %parallel_loop3A_264 : i32 to index
        %parallel_loop3A_266 = arith.index_cast %parallel_loop3A_201 : i32 to index
        %parallel_loop3A_267 = tpu.vector_load %arg9[%parallel_loop3A_265, %parallel_loop3A_266] {strides = array<i32>} : memref<2x4096xf32, #tpu.memory_space<vmem>>, vector<16xf32>,
        tpu.vector_store %arg9[%parallel_loop3A_265, %parallel_loop3A_266], %parallel_loop3A_263 {strides = array<i32>} : memref<2x4096xf32, #tpu.memory_space<vmem>>, vector<16xf32>,
      } {sc.loop_unroll_factor = 2 : i64, sc.parallel_access}
      %dma_start3A_120 = arith.constant 12288 : i32
      %dma_start3A_121 = tpu.memref_slice %arg4[%add3A_61, %dma_start3A_120] : memref<1024x16384xf32, #tpu.memory_space<hbm>> -> memref<2x4096xf32, #tpu.memory_space<hbm>>
      %dma_start3A_122 = arith.constant 12288 : i32
      %dma_start3A_123 = tpu.memref_slice %arg4[%add3A_61, %dma_start3A_122] : memref<1024x16384xf32, #tpu.memory_space<hbm>> -> memref<2x4096xf32, #tpu.memory_space<hbm>>
      tpu.enqueue_dma source(%arg9 : memref<2x4096xf32, #tpu.memory_space<vmem>>) target(%dma_start3A_123 : memref<2x4096xf32, #tpu.memory_space<hbm>>) target_semaphore(%arg18 : memref<!tpu.dma_semaphore, #tpu.memory_space<semaphore_mem>>)
      %mul3A_124 = arith.constant 2 : i32
      %mul3A_125 = arith.muli %mul3A_124, %scan3A_56 : i32
      %add3A_126 = arith.constant 1 : i32
      %add3A_127 = arith.addi %mul3A_125, %add3A_126 : i32
      %mul3A_128 = arith.constant 2 : i32
      %mul3A_129 = arith.muli %mul3A_128, %add3A_127 : i32
      %add3A_130 = arith.addi %mul3A_24, %mul3A_129 : i32
      %add3A_131 = arith.constant 1 : i32
      %add3A_132 = arith.addi %add3A_130, %add3A_131 : i32
      %dma_wait3A_133 = arith.constant 0 : i32
      %dma_wait3A_134 = tpu.memref_slice %arg2[%add3A_130, %dma_wait3A_133] : memref<1024x16384xf32, #tpu.memory_space<hbm>> -> memref<1x16384xf32, #tpu.memory_space<hbm>>
      %dma_wait3A_135 = tpu.memref_squeeze %dma_wait3A_134 : memref<1x16384xf32, #tpu.memory_space<hbm>> -> memref<16384xf32, #tpu.memory_space<hbm>>
      %dma_wait3A_136 = arith.constant 0 : i32
      %dma_wait3A_137 = tpu.memref_slice %arg2[%add3A_130, %dma_wait3A_136] : memref<1024x16384xf32, #tpu.memory_space<hbm>> -> memref<1x16384xf32, #tpu.memory_space<hbm>>
      %dma_wait3A_138 = tpu.memref_squeeze %dma_wait3A_137 : memref<1x16384xf32, #tpu.memory_space<hbm>> -> memref<16384xf32, #tpu.memory_space<hbm>>
      tpu.wait_dma2 semaphore(%arg16 : memref<!tpu.dma_semaphore, #tpu.memory_space<semaphore_mem>>) src(%dma_wait3A_138 : memref<16384xf32, #tpu.memory_space<hbm>>) dst(%arg7 : memref<16384xf32, #tpu.memory_space<vmem>>)
      %dma_wait3A_139 = arith.constant 0 : i32
      %dma_wait3A_140 = tpu.memref_slice %arg2[%add3A_132, %dma_wait3A_139] : memref<1024x16384xf32, #tpu.memory_space<hbm>> -> memref<1x16384xf32, #tpu.memory_space<hbm>>
      %dma_wait3A_141 = tpu.memref_squeeze %dma_wait3A_140 : memref<1x16384xf32, #tpu.memory_space<hbm>> -> memref<16384xf32, #tpu.memory_space<hbm>>
      %dma_wait3A_142 = arith.constant 0 : i32
      %dma_wait3A_143 = tpu.memref_slice %arg2[%add3A_132, %dma_wait3A_142] : memref<1024x16384xf32, #tpu.memory_space<hbm>> -> memref<1x16384xf32, #tpu.memory_space<hbm>>
      %dma_wait3A_144 = tpu.memref_squeeze %dma_wait3A_143 : memref<1x16384xf32, #tpu.memory_space<hbm>> -> memref<16384xf32, #tpu.memory_space<hbm>>
      tpu.wait_dma2 semaphore(%arg17 : memref<!tpu.dma_semaphore, #tpu.memory_space<semaphore_mem>>) src(%dma_wait3A_144 : memref<16384xf32, #tpu.memory_space<hbm>>) dst(%arg8 : memref<16384xf32, #tpu.memory_space<vmem>>)
      %lt3A_145 = arith.constant 15 : i32
      %lt3A_146 = arith.cmpi slt, %add3A_127, %lt3A_145 : i32
      %convert_element_type3A_147 = arith.extui %lt3A_146 : i1 to i32
      %cond3A_148 = arith.constant 0 : i32
      %cond3A_149 = arith.cmpi ne, %convert_element_type3A_147, %cond3A_148 : i32
      scf.if %cond3A_149 {
        %add3A_197 = arith.constant 2 : i32
        %add3A_198 = arith.addi %add3A_130, %add3A_197 : i32
        %dma_start3A_199 = arith.constant 0 : i32
        %dma_start3A_200 = tpu.memref_slice %arg2[%add3A_198, %dma_start3A_199] : memref<1024x16384xf32, #tpu.memory_space<hbm>> -> memref<1x16384xf32, #tpu.memory_space<hbm>>
        %dma_start3A_201 = tpu.memref_squeeze %dma_start3A_200 : memref<1x16384xf32, #tpu.memory_space<hbm>> -> memref<16384xf32, #tpu.memory_space<hbm>>
        %dma_start3A_202 = arith.constant 0 : i32
        %dma_start3A_203 = tpu.memref_slice %arg2[%add3A_198, %dma_start3A_202] : memref<1024x16384xf32, #tpu.memory_space<hbm>> -> memref<1x16384xf32, #tpu.memory_space<hbm>>
        %dma_start3A_204 = tpu.memref_squeeze %dma_start3A_203 : memref<1x16384xf32, #tpu.memory_space<hbm>> -> memref<16384xf32, #tpu.memory_space<hbm>>
        tpu.enqueue_dma source(%dma_start3A_204 : memref<16384xf32, #tpu.memory_space<hbm>>) target(%arg5 : memref<16384xf32, #tpu.memory_space<vmem>>) target_semaphore(%arg14 : memref<!tpu.dma_semaphore, #tpu.memory_space<semaphore_mem>>)
        %add3A_205 = arith.constant 2 : i32
        %add3A_206 = arith.addi %add3A_132, %add3A_205 : i32
        %dma_start3A_207 = arith.constant 0 : i32
        %dma_start3A_208 = tpu.memref_slice %arg2[%add3A_206, %dma_start3A_207] : memref<1024x16384xf32, #tpu.memory_space<hbm>> -> memref<1x16384xf32, #tpu.memory_space<hbm>>
        %dma_start3A_209 = tpu.memref_squeeze %dma_start3A_208 : memref<1x16384xf32, #tpu.memory_space<hbm>> -> memref<16384xf32, #tpu.memory_space<hbm>>
        %dma_start3A_210 = arith.constant 0 : i32
        %dma_start3A_211 = tpu.memref_slice %arg2[%add3A_206, %dma_start3A_210] : memref<1024x16384xf32, #tpu.memory_space<hbm>> -> memref<1x16384xf32, #tpu.memory_space<hbm>>
        %dma_start3A_212 = tpu.memref_squeeze %dma_start3A_211 : memref<1x16384xf32, #tpu.memory_space<hbm>> -> memref<16384xf32, #tpu.memory_space<hbm>>
        tpu.enqueue_dma source(%dma_start3A_212 : memref<16384xf32, #tpu.memory_space<hbm>>) target(%arg6 : memref<16384xf32, #tpu.memory_space<vmem>>) target_semaphore(%arg15 : memref<!tpu.dma_semaphore, #tpu.memory_space<semaphore_mem>>)
      } else {
      }
      %gt3A_150 = arith.constant 0 : i32
      %gt3A_151 = arith.cmpi sgt, %add3A_127, %gt3A_150 : i32
      %convert_element_type3A_152 = arith.extui %gt3A_151 : i1 to i32
      %cond3A_153 = arith.constant 0 : i32
      %cond3A_154 = arith.cmpi ne, %convert_element_type3A_152, %cond3A_153 : i32
      scf.if %cond3A_154 {
        %dma_wait3A_197 = arith.constant 0 : i32
        %dma_wait3A_198 = tpu.memref_slice %arg4[%mul3A_24, %dma_wait3A_197] : memref<1024x16384xf32, #tpu.memory_space<hbm>> -> memref<2x4096xf32, #tpu.memory_space<hbm>>
        %dma_wait3A_199 = arith.constant 0 : i32
        %dma_wait3A_200 = tpu.memref_slice %arg4[%mul3A_24, %dma_wait3A_199] : memref<1024x16384xf32, #tpu.memory_space<hbm>> -> memref<2x4096xf32, #tpu.memory_space<hbm>>
        tpu.wait_dma2 semaphore(%arg18 : memref<!tpu.dma_semaphore, #tpu.memory_space<semaphore_mem>>) src(%arg9 : memref<2x4096xf32, #tpu.memory_space<vmem>>) dst(%dma_wait3A_200 : memref<2x4096xf32, #tpu.memory_space<hbm>>)
      } else {
      }
      %parallel_loop3A_155 = arith.constant 0 : i32
      %parallel_loop3A_156 = arith.constant 256 : i32
      %parallel_loop3A_157 = arith.constant 1 : i32
      scf.for %parallel_loop3A_197 = %parallel_loop3A_155 to %parallel_loop3A_156 step %parallel_loop3A_157  : i32 {
        %parallel_loop3A_198 = arith.constant 16 : i32
        %parallel_loop3A_199 = arith.muli %parallel_loop3A_197, %parallel_loop3A_198 : i32
        %parallel_loop3A_200 = arith.constant 0 : i32
        %parallel_loop3A_201 = arith.subi %parallel_loop3A_199, %parallel_loop3A_200 : i32
        %parallel_loop3A_202 = arith.index_cast %parallel_loop3A_199 : i32 to index
        %parallel_loop3A_203 = tpu.vector_load %arg12[%parallel_loop3A_202] {strides = array<i32>} : memref<16384xi32, #tpu.memory_space<vmem>>, vector<16xi32>,
        %parallel_loop3A_204 = arith.index_cast %parallel_loop3A_199 : i32 to index
        %parallel_loop3A_205 = tpu.vector_load %arg13[%parallel_loop3A_204] {strides = array<i32>} : memref<16384xi32, #tpu.memory_space<vmem>>, vector<16xi32>,
        %parallel_loop3A_206 = arith.constant 65535 : i32
        %parallel_loop3A_207 = vector.broadcast %parallel_loop3A_206 : i32 to vector<16xi32>
        %parallel_loop3A_208 = arith.andi %parallel_loop3A_203, %parallel_loop3A_207 : vector<16xi32>
        %parallel_loop3A_209 = arith.constant 65535 : i32
        %parallel_loop3A_210 = vector.broadcast %parallel_loop3A_209 : i32 to vector<16xi32>
        %parallel_loop3A_211 = arith.andi %parallel_loop3A_205, %parallel_loop3A_210 : vector<16xi32>
        %parallel_loop3A_212 = arith.constant 1 : i32
        %parallel_loop3A_213 = vector.broadcast %parallel_loop3A_212 : i32 to vector<16xi32>
        %parallel_loop3A_214 = arith.addi %parallel_loop3A_208, %parallel_loop3A_213 : vector<16xi32>
        %parallel_loop3A_215 = arith.constant 1 : i32
        %parallel_loop3A_216 = vector.broadcast %parallel_loop3A_215 : i32 to vector<16xi32>
        %parallel_loop3A_217 = arith.addi %parallel_loop3A_211, %parallel_loop3A_216 : vector<16xi32>
        %parallel_loop3A_218 = arith.constant -65536 : i32
        %parallel_loop3A_219 = vector.broadcast %parallel_loop3A_218 : i32 to vector<16xi32>
        %parallel_loop3A_220 = arith.andi %parallel_loop3A_203, %parallel_loop3A_219 : vector<16xi32>
        %parallel_loop3A_221 = tpu.bitcast %parallel_loop3A_220 : vector<16xi32> -> vector<16xf32>
        %parallel_loop3A_222 = arith.constant -65536 : i32
        %parallel_loop3A_223 = vector.broadcast %parallel_loop3A_222 : i32 to vector<16xi32>
        %parallel_loop3A_224 = arith.andi %parallel_loop3A_205, %parallel_loop3A_223 : vector<16xi32>
        %parallel_loop3A_225 = tpu.bitcast %parallel_loop3A_224 : vector<16xi32> -> vector<16xf32>
        %parallel_loop3A_226 = tpu.vector_load_idx %arg7[%parallel_loop3A_208] : memref<16384xf32, #tpu.memory_space<vmem>>[vector<16xi32>], vector<16xf32>,
        %parallel_loop3A_227 = tpu.vector_load_idx %arg7[%parallel_loop3A_214] : memref<16384xf32, #tpu.memory_space<vmem>>[vector<16xi32>], vector<16xf32>,
        %parallel_loop3A_228 = tpu.vector_load_idx %arg7[%parallel_loop3A_211] : memref<16384xf32, #tpu.memory_space<vmem>>[vector<16xi32>], vector<16xf32>,
        %parallel_loop3A_229 = tpu.vector_load_idx %arg7[%parallel_loop3A_217] : memref<16384xf32, #tpu.memory_space<vmem>>[vector<16xi32>], vector<16xf32>,
        %parallel_loop3A_230 = tpu.vector_load_idx %arg8[%parallel_loop3A_208] : memref<16384xf32, #tpu.memory_space<vmem>>[vector<16xi32>], vector<16xf32>,
        %parallel_loop3A_231 = tpu.vector_load_idx %arg8[%parallel_loop3A_214] : memref<16384xf32, #tpu.memory_space<vmem>>[vector<16xi32>], vector<16xf32>,
        %parallel_loop3A_232 = tpu.vector_load_idx %arg8[%parallel_loop3A_211] : memref<16384xf32, #tpu.memory_space<vmem>>[vector<16xi32>], vector<16xf32>,
        %parallel_loop3A_233 = tpu.vector_load_idx %arg8[%parallel_loop3A_217] : memref<16384xf32, #tpu.memory_space<vmem>>[vector<16xi32>], vector<16xf32>,
        %parallel_loop3A_234 = arith.subf %parallel_loop3A_227, %parallel_loop3A_226 : vector<16xf32>
        %parallel_loop3A_235 = arith.mulf %parallel_loop3A_234, %parallel_loop3A_221 : vector<16xf32>
        %parallel_loop3A_236 = arith.addf %parallel_loop3A_226, %parallel_loop3A_235 : vector<16xf32>
        %parallel_loop3A_237 = arith.subf %parallel_loop3A_229, %parallel_loop3A_228 : vector<16xf32>
        %parallel_loop3A_238 = arith.mulf %parallel_loop3A_237, %parallel_loop3A_225 : vector<16xf32>
        %parallel_loop3A_239 = arith.addf %parallel_loop3A_228, %parallel_loop3A_238 : vector<16xf32>
        %parallel_loop3A_240 = arith.subf %parallel_loop3A_231, %parallel_loop3A_230 : vector<16xf32>
        %parallel_loop3A_241 = arith.mulf %parallel_loop3A_240, %parallel_loop3A_221 : vector<16xf32>
        %parallel_loop3A_242 = arith.addf %parallel_loop3A_230, %parallel_loop3A_241 : vector<16xf32>
        %parallel_loop3A_243 = arith.subf %parallel_loop3A_233, %parallel_loop3A_232 : vector<16xf32>
        %parallel_loop3A_244 = arith.mulf %parallel_loop3A_243, %parallel_loop3A_225 : vector<16xf32>
        %parallel_loop3A_245 = arith.addf %parallel_loop3A_232, %parallel_loop3A_244 : vector<16xf32>
        %parallel_loop3A_246 = arith.constant 1.000000e+00 : f32
        %parallel_loop3A_247 = vector.broadcast %parallel_loop3A_246 : f32 to vector<16xf32>
        %parallel_loop3A_248 = arith.subf %parallel_loop3A_247, %parallel_loop3A_236 : vector<16xf32>
        %parallel_loop3A_249 = arith.constant 1.000000e+00 : f32
        %parallel_loop3A_250 = vector.broadcast %parallel_loop3A_249 : f32 to vector<16xf32>
        %parallel_loop3A_251 = arith.subf %parallel_loop3A_250, %parallel_loop3A_239 : vector<16xf32>
        %parallel_loop3A_252 = arith.mulf %parallel_loop3A_248, %parallel_loop3A_251 : vector<16xf32>
        %parallel_loop3A_253 = arith.constant 0 : i32
        %parallel_loop3A_254 = arith.index_cast %parallel_loop3A_253 : i32 to index
        %parallel_loop3A_255 = arith.index_cast %parallel_loop3A_201 : i32 to index
        %parallel_loop3A_256 = tpu.vector_load %arg9[%parallel_loop3A_254, %parallel_loop3A_255] {strides = array<i32>} : memref<2x4096xf32, #tpu.memory_space<vmem>>, vector<16xf32>,
        tpu.vector_store %arg9[%parallel_loop3A_254, %parallel_loop3A_255], %parallel_loop3A_252 {strides = array<i32>} : memref<2x4096xf32, #tpu.memory_space<vmem>>, vector<16xf32>,
        %parallel_loop3A_257 = arith.constant 1.000000e+00 : f32
        %parallel_loop3A_258 = vector.broadcast %parallel_loop3A_257 : f32 to vector<16xf32>
        %parallel_loop3A_259 = arith.subf %parallel_loop3A_258, %parallel_loop3A_242 : vector<16xf32>
        %parallel_loop3A_260 = arith.constant 1.000000e+00 : f32
        %parallel_loop3A_261 = vector.broadcast %parallel_loop3A_260 : f32 to vector<16xf32>
        %parallel_loop3A_262 = arith.subf %parallel_loop3A_261, %parallel_loop3A_245 : vector<16xf32>
        %parallel_loop3A_263 = arith.mulf %parallel_loop3A_259, %parallel_loop3A_262 : vector<16xf32>
        %parallel_loop3A_264 = arith.constant 1 : i32
        %parallel_loop3A_265 = arith.index_cast %parallel_loop3A_264 : i32 to index
        %parallel_loop3A_266 = arith.index_cast %parallel_loop3A_201 : i32 to index
        %parallel_loop3A_267 = tpu.vector_load %arg9[%parallel_loop3A_265, %parallel_loop3A_266] {strides = array<i32>} : memref<2x4096xf32, #tpu.memory_space<vmem>>, vector<16xf32>,
        tpu.vector_store %arg9[%parallel_loop3A_265, %parallel_loop3A_266], %parallel_loop3A_263 {strides = array<i32>} : memref<2x4096xf32, #tpu.memory_space<vmem>>, vector<16xf32>,
      } {sc.loop_unroll_factor = 2 : i64, sc.parallel_access}
      %dma_start3A_158 = arith.constant 0 : i32
      %dma_start3A_159 = tpu.memref_slice %arg4[%add3A_130, %dma_start3A_158] : memref<1024x16384xf32, #tpu.memory_space<hbm>> -> memref<2x4096xf32, #tpu.memory_space<hbm>>
      %dma_start3A_160 = arith.constant 0 : i32
      %dma_start3A_161 = tpu.memref_slice %arg4[%add3A_130, %dma_start3A_160] : memref<1024x16384xf32, #tpu.memory_space<hbm>> -> memref<2x4096xf32, #tpu.memory_space<hbm>>
      tpu.enqueue_dma source(%arg9 : memref<2x4096xf32, #tpu.memory_space<vmem>>) target(%dma_start3A_161 : memref<2x4096xf32, #tpu.memory_space<hbm>>) target_semaphore(%arg18 : memref<!tpu.dma_semaphore, #tpu.memory_space<semaphore_mem>>)
      %gt3A_162 = arith.constant 0 : i32
      %gt3A_163 = arith.cmpi sgt, %add3A_127, %gt3A_162 : i32
      %convert_element_type3A_164 = arith.extui %gt3A_163 : i1 to i32
      %cond3A_165 = arith.constant 0 : i32
      %cond3A_166 = arith.cmpi ne, %convert_element_type3A_164, %cond3A_165 : i32
      scf.if %cond3A_166 {
        %dma_wait3A_197 = arith.constant 0 : i32
        %dma_wait3A_198 = tpu.memref_slice %arg4[%mul3A_24, %dma_wait3A_197] : memref<1024x16384xf32, #tpu.memory_space<hbm>> -> memref<2x4096xf32, #tpu.memory_space<hbm>>
        %dma_wait3A_199 = arith.constant 0 : i32
        %dma_wait3A_200 = tpu.memref_slice %arg4[%mul3A_24, %dma_wait3A_199] : memref<1024x16384xf32, #tpu.memory_space<hbm>> -> memref<2x4096xf32, #tpu.memory_space<hbm>>
        tpu.wait_dma2 semaphore(%arg19 : memref<!tpu.dma_semaphore, #tpu.memory_space<semaphore_mem>>) src(%arg10 : memref<2x4096xf32, #tpu.memory_space<vmem>>) dst(%dma_wait3A_200 : memref<2x4096xf32, #tpu.memory_space<hbm>>)
      } else {
      }
      %parallel_loop3A_167 = arith.constant 256 : i32
      %parallel_loop3A_168 = arith.constant 512 : i32
      %parallel_loop3A_169 = arith.constant 1 : i32
      scf.for %parallel_loop3A_197 = %parallel_loop3A_167 to %parallel_loop3A_168 step %parallel_loop3A_169  : i32 {
        %parallel_loop3A_198 = arith.constant 16 : i32
        %parallel_loop3A_199 = arith.muli %parallel_loop3A_197, %parallel_loop3A_198 : i32
        %parallel_loop3A_200 = arith.constant 4096 : i32
        %parallel_loop3A_201 = arith.subi %parallel_loop3A_199, %parallel_loop3A_200 : i32
        %parallel_loop3A_202 = arith.index_cast %parallel_loop3A_199 : i32 to index
        %parallel_loop3A_203 = tpu.vector_load %arg12[%parallel_loop3A_202] {strides = array<i32>} : memref<16384xi32, #tpu.memory_space<vmem>>, vector<16xi32>,
        %parallel_loop3A_204 = arith.index_cast %parallel_loop3A_199 : i32 to index
        %parallel_loop3A_205 = tpu.vector_load %arg13[%parallel_loop3A_204] {strides = array<i32>} : memref<16384xi32, #tpu.memory_space<vmem>>, vector<16xi32>,
        %parallel_loop3A_206 = arith.constant 65535 : i32
        %parallel_loop3A_207 = vector.broadcast %parallel_loop3A_206 : i32 to vector<16xi32>
        %parallel_loop3A_208 = arith.andi %parallel_loop3A_203, %parallel_loop3A_207 : vector<16xi32>
        %parallel_loop3A_209 = arith.constant 65535 : i32
        %parallel_loop3A_210 = vector.broadcast %parallel_loop3A_209 : i32 to vector<16xi32>
        %parallel_loop3A_211 = arith.andi %parallel_loop3A_205, %parallel_loop3A_210 : vector<16xi32>
        %parallel_loop3A_212 = arith.constant 1 : i32
        %parallel_loop3A_213 = vector.broadcast %parallel_loop3A_212 : i32 to vector<16xi32>
        %parallel_loop3A_214 = arith.addi %parallel_loop3A_208, %parallel_loop3A_213 : vector<16xi32>
        %parallel_loop3A_215 = arith.constant 1 : i32
        %parallel_loop3A_216 = vector.broadcast %parallel_loop3A_215 : i32 to vector<16xi32>
        %parallel_loop3A_217 = arith.addi %parallel_loop3A_211, %parallel_loop3A_216 : vector<16xi32>
        %parallel_loop3A_218 = arith.constant -65536 : i32
        %parallel_loop3A_219 = vector.broadcast %parallel_loop3A_218 : i32 to vector<16xi32>
        %parallel_loop3A_220 = arith.andi %parallel_loop3A_203, %parallel_loop3A_219 : vector<16xi32>
        %parallel_loop3A_221 = tpu.bitcast %parallel_loop3A_220 : vector<16xi32> -> vector<16xf32>
        %parallel_loop3A_222 = arith.constant -65536 : i32
        %parallel_loop3A_223 = vector.broadcast %parallel_loop3A_222 : i32 to vector<16xi32>
        %parallel_loop3A_224 = arith.andi %parallel_loop3A_205, %parallel_loop3A_223 : vector<16xi32>
        %parallel_loop3A_225 = tpu.bitcast %parallel_loop3A_224 : vector<16xi32> -> vector<16xf32>
        %parallel_loop3A_226 = tpu.vector_load_idx %arg7[%parallel_loop3A_208] : memref<16384xf32, #tpu.memory_space<vmem>>[vector<16xi32>], vector<16xf32>,
        %parallel_loop3A_227 = tpu.vector_load_idx %arg7[%parallel_loop3A_214] : memref<16384xf32, #tpu.memory_space<vmem>>[vector<16xi32>], vector<16xf32>,
        %parallel_loop3A_228 = tpu.vector_load_idx %arg7[%parallel_loop3A_211] : memref<16384xf32, #tpu.memory_space<vmem>>[vector<16xi32>], vector<16xf32>,
        %parallel_loop3A_229 = tpu.vector_load_idx %arg7[%parallel_loop3A_217] : memref<16384xf32, #tpu.memory_space<vmem>>[vector<16xi32>], vector<16xf32>,
        %parallel_loop3A_230 = tpu.vector_load_idx %arg8[%parallel_loop3A_208] : memref<16384xf32, #tpu.memory_space<vmem>>[vector<16xi32>], vector<16xf32>,
        %parallel_loop3A_231 = tpu.vector_load_idx %arg8[%parallel_loop3A_214] : memref<16384xf32, #tpu.memory_space<vmem>>[vector<16xi32>], vector<16xf32>,
        %parallel_loop3A_232 = tpu.vector_load_idx %arg8[%parallel_loop3A_211] : memref<16384xf32, #tpu.memory_space<vmem>>[vector<16xi32>], vector<16xf32>,
        %parallel_loop3A_233 = tpu.vector_load_idx %arg8[%parallel_loop3A_217] : memref<16384xf32, #tpu.memory_space<vmem>>[vector<16xi32>], vector<16xf32>,
        %parallel_loop3A_234 = arith.subf %parallel_loop3A_227, %parallel_loop3A_226 : vector<16xf32>
        %parallel_loop3A_235 = arith.mulf %parallel_loop3A_234, %parallel_loop3A_221 : vector<16xf32>
        %parallel_loop3A_236 = arith.addf %parallel_loop3A_226, %parallel_loop3A_235 : vector<16xf32>
        %parallel_loop3A_237 = arith.subf %parallel_loop3A_229, %parallel_loop3A_228 : vector<16xf32>
        %parallel_loop3A_238 = arith.mulf %parallel_loop3A_237, %parallel_loop3A_225 : vector<16xf32>
        %parallel_loop3A_239 = arith.addf %parallel_loop3A_228, %parallel_loop3A_238 : vector<16xf32>
        %parallel_loop3A_240 = arith.subf %parallel_loop3A_231, %parallel_loop3A_230 : vector<16xf32>
        %parallel_loop3A_241 = arith.mulf %parallel_loop3A_240, %parallel_loop3A_221 : vector<16xf32>
        %parallel_loop3A_242 = arith.addf %parallel_loop3A_230, %parallel_loop3A_241 : vector<16xf32>
        %parallel_loop3A_243 = arith.subf %parallel_loop3A_233, %parallel_loop3A_232 : vector<16xf32>
        %parallel_loop3A_244 = arith.mulf %parallel_loop3A_243, %parallel_loop3A_225 : vector<16xf32>
        %parallel_loop3A_245 = arith.addf %parallel_loop3A_232, %parallel_loop3A_244 : vector<16xf32>
        %parallel_loop3A_246 = arith.constant 1.000000e+00 : f32
        %parallel_loop3A_247 = vector.broadcast %parallel_loop3A_246 : f32 to vector<16xf32>
        %parallel_loop3A_248 = arith.subf %parallel_loop3A_247, %parallel_loop3A_236 : vector<16xf32>
        %parallel_loop3A_249 = arith.constant 1.000000e+00 : f32
        %parallel_loop3A_250 = vector.broadcast %parallel_loop3A_249 : f32 to vector<16xf32>
        %parallel_loop3A_251 = arith.subf %parallel_loop3A_250, %parallel_loop3A_239 : vector<16xf32>
        %parallel_loop3A_252 = arith.mulf %parallel_loop3A_248, %parallel_loop3A_251 : vector<16xf32>
        %parallel_loop3A_253 = arith.constant 0 : i32
        %parallel_loop3A_254 = arith.index_cast %parallel_loop3A_253 : i32 to index
        %parallel_loop3A_255 = arith.index_cast %parallel_loop3A_201 : i32 to index
        %parallel_loop3A_256 = tpu.vector_load %arg10[%parallel_loop3A_254, %parallel_loop3A_255] {strides = array<i32>} : memref<2x4096xf32, #tpu.memory_space<vmem>>, vector<16xf32>,
        tpu.vector_store %arg10[%parallel_loop3A_254, %parallel_loop3A_255], %parallel_loop3A_252 {strides = array<i32>} : memref<2x4096xf32, #tpu.memory_space<vmem>>, vector<16xf32>,
        %parallel_loop3A_257 = arith.constant 1.000000e+00 : f32
        %parallel_loop3A_258 = vector.broadcast %parallel_loop3A_257 : f32 to vector<16xf32>
        %parallel_loop3A_259 = arith.subf %parallel_loop3A_258, %parallel_loop3A_242 : vector<16xf32>
        %parallel_loop3A_260 = arith.constant 1.000000e+00 : f32
        %parallel_loop3A_261 = vector.broadcast %parallel_loop3A_260 : f32 to vector<16xf32>
        %parallel_loop3A_262 = arith.subf %parallel_loop3A_261, %parallel_loop3A_245 : vector<16xf32>
        %parallel_loop3A_263 = arith.mulf %parallel_loop3A_259, %parallel_loop3A_262 : vector<16xf32>
        %parallel_loop3A_264 = arith.constant 1 : i32
        %parallel_loop3A_265 = arith.index_cast %parallel_loop3A_264 : i32 to index
        %parallel_loop3A_266 = arith.index_cast %parallel_loop3A_201 : i32 to index
        %parallel_loop3A_267 = tpu.vector_load %arg10[%parallel_loop3A_265, %parallel_loop3A_266] {strides = array<i32>} : memref<2x4096xf32, #tpu.memory_space<vmem>>, vector<16xf32>,
        tpu.vector_store %arg10[%parallel_loop3A_265, %parallel_loop3A_266], %parallel_loop3A_263 {strides = array<i32>} : memref<2x4096xf32, #tpu.memory_space<vmem>>, vector<16xf32>,
      } {sc.loop_unroll_factor = 2 : i64, sc.parallel_access}
      %dma_start3A_170 = arith.constant 4096 : i32
      %dma_start3A_171 = tpu.memref_slice %arg4[%add3A_130, %dma_start3A_170] : memref<1024x16384xf32, #tpu.memory_space<hbm>> -> memref<2x4096xf32, #tpu.memory_space<hbm>>
      %dma_start3A_172 = arith.constant 4096 : i32
      %dma_start3A_173 = tpu.memref_slice %arg4[%add3A_130, %dma_start3A_172] : memref<1024x16384xf32, #tpu.memory_space<hbm>> -> memref<2x4096xf32, #tpu.memory_space<hbm>>
      tpu.enqueue_dma source(%arg10 : memref<2x4096xf32, #tpu.memory_space<vmem>>) target(%dma_start3A_173 : memref<2x4096xf32, #tpu.memory_space<hbm>>) target_semaphore(%arg19 : memref<!tpu.dma_semaphore, #tpu.memory_space<semaphore_mem>>)
      %gt3A_174 = arith.constant 0 : i32
      %gt3A_175 = arith.cmpi sgt, %add3A_127, %gt3A_174 : i32
      %convert_element_type3A_176 = arith.extui %gt3A_175 : i1 to i32
      %cond3A_177 = arith.constant 0 : i32
      %cond3A_178 = arith.cmpi ne, %convert_element_type3A_176, %cond3A_177 : i32
      scf.if %cond3A_178 {
        %dma_wait3A_197 = arith.constant 0 : i32
        %dma_wait3A_198 = tpu.memref_slice %arg4[%mul3A_24, %dma_wait3A_197] : memref<1024x16384xf32, #tpu.memory_space<hbm>> -> memref<2x4096xf32, #tpu.memory_space<hbm>>
        %dma_wait3A_199 = arith.constant 0 : i32
        %dma_wait3A_200 = tpu.memref_slice %arg4[%mul3A_24, %dma_wait3A_199] : memref<1024x16384xf32, #tpu.memory_space<hbm>> -> memref<2x4096xf32, #tpu.memory_space<hbm>>
        tpu.wait_dma2 semaphore(%arg20 : memref<!tpu.dma_semaphore, #tpu.memory_space<semaphore_mem>>) src(%arg11 : memref<2x4096xf32, #tpu.memory_space<vmem>>) dst(%dma_wait3A_200 : memref<2x4096xf32, #tpu.memory_space<hbm>>)
      } else {
      }
      %parallel_loop3A_179 = arith.constant 512 : i32
      %parallel_loop3A_180 = arith.constant 768 : i32
      %parallel_loop3A_181 = arith.constant 1 : i32
      scf.for %parallel_loop3A_197 = %parallel_loop3A_179 to %parallel_loop3A_180 step %parallel_loop3A_181  : i32 {
        %parallel_loop3A_198 = arith.constant 16 : i32
        %parallel_loop3A_199 = arith.muli %parallel_loop3A_197, %parallel_loop3A_198 : i32
        %parallel_loop3A_200 = arith.constant 8192 : i32
        %parallel_loop3A_201 = arith.subi %parallel_loop3A_199, %parallel_loop3A_200 : i32
        %parallel_loop3A_202 = arith.index_cast %parallel_loop3A_199 : i32 to index
        %parallel_loop3A_203 = tpu.vector_load %arg12[%parallel_loop3A_202] {strides = array<i32>} : memref<16384xi32, #tpu.memory_space<vmem>>, vector<16xi32>,
        %parallel_loop3A_204 = arith.index_cast %parallel_loop3A_199 : i32 to index
        %parallel_loop3A_205 = tpu.vector_load %arg13[%parallel_loop3A_204] {strides = array<i32>} : memref<16384xi32, #tpu.memory_space<vmem>>, vector<16xi32>,
        %parallel_loop3A_206 = arith.constant 65535 : i32
        %parallel_loop3A_207 = vector.broadcast %parallel_loop3A_206 : i32 to vector<16xi32>
        %parallel_loop3A_208 = arith.andi %parallel_loop3A_203, %parallel_loop3A_207 : vector<16xi32>
        %parallel_loop3A_209 = arith.constant 65535 : i32
        %parallel_loop3A_210 = vector.broadcast %parallel_loop3A_209 : i32 to vector<16xi32>
        %parallel_loop3A_211 = arith.andi %parallel_loop3A_205, %parallel_loop3A_210 : vector<16xi32>
        %parallel_loop3A_212 = arith.constant 1 : i32
        %parallel_loop3A_213 = vector.broadcast %parallel_loop3A_212 : i32 to vector<16xi32>
        %parallel_loop3A_214 = arith.addi %parallel_loop3A_208, %parallel_loop3A_213 : vector<16xi32>
        %parallel_loop3A_215 = arith.constant 1 : i32
        %parallel_loop3A_216 = vector.broadcast %parallel_loop3A_215 : i32 to vector<16xi32>
        %parallel_loop3A_217 = arith.addi %parallel_loop3A_211, %parallel_loop3A_216 : vector<16xi32>
        %parallel_loop3A_218 = arith.constant -65536 : i32
        %parallel_loop3A_219 = vector.broadcast %parallel_loop3A_218 : i32 to vector<16xi32>
        %parallel_loop3A_220 = arith.andi %parallel_loop3A_203, %parallel_loop3A_219 : vector<16xi32>
        %parallel_loop3A_221 = tpu.bitcast %parallel_loop3A_220 : vector<16xi32> -> vector<16xf32>
        %parallel_loop3A_222 = arith.constant -65536 : i32
        %parallel_loop3A_223 = vector.broadcast %parallel_loop3A_222 : i32 to vector<16xi32>
        %parallel_loop3A_224 = arith.andi %parallel_loop3A_205, %parallel_loop3A_223 : vector<16xi32>
        %parallel_loop3A_225 = tpu.bitcast %parallel_loop3A_224 : vector<16xi32> -> vector<16xf32>
        %parallel_loop3A_226 = tpu.vector_load_idx %arg7[%parallel_loop3A_208] : memref<16384xf32, #tpu.memory_space<vmem>>[vector<16xi32>], vector<16xf32>,
        %parallel_loop3A_227 = tpu.vector_load_idx %arg7[%parallel_loop3A_214] : memref<16384xf32, #tpu.memory_space<vmem>>[vector<16xi32>], vector<16xf32>,
        %parallel_loop3A_228 = tpu.vector_load_idx %arg7[%parallel_loop3A_211] : memref<16384xf32, #tpu.memory_space<vmem>>[vector<16xi32>], vector<16xf32>,
        %parallel_loop3A_229 = tpu.vector_load_idx %arg7[%parallel_loop3A_217] : memref<16384xf32, #tpu.memory_space<vmem>>[vector<16xi32>], vector<16xf32>,
        %parallel_loop3A_230 = tpu.vector_load_idx %arg8[%parallel_loop3A_208] : memref<16384xf32, #tpu.memory_space<vmem>>[vector<16xi32>], vector<16xf32>,
        %parallel_loop3A_231 = tpu.vector_load_idx %arg8[%parallel_loop3A_214] : memref<16384xf32, #tpu.memory_space<vmem>>[vector<16xi32>], vector<16xf32>,
        %parallel_loop3A_232 = tpu.vector_load_idx %arg8[%parallel_loop3A_211] : memref<16384xf32, #tpu.memory_space<vmem>>[vector<16xi32>], vector<16xf32>,
        %parallel_loop3A_233 = tpu.vector_load_idx %arg8[%parallel_loop3A_217] : memref<16384xf32, #tpu.memory_space<vmem>>[vector<16xi32>], vector<16xf32>,
        %parallel_loop3A_234 = arith.subf %parallel_loop3A_227, %parallel_loop3A_226 : vector<16xf32>
        %parallel_loop3A_235 = arith.mulf %parallel_loop3A_234, %parallel_loop3A_221 : vector<16xf32>
        %parallel_loop3A_236 = arith.addf %parallel_loop3A_226, %parallel_loop3A_235 : vector<16xf32>
        %parallel_loop3A_237 = arith.subf %parallel_loop3A_229, %parallel_loop3A_228 : vector<16xf32>
        %parallel_loop3A_238 = arith.mulf %parallel_loop3A_237, %parallel_loop3A_225 : vector<16xf32>
        %parallel_loop3A_239 = arith.addf %parallel_loop3A_228, %parallel_loop3A_238 : vector<16xf32>
        %parallel_loop3A_240 = arith.subf %parallel_loop3A_231, %parallel_loop3A_230 : vector<16xf32>
        %parallel_loop3A_241 = arith.mulf %parallel_loop3A_240, %parallel_loop3A_221 : vector<16xf32>
        %parallel_loop3A_242 = arith.addf %parallel_loop3A_230, %parallel_loop3A_241 : vector<16xf32>
        %parallel_loop3A_243 = arith.subf %parallel_loop3A_233, %parallel_loop3A_232 : vector<16xf32>
        %parallel_loop3A_244 = arith.mulf %parallel_loop3A_243, %parallel_loop3A_225 : vector<16xf32>
        %parallel_loop3A_245 = arith.addf %parallel_loop3A_232, %parallel_loop3A_244 : vector<16xf32>
        %parallel_loop3A_246 = arith.constant 1.000000e+00 : f32
        %parallel_loop3A_247 = vector.broadcast %parallel_loop3A_246 : f32 to vector<16xf32>
        %parallel_loop3A_248 = arith.subf %parallel_loop3A_247, %parallel_loop3A_236 : vector<16xf32>
        %parallel_loop3A_249 = arith.constant 1.000000e+00 : f32
        %parallel_loop3A_250 = vector.broadcast %parallel_loop3A_249 : f32 to vector<16xf32>
        %parallel_loop3A_251 = arith.subf %parallel_loop3A_250, %parallel_loop3A_239 : vector<16xf32>
        %parallel_loop3A_252 = arith.mulf %parallel_loop3A_248, %parallel_loop3A_251 : vector<16xf32>
        %parallel_loop3A_253 = arith.constant 0 : i32
        %parallel_loop3A_254 = arith.index_cast %parallel_loop3A_253 : i32 to index
        %parallel_loop3A_255 = arith.index_cast %parallel_loop3A_201 : i32 to index
        %parallel_loop3A_256 = tpu.vector_load %arg11[%parallel_loop3A_254, %parallel_loop3A_255] {strides = array<i32>} : memref<2x4096xf32, #tpu.memory_space<vmem>>, vector<16xf32>,
        tpu.vector_store %arg11[%parallel_loop3A_254, %parallel_loop3A_255], %parallel_loop3A_252 {strides = array<i32>} : memref<2x4096xf32, #tpu.memory_space<vmem>>, vector<16xf32>,
        %parallel_loop3A_257 = arith.constant 1.000000e+00 : f32
        %parallel_loop3A_258 = vector.broadcast %parallel_loop3A_257 : f32 to vector<16xf32>
        %parallel_loop3A_259 = arith.subf %parallel_loop3A_258, %parallel_loop3A_242 : vector<16xf32>
        %parallel_loop3A_260 = arith.constant 1.000000e+00 : f32
        %parallel_loop3A_261 = vector.broadcast %parallel_loop3A_260 : f32 to vector<16xf32>
        %parallel_loop3A_262 = arith.subf %parallel_loop3A_261, %parallel_loop3A_245 : vector<16xf32>
        %parallel_loop3A_263 = arith.mulf %parallel_loop3A_259, %parallel_loop3A_262 : vector<16xf32>
        %parallel_loop3A_264 = arith.constant 1 : i32
        %parallel_loop3A_265 = arith.index_cast %parallel_loop3A_264 : i32 to index
        %parallel_loop3A_266 = arith.index_cast %parallel_loop3A_201 : i32 to index
        %parallel_loop3A_267 = tpu.vector_load %arg11[%parallel_loop3A_265, %parallel_loop3A_266] {strides = array<i32>} : memref<2x4096xf32, #tpu.memory_space<vmem>>, vector<16xf32>,
        tpu.vector_store %arg11[%parallel_loop3A_265, %parallel_loop3A_266], %parallel_loop3A_263 {strides = array<i32>} : memref<2x4096xf32, #tpu.memory_space<vmem>>, vector<16xf32>,
      } {sc.loop_unroll_factor = 2 : i64, sc.parallel_access}
      %dma_start3A_182 = arith.constant 8192 : i32
      %dma_start3A_183 = tpu.memref_slice %arg4[%add3A_130, %dma_start3A_182] : memref<1024x16384xf32, #tpu.memory_space<hbm>> -> memref<2x4096xf32, #tpu.memory_space<hbm>>
      %dma_start3A_184 = arith.constant 8192 : i32
      %dma_start3A_185 = tpu.memref_slice %arg4[%add3A_130, %dma_start3A_184] : memref<1024x16384xf32, #tpu.memory_space<hbm>> -> memref<2x4096xf32, #tpu.memory_space<hbm>>
      tpu.enqueue_dma source(%arg11 : memref<2x4096xf32, #tpu.memory_space<vmem>>) target(%dma_start3A_185 : memref<2x4096xf32, #tpu.memory_space<hbm>>) target_semaphore(%arg20 : memref<!tpu.dma_semaphore, #tpu.memory_space<semaphore_mem>>)
      %dma_wait3A_186 = arith.constant 0 : i32
      %dma_wait3A_187 = tpu.memref_slice %arg4[%mul3A_24, %dma_wait3A_186] : memref<1024x16384xf32, #tpu.memory_space<hbm>> -> memref<2x4096xf32, #tpu.memory_space<hbm>>
      %dma_wait3A_188 = arith.constant 0 : i32
      %dma_wait3A_189 = tpu.memref_slice %arg4[%mul3A_24, %dma_wait3A_188] : memref<1024x16384xf32, #tpu.memory_space<hbm>> -> memref<2x4096xf32, #tpu.memory_space<hbm>>
      tpu.wait_dma2 semaphore(%arg18 : memref<!tpu.dma_semaphore, #tpu.memory_space<semaphore_mem>>) src(%arg9 : memref<2x4096xf32, #tpu.memory_space<vmem>>) dst(%dma_wait3A_189 : memref<2x4096xf32, #tpu.memory_space<hbm>>)
      %parallel_loop3A_190 = arith.constant 768 : i32
      %parallel_loop3A_191 = arith.constant 1024 : i32
      %parallel_loop3A_192 = arith.constant 1 : i32
      scf.for %parallel_loop3A_197 = %parallel_loop3A_190 to %parallel_loop3A_191 step %parallel_loop3A_192  : i32 {
        %parallel_loop3A_198 = arith.constant 16 : i32
        %parallel_loop3A_199 = arith.muli %parallel_loop3A_197, %parallel_loop3A_198 : i32
        %parallel_loop3A_200 = arith.constant 12288 : i32
        %parallel_loop3A_201 = arith.subi %parallel_loop3A_199, %parallel_loop3A_200 : i32
        %parallel_loop3A_202 = arith.index_cast %parallel_loop3A_199 : i32 to index
        %parallel_loop3A_203 = tpu.vector_load %arg12[%parallel_loop3A_202] {strides = array<i32>} : memref<16384xi32, #tpu.memory_space<vmem>>, vector<16xi32>,
        %parallel_loop3A_204 = arith.index_cast %parallel_loop3A_199 : i32 to index
        %parallel_loop3A_205 = tpu.vector_load %arg13[%parallel_loop3A_204] {strides = array<i32>} : memref<16384xi32, #tpu.memory_space<vmem>>, vector<16xi32>,
        %parallel_loop3A_206 = arith.constant 65535 : i32
        %parallel_loop3A_207 = vector.broadcast %parallel_loop3A_206 : i32 to vector<16xi32>
        %parallel_loop3A_208 = arith.andi %parallel_loop3A_203, %parallel_loop3A_207 : vector<16xi32>
        %parallel_loop3A_209 = arith.constant 65535 : i32
        %parallel_loop3A_210 = vector.broadcast %parallel_loop3A_209 : i32 to vector<16xi32>
        %parallel_loop3A_211 = arith.andi %parallel_loop3A_205, %parallel_loop3A_210 : vector<16xi32>
        %parallel_loop3A_212 = arith.constant 1 : i32
        %parallel_loop3A_213 = vector.broadcast %parallel_loop3A_212 : i32 to vector<16xi32>
        %parallel_loop3A_214 = arith.addi %parallel_loop3A_208, %parallel_loop3A_213 : vector<16xi32>
        %parallel_loop3A_215 = arith.constant 1 : i32
        %parallel_loop3A_216 = vector.broadcast %parallel_loop3A_215 : i32 to vector<16xi32>
        %parallel_loop3A_217 = arith.addi %parallel_loop3A_211, %parallel_loop3A_216 : vector<16xi32>
        %parallel_loop3A_218 = arith.constant -65536 : i32
        %parallel_loop3A_219 = vector.broadcast %parallel_loop3A_218 : i32 to vector<16xi32>
        %parallel_loop3A_220 = arith.andi %parallel_loop3A_203, %parallel_loop3A_219 : vector<16xi32>
        %parallel_loop3A_221 = tpu.bitcast %parallel_loop3A_220 : vector<16xi32> -> vector<16xf32>
        %parallel_loop3A_222 = arith.constant -65536 : i32
        %parallel_loop3A_223 = vector.broadcast %parallel_loop3A_222 : i32 to vector<16xi32>
        %parallel_loop3A_224 = arith.andi %parallel_loop3A_205, %parallel_loop3A_223 : vector<16xi32>
        %parallel_loop3A_225 = tpu.bitcast %parallel_loop3A_224 : vector<16xi32> -> vector<16xf32>
        %parallel_loop3A_226 = tpu.vector_load_idx %arg7[%parallel_loop3A_208] : memref<16384xf32, #tpu.memory_space<vmem>>[vector<16xi32>], vector<16xf32>,
        %parallel_loop3A_227 = tpu.vector_load_idx %arg7[%parallel_loop3A_214] : memref<16384xf32, #tpu.memory_space<vmem>>[vector<16xi32>], vector<16xf32>,
        %parallel_loop3A_228 = tpu.vector_load_idx %arg7[%parallel_loop3A_211] : memref<16384xf32, #tpu.memory_space<vmem>>[vector<16xi32>], vector<16xf32>,
        %parallel_loop3A_229 = tpu.vector_load_idx %arg7[%parallel_loop3A_217] : memref<16384xf32, #tpu.memory_space<vmem>>[vector<16xi32>], vector<16xf32>,
        %parallel_loop3A_230 = tpu.vector_load_idx %arg8[%parallel_loop3A_208] : memref<16384xf32, #tpu.memory_space<vmem>>[vector<16xi32>], vector<16xf32>,
        %parallel_loop3A_231 = tpu.vector_load_idx %arg8[%parallel_loop3A_214] : memref<16384xf32, #tpu.memory_space<vmem>>[vector<16xi32>], vector<16xf32>,
        %parallel_loop3A_232 = tpu.vector_load_idx %arg8[%parallel_loop3A_211] : memref<16384xf32, #tpu.memory_space<vmem>>[vector<16xi32>], vector<16xf32>,
        %parallel_loop3A_233 = tpu.vector_load_idx %arg8[%parallel_loop3A_217] : memref<16384xf32, #tpu.memory_space<vmem>>[vector<16xi32>], vector<16xf32>,
        %parallel_loop3A_234 = arith.subf %parallel_loop3A_227, %parallel_loop3A_226 : vector<16xf32>
        %parallel_loop3A_235 = arith.mulf %parallel_loop3A_234, %parallel_loop3A_221 : vector<16xf32>
        %parallel_loop3A_236 = arith.addf %parallel_loop3A_226, %parallel_loop3A_235 : vector<16xf32>
        %parallel_loop3A_237 = arith.subf %parallel_loop3A_229, %parallel_loop3A_228 : vector<16xf32>
        %parallel_loop3A_238 = arith.mulf %parallel_loop3A_237, %parallel_loop3A_225 : vector<16xf32>
        %parallel_loop3A_239 = arith.addf %parallel_loop3A_228, %parallel_loop3A_238 : vector<16xf32>
        %parallel_loop3A_240 = arith.subf %parallel_loop3A_231, %parallel_loop3A_230 : vector<16xf32>
        %parallel_loop3A_241 = arith.mulf %parallel_loop3A_240, %parallel_loop3A_221 : vector<16xf32>
        %parallel_loop3A_242 = arith.addf %parallel_loop3A_230, %parallel_loop3A_241 : vector<16xf32>
        %parallel_loop3A_243 = arith.subf %parallel_loop3A_233, %parallel_loop3A_232 : vector<16xf32>
        %parallel_loop3A_244 = arith.mulf %parallel_loop3A_243, %parallel_loop3A_225 : vector<16xf32>
        %parallel_loop3A_245 = arith.addf %parallel_loop3A_232, %parallel_loop3A_244 : vector<16xf32>
        %parallel_loop3A_246 = arith.constant 1.000000e+00 : f32
        %parallel_loop3A_247 = vector.broadcast %parallel_loop3A_246 : f32 to vector<16xf32>
        %parallel_loop3A_248 = arith.subf %parallel_loop3A_247, %parallel_loop3A_236 : vector<16xf32>
        %parallel_loop3A_249 = arith.constant 1.000000e+00 : f32
        %parallel_loop3A_250 = vector.broadcast %parallel_loop3A_249 : f32 to vector<16xf32>
        %parallel_loop3A_251 = arith.subf %parallel_loop3A_250, %parallel_loop3A_239 : vector<16xf32>
        %parallel_loop3A_252 = arith.mulf %parallel_loop3A_248, %parallel_loop3A_251 : vector<16xf32>
        %parallel_loop3A_253 = arith.constant 0 : i32
        %parallel_loop3A_254 = arith.index_cast %parallel_loop3A_253 : i32 to index
        %parallel_loop3A_255 = arith.index_cast %parallel_loop3A_201 : i32 to index
        %parallel_loop3A_256 = tpu.vector_load %arg9[%parallel_loop3A_254, %parallel_loop3A_255] {strides = array<i32>} : memref<2x4096xf32, #tpu.memory_space<vmem>>, vector<16xf32>,
        tpu.vector_store %arg9[%parallel_loop3A_254, %parallel_loop3A_255], %parallel_loop3A_252 {strides = array<i32>} : memref<2x4096xf32, #tpu.memory_space<vmem>>, vector<16xf32>,
        %parallel_loop3A_257 = arith.constant 1.000000e+00 : f32
        %parallel_loop3A_258 = vector.broadcast %parallel_loop3A_257 : f32 to vector<16xf32>
        %parallel_loop3A_259 = arith.subf %parallel_loop3A_258, %parallel_loop3A_242 : vector<16xf32>
        %parallel_loop3A_260 = arith.constant 1.000000e+00 : f32
        %parallel_loop3A_261 = vector.broadcast %parallel_loop3A_260 : f32 to vector<16xf32>
        %parallel_loop3A_262 = arith.subf %parallel_loop3A_261, %parallel_loop3A_245 : vector<16xf32>
        %parallel_loop3A_263 = arith.mulf %parallel_loop3A_259, %parallel_loop3A_262 : vector<16xf32>
        %parallel_loop3A_264 = arith.constant 1 : i32
        %parallel_loop3A_265 = arith.index_cast %parallel_loop3A_264 : i32 to index
        %parallel_loop3A_266 = arith.index_cast %parallel_loop3A_201 : i32 to index
        %parallel_loop3A_267 = tpu.vector_load %arg9[%parallel_loop3A_265, %parallel_loop3A_266] {strides = array<i32>} : memref<2x4096xf32, #tpu.memory_space<vmem>>, vector<16xf32>,
        tpu.vector_store %arg9[%parallel_loop3A_265, %parallel_loop3A_266], %parallel_loop3A_263 {strides = array<i32>} : memref<2x4096xf32, #tpu.memory_space<vmem>>, vector<16xf32>,
      } {sc.loop_unroll_factor = 2 : i64, sc.parallel_access}
      %dma_start3A_193 = arith.constant 12288 : i32
      %dma_start3A_194 = tpu.memref_slice %arg4[%add3A_130, %dma_start3A_193] : memref<1024x16384xf32, #tpu.memory_space<hbm>> -> memref<2x4096xf32, #tpu.memory_space<hbm>>
      %dma_start3A_195 = arith.constant 12288 : i32
      %dma_start3A_196 = tpu.memref_slice %arg4[%add3A_130, %dma_start3A_195] : memref<1024x16384xf32, #tpu.memory_space<hbm>> -> memref<2x4096xf32, #tpu.memory_space<hbm>>
      tpu.enqueue_dma source(%arg9 : memref<2x4096xf32, #tpu.memory_space<vmem>>) target(%dma_start3A_196 : memref<2x4096xf32, #tpu.memory_space<hbm>>) target_semaphore(%arg18 : memref<!tpu.dma_semaphore, #tpu.memory_space<semaphore_mem>>)
    }
    %scan3A_43 = arith.constant 8 : i32
    %dma_wait3A_44 = arith.constant 0 : i32
    %dma_wait3A_45 = tpu.memref_slice %arg4[%mul3A_24, %dma_wait3A_44] : memref<1024x16384xf32, #tpu.memory_space<hbm>> -> memref<2x4096xf32, #tpu.memory_space<hbm>>
    %dma_wait3A_46 = arith.constant 0 : i32
    %dma_wait3A_47 = tpu.memref_slice %arg4[%mul3A_24, %dma_wait3A_46] : memref<1024x16384xf32, #tpu.memory_space<hbm>> -> memref<2x4096xf32, #tpu.memory_space<hbm>>
    tpu.wait_dma2 semaphore(%arg18 : memref<!tpu.dma_semaphore, #tpu.memory_space<semaphore_mem>>) src(%arg9 : memref<2x4096xf32, #tpu.memory_space<vmem>>) dst(%dma_wait3A_47 : memref<2x4096xf32, #tpu.memory_space<hbm>>)
    %dma_wait3A_48 = arith.constant 0 : i32
    %dma_wait3A_49 = tpu.memref_slice %arg4[%mul3A_24, %dma_wait3A_48] : memref<1024x16384xf32, #tpu.memory_space<hbm>> -> memref<2x4096xf32, #tpu.memory_space<hbm>>
    %dma_wait3A_50 = arith.constant 0 : i32
    %dma_wait3A_51 = tpu.memref_slice %arg4[%mul3A_24, %dma_wait3A_50] : memref<1024x16384xf32, #tpu.memory_space<hbm>> -> memref<2x4096xf32, #tpu.memory_space<hbm>>
    tpu.wait_dma2 semaphore(%arg19 : memref<!tpu.dma_semaphore, #tpu.memory_space<semaphore_mem>>) src(%arg10 : memref<2x4096xf32, #tpu.memory_space<vmem>>) dst(%dma_wait3A_51 : memref<2x4096xf32, #tpu.memory_space<hbm>>)
    %dma_wait3A_52 = arith.constant 0 : i32
    %dma_wait3A_53 = tpu.memref_slice %arg4[%mul3A_24, %dma_wait3A_52] : memref<1024x16384xf32, #tpu.memory_space<hbm>> -> memref<2x4096xf32, #tpu.memory_space<hbm>>
    %dma_wait3A_54 = arith.constant 0 : i32
    %dma_wait3A_55 = tpu.memref_slice %arg4[%mul3A_24, %dma_wait3A_54] : memref<1024x16384xf32, #tpu.memory_space<hbm>> -> memref<2x4096xf32, #tpu.memory_space<hbm>>
    tpu.wait_dma2 semaphore(%arg20 : memref<!tpu.dma_semaphore, #tpu.memory_space<semaphore_mem>>) src(%arg11 : memref<2x4096xf32, #tpu.memory_space<vmem>>) dst(%dma_wait3A_55 : memref<2x4096xf32, #tpu.memory_space<hbm>>)
    return
  }
}

</mosaic_0001>

<sc_bundles>
// kernel: kernel.3.cloned.1.call-start
scs
__scs_entry_jumppad:
0x0: {  	(pc) =	sbr.rel $0x88, $3  }
0x1: {  	(tag) =	ssettag $0x0;
	lr =	simm.s32 $0x1  }
0x2: {  	[smem:$0x3F9F] =	sst lr;
	_ =	strace $0xD0000000  }
0x3: {  	_ = 	snop  }
0x4: {  	_ = 	snop  }
0x5: {  	_ = 	snop  }
0x6: {  	_ = 	snop  }
0x7: {  	_ = 	snop  }
__scs_overlays_trampoline_lowered:
0x8: {  	[smem:$0x3FAE] =	sst s0  }
0x9: {  	[smem:$0x3FAF] =	sst s1  }
0xa: {  	[smem:$0x3FB0] =	sst s2  }
0xb: {  	[smem:$0x3FB1] =	sst s3  }
0xc: {  	[smem:$0x3FB2] =	sst s4  }
0xd: {  	[smem:$0x3FB3] =	sst s5  }
0xe: {  	[smem:$0x3FB4] =	sst s6  }
0xf: {  	[smem:$0x3FB5] =	sst s7  }
0x10: {  	[smem:$0x3FB6] =	sst s8  }
0x11: {  	[smem:$0x3FB7] =	sst s9;
	s0 =	simm.s32 @!p0 $0x0  }
0x12: {  	s1 =	sld [smem:$0x3F9D];
	s0 =	simm.s32 @p0 $0x1  }
0x13: {  	[smem:$0x3FB8] =	sst s0;
	s0 =	simm.s32 @!p1 $0x0  }
0x14: {  	s2 =	sld [smem:$0x3F9C];
	s0 =	simm.s32 @p1 $0x1  }
0x15: {  	[smem:$0x3FB9] =	sst s0;
	s0 =	simm.s32 @!p2 $0x0  }
0x16: {  	s3 =	sld [smem:$0x3FDB];
	s0 =	simm.s32 @p2 $0x1  }
0x17: {  	s4 =	simm.s32 $0x1BF5;
	[smem:$0x3FBB] =	sst s0  }
0x18: {  	s0 =	sld [smem:$0x3F9E];
	_ =	swait.ge [sflag:s4], $0x0  }
0x19: {  	s7 =	sld [smem:$0x3F9F]  }
0x1a: {  	s8 =	sadd.s32 $0xFFFFE003, lr  }
0x1b: {  	s9 =	sadd.s32 $0xFFFFFEF7, lr;
	s5 =	simm.s32 $0xFFFFFFFF;
	p2 =	slt.u32 s8, $0xFFFFF086  }
0x1c: {  	p1 =	slt.u32 s9, $0xF7A;
	s5 =	simm.s32 @!p2 $0x0  }
0x1d: {  	s5 =	simm.s32 @p1 $0x1;
	p0 =	seq.s32 s7, s2  }
0x1e: {  	s7 =	smul.u32 @!p0 $0xF7A, s2;
	p2 =	seq.s32 @!p0 s5, $0x0  }
0x1f: {  	s9 =	smul.u32 $0xF7A, s1;
	s8 =	simm.s32 @!p0 $0x1BF5;
	p2 =	por !p2, p0  }
0x20: {  	[sflag:s8] =	ssyncset.s32 @!p0 $0xFFFFF086;
	s6 =	sadd.s32 @!p0 s3, s7;
	s7 =	simm.s32 @!p0 $0x108  }
0x21: {  	s3 =	sadd.s32 s3, s9;
	s6 =	sadd.s32 @!p0 $0x88, s6;
	s7 =	simm.s32 @p2 $0x1082  }
0x22: {  	[simem:s7], [sflag:s8] =	dma.local @!p0 [hbm:s6], $0xF7A  }
0x23: {  	s9 =	sor.u32 $0xD0000000, s2;
	s6 =	simm.s32 $0x108;
	_ =	swait.ge @!p0 [sflag:s8], $0x0  }
0x24: {  	s3 =	sadd.s32 $0x88, s3;
	s6 =	simm.s32 @!p1 $0x1082;
	[sflag:s4] =	ssyncset.s32 $0xFFFFF086  }
0x25: {  	[simem:s6], [sflag:s4] =	dma.local [hbm:s3], $0xF7A  }
0x26: {  	[smem:$0x3F9F] =	sst s1;
	(tag) =	ssettag s2;
	_ =	strace s9  }
0x27: {  	s1 =	sld [smem:$0x3FAF]  }
0x28: {  	s2 =	sld [smem:$0x3FB0]  }
0x29: {  	s4 =	sld [smem:$0x3FB2]  }
0x2a: {  	p0 =	seq.s32 s5, $0x0;
	s5 =	sld [smem:$0x3FB3]  }
0x2b: {  	s6 =	sld [smem:$0x3FB4]  }
0x2c: {  	s7 =	sld [smem:$0x3FB5]  }
0x2d: {  	s3 =	simm.s32 $0x108;
	s8 =	sld [smem:$0x3FB6]  }
0x2e: {  	s3 =	simm.s32 @!p0 $0x1082;
	s9 =	sld [smem:$0x3FB7]  }
0x2f: {  	lr =	sadd.s32 s0, s3;
	s0 =	sld [smem:$0x3FAE]  }
0x30: {  	s3 =	sld [smem:$0x3FB1]  }
0x31: {  	[smem:$0x3FBA] =	sst s10  }
0x32: {  	s10 =	sld [smem:$0x3FB8];
	_ =	sdelay $0x3  }
0x33: {  	p0 =	seq.s32 s10, $0x1;
	s10 =	sld [smem:$0x3FBA];
	_ =	sdelay $0x3  }
0x34: {  	[smem:$0x3FBA] =	sst s10  }
0x35: {  	s10 =	sld [smem:$0x3FB9];
	_ =	sdelay $0x3  }
0x36: {  	p1 =	seq.s32 s10, $0x1;
	s10 =	sld [smem:$0x3FBA];
	_ =	sdelay $0x3  }
0x37: {  	[smem:$0x3FBA] =	sst s10  }
0x38: {  	s10 =	sld [smem:$0x3FBB]  }
0x39: {  	_ = 	snop;
	(pc) =	sbr.ind lr, $3  }
0x3a: {  	_ = 	snop  }
0x3b: {  	_ = 	snop  }
0x3c: {  	p2 =	seq.s32 s10, $0x1;
	s10 =	sld [smem:$0x3FBA]  }
0x3d: {  	_ =	shalt  }
0x3e: {  	_ =	shalt  }
0x3f: {  	_ =	shalt  }
0x40: {  	_ =	shalt  }
0x41: {  	_ =	shalt  }
0x42: {  	_ =	shalt  }
0x43: {  	_ =	shalt  }
0x44: {  	_ =	shalt  }
0x45: {  	_ =	shalt  }
0x46: {  	_ =	shalt  }
0x47: {  	_ =	shalt  }
0x48: {  	_ =	shalt  }
0x49: {  	_ =	shalt  }
0x4a: {  	_ =	shalt  }
0x4b: {  	_ =	shalt  }
0x4c: {  	_ =	shalt  }
0x4d: {  	_ =	shalt  }
0x4e: {  	_ =	shalt  }
0x4f: {  	_ =	shalt  }
0x50: {  	_ =	shalt  }
0x51: {  	_ =	shalt  }
0x52: {  	_ =	shalt  }
0x53: {  	_ =	shalt  }
0x54: {  	_ =	shalt  }
0x55: {  	_ =	shalt  }
0x56: {  	_ =	shalt  }
0x57: {  	_ =	shalt  }
0x58: {  	_ =	shalt  }
0x59: {  	_ =	shalt  }
0x5a: {  	_ =	shalt  }
0x5b: {  	_ =	shalt  }
0x5c: {  	_ =	shalt  }
0x5d: {  	_ =	shalt  }
0x5e: {  	_ =	shalt  }
0x5f: {  	_ =	shalt  }
0x60: {  	_ =	shalt  }
0x61: {  	_ =	shalt  }
0x62: {  	_ =	shalt  }
0x63: {  	_ =	shalt  }
0x64: {  	_ =	shalt  }
0x65: {  	_ =	shalt  }
0x66: {  	_ =	shalt  }
0x67: {  	_ =	shalt  }
0x68: {  	_ =	shalt  }
0x69: {  	_ =	shalt  }
0x6a: {  	_ =	shalt  }
0x6b: {  	_ =	shalt  }
0x6c: {  	_ =	shalt  }
0x6d: {  	_ =	shalt  }
0x6e: {  	_ =	shalt  }
0x6f: {  	_ =	shalt  }
0x70: {  	_ =	shalt  }
0x71: {  	_ =	shalt  }
0x72: {  	_ =	shalt  }
0x73: {  	_ =	shalt  }
0x74: {  	_ =	shalt  }
0x75: {  	_ =	shalt  }
0x76: {  	_ =	shalt  }
0x77: {  	_ =	shalt  }
0x78: {  	_ =	shalt  }
0x79: {  	_ =	shalt  }
0x7a: {  	_ =	shalt  }
0x7b: {  	_ =	shalt  }
0x7c: {  	_ =	shalt  }
0x7d: {  	_ =	shalt  }
0x7e: {  	_ =	shalt  }
0x7f: {  	_ =	shalt  }
0x80: {  	_ =	shalt  }
0x81: {  	_ =	shalt  }
0x82: {  	_ =	shalt  }
0x83: {  	_ =	shalt  }
0x84: {  	_ =	shalt  }
0x85: {  	_ =	shalt  }
0x86: {  	_ =	shalt  }
0x87: {  	_ =	shalt  }
.Lfunc_end0:
.L_simem_size_0:
called_computation_lowered:
.L_overlay_start_0:
0x88: {  	s2 =	sld [smem:$0x3FD9]  }
0x89: {  	s3 =	sld [smem:$0x3FFE];
	_ =	sdelay $0x1  }
0x8a: {  	s1 =	srdreg.scid  }
0x8b: {  	s0 =	sand.u32 $0x1, s1  }
0x8c: {  	s17 =	sshll.u32 s0, $0xA;
	s2 =	sadd.s32 s3, s2  }
0x8d: {  	s2 =	sadd.s32 s2, s17  }
0x8e: {  	[smem:$0x3FC6] =	sst s2  }
0x8f: {  	_ = 	snop  }
0x90: {  	s2 =	sld [smem:$0x3FC9]  }
0x91: {  	s18 =	sld [smem:$0x3FD0];
	(tm) =	ssettm $0x1  }
0x92: {  	s4 =	sld [smem:$0x3FFB];
	_ =	sdelay $0x3  }
0x93: {  	_ =	strace s4  }
0x94: {  	s4 =	sld [smem:$0x3FFC];
	_ =	sdelay $0x3  }
0x95: {  	_ =	strace s4  }
0x96: {  	s4 =	sld [smem:$0x3FFD];
	_ =	sdelay $0x3  }
0x97: {  	_ =	strace s4  }
0x98: {  	_ =	strace $0x8FFFFFFF  }
0x99: {  	s19 =	sld [smem:$0x3FDB];
	_ =	sdelay $0x1  }
0x9a: {  	s5 =	simm.s32 $_scs_section_size  }
0x9b: {  	s6 =	simm.s32 $_size__tile_overlayer_lowered;
	s7 =	simm.s32 $_tile_overlayer_lowered  }
0x9c: {  	s22 =	simm.s32 $0x1BFF;
	s21 =	sshll.u32 s7, $0x1;
	s4 =	sadd.s32 s5, s19  }
0x9d: {  	s8 =	simm.s32 $0x0;
	s20 =	sshll.u32 s6, $0x1;
	s6 =	sadd.s32 s21, s4  }
0x9e: {  	[timem:s8], [sflag:s22] =	dma.local [hbm:s6], s20  }
0x9f: {  	_ =	swait.ge [sflag:s22], s20  }
0xa0: {  	s5 =	ssub.s32 $0x0, s20;
	[sflag:s22] =	ssyncset.done $0x0  }
0xa1: {  	[sflag:s22] =	ssyncadd.s32 s5;
	_ =	sdelay $0x1  }
0xa2: {  	s23 =	simm.s32 $0x1B8B  }
0xa3: {  	_ =	swait.ge [sflag:s23], $0x1  }
0xa4: {  	[sflag:s23] =	ssyncset.done $0x0  }
0xa5: {  	s25 =	simm.s32 $0x1B8E;
	s24 =	sld [smem:$0x3FFE];
	[sflag:s23] =	ssyncadd.s32 $0xFFFFFFFF  }
0xa6: {  	s26 =	simm.s32 $execute0_lowered;
	[smem:$0x3FD2] =	sst s25  }
0xa7: {  	s6 =	sshll.u32 s26, $0x1;
	_ =	strace $0x80000046;
	[dreg:$0x1] =	wrdreg $0xFFFFFFFF  }
0xa8: {  	s28 =	simm.s32 $_size_execute0_lowered;
	s4 =	sadd.s32 s4, s6;
	[dreg:$0x0] =	wrdreg $0x0  }
0xa9: {  	s6 =	sshll.u32 s28, $0x1;
	[dreg:$0x2] =	wrdreg s4  }
0xaa: {  	[dreg:$0x3] =	wrdreg s6  }
0xab: {  	[dreg:$0x4] =	wrdreg $0xC0  }
0xac: {  	_ =	task [dreg:s8], $0x5FFFF  }
0xad: {  	[dreg:$0x1] =	wrdreg $0xFFFFFFFF  }
0xae: {  	[dreg:$0x0] =	wrdreg $0x60  }
0xaf: {  	[dreg:$0x2] =	wrdreg s2  }
0xb0: {  	[dreg:$0x3] =	wrdreg s24  }
0xb1: {  	[dreg:$0x4] =	wrdreg s18  }
0xb2: {  	[dreg:$0x5] =	wrdreg $0x9  }
0xb3: {  	_ =	task.clear_ibuf [dreg:s8], $0x6FFFF;
	_ =	strace $0x90000046  }
0xb4: {  	s29 =	simm.s32 $0x9;
	_ =	strace $0x80000048  }
0xb5: {  	_ =	swait.ge [sflag:s29], $0x1  }
0xb6: {  	[sflag:s29] =	ssyncadd.s32 $0xFFFFFFFF  }
0xb7: {  	_ =	strace $0x90000048  }
0xb8: {  	_ =	sfence  }
0xb9: {  	s30 =	sld [smem:$0x0];
	_ =	sdelay $0x2  }
0xba: {  	s31 =	sshll.u32 s1, $0xD;
	s1 =	sshrl.u32 s1, $0x2  }
0xbb: {  	s3 =	sand.u32 $0x4000, s31;
	s1 =	sadd.s32 s1, s30  }
0xbc: {  	s0 =	sor.u32 s3, s0;
	s1 =	sshll.u32 s1, $0x11  }
0xbd: {  	s0 =	sor.u32 s1, s0  }
0xbe: {  	s0 =	sadd.s32 $0x8F2B, s0  }
0xbf: {  	[sflag:s0] =	ssyncadd.remote.s32 $0x1  }
0xc0: {  	_ =	sfence.sel $0xFFFF  }
0xc1: {  	[dreg:$0x0] =	wrdreg $0xFFFFFFFF;
	(pc) =	sbr.abs _section_cstart, $3  }
0xc2: {  	[dreg:$0x1] =	wrdreg $0xFFFFFFFF  }
0xc3: {  	_ =	task.clear_ibuf [dreg:s8], $0x2FFFF;
	_ =	strace $0x9FFFFFFF  }
0xc4: {  	(tm) =	ssettm $0x7FFFFFFF  }
0xc5: {  	_ =	shalt  }
tec
execute0_lowered:
.L_overlay_start_1:
0x0: {  	(tag) =	ssettag $0x1  }
0x1: {  	s7 =	rddreg [dreg:$0x0]  }
0x2: {  	s0 =	rddreg [dreg:$0x1]  }
0x3: {  	s3 =	rddreg [dreg:$0x2];
	s1 =	srdreg.scid  }
0x4: {  	s4 =	simm.s32 $0x0;
	s5 =	stileid.u32;
	s13 =	simm.s32 $0x4000  }
0x5: {  	s17 =	simm.s32 $0x400;
	s18 =	simm.s32 $0x8000;
	s19 =	simm.s32 $0xC000  }
0x6: {  	s20 =	simm.s32 $0x100;
	s1 =	sand.u32 $0x1, s1;
	[smem:$0x7FF] =	sst s4  }
0x7: {  	s5 =	sshll.u32 s5, $0x5;
	s26 =	sadd.s32 $0x400, s0;
	s0 =	sadd.s32 $0xC00, s0  }
0x8: {  	s30 =	sadd.s32 $0x2000, s3;
	s2 =	sshll.u32 s1, $0x9;
	_ =	strace $0x80000047  }
0x9: {  	s1 =	ssub.s32 $0x2, s1;
	[dreg:$0x4] =	wrdreg s26;
	s5 =	sor.u32 s5, s2  }
0xa: {  	v0 =	vlaneseq.u32;
	[dreg:$0x5] =	wrdreg s0;
	s28 =	sshrl.u32 s1, $0x1;
	s6 =	sshll.u32 s5, $0xB  }
0xb: {  	v0 =	vmul.u32 $0x2, v0;
	[dreg:$0x8] =	wrdreg s30;
	s1 =	ssub.s32 s1, s28;
	s29 =	sadd.s32 s7, s6  }
0xc: {  	s21 =	simm.s32 $0x10000;
	s31 =	smax.u32 s1, $0x1;
	[dreg:$0x6] =	wrdreg s29  }
0xd: {  	s24 =	simm.s32 $0x5;
	v1 =	vor.u32 $0x1, v0;
	s0 =	sadd.s32 $0x10, s29;
	[dreg:$0x9] =	wrdreg s31  }
0xe: {  	s10 =	sadd.s32 $0x1000, s3;
	v2 =	vor.u32 $0x21, v0;
	v3 =	vor.u32 $0x41, v0;
	v4 =	vor.u32 $0x61, v0;
	s2 =	simm.s32 $0x0;
	[dreg:$0x7] =	wrdreg s0  }
.LBB2_1:
0xf: {  	[dreg:$0xa] =	wrdreg s2  }
0x10: {  	s0 =	rddreg [dreg:$0x4]  }
0x11: {  	[tilespmem:s4], [sflag:$0x1] =	stream.linear.gather [hbm4b:s0+s4], $0x4000, $0x38;
	[tilespmem:$0x1E000] =	vst v63  }
0x12: {  	s14 =	rddreg [dreg:$0x5];
	s15 =	simm.s32 $0x1  }
0x13: {  	[tilespmem:s13], [sflag:$0x2] =	stream.linear.gather [hbm4b:s14+s4], $0x4000, $0x38;
	[tilespmem:$0x1E000] =	vst v63  }
0x14: {  	s22 =	simm.s32 $0xC0;
	_ =	swait.ge [sflag:s15], $0x4000  }
0x15: {  	v6 =	vor.u32 s22, v0;
	[sflag:s15] =	ssyncset.done $0x0  }
0x16: {  	s16 =	simm.s32 $0xE0;
	s1 =	simm.s32 $0x2;
	v5 =	vor.u32 s22, v3;
	[sflag:s15] =	ssyncadd.s32 $0xFFFFC000  }
0x17: {  	s26 =	simm.s32 $0x0;
	v7 =	vor.u32 s16, v0;
	_ =	swait.ge [sflag:s1], $0x4000  }
0x18: {  	v14 =	vor.u32 s26, v0;
	[sflag:s1] =	ssyncset.done $0x0  }
0x19: {  	s23 =	simm.s32 $0x20;
	v16 =	vor.u32 s26, v1;
	[tilespmem:$0x1FF70] =	vst v6;
	[sflag:s1] =	ssyncadd.s32 $0xFFFFC000  }
0x1a: {  	v19 =	vor.u32 s23, v2;
	v10 =	vld.idx.msk [tilespmem:v6+s4+$0x0], $0xffff  }
0x1b: {  	s25 =	simm.s32 $0x40;
	v15 =	vor.u32 s23, v0;
	v17 =	vld.idx.msk [tilespmem:v5+s4+$0x0], $0xffff;
	[tilespmem:$0x1FF80] =	vst v7  }
0x1c: {  	v20 =	vor.u32 s25, v3;
	v18 =	vld.idx.msk [tilespmem:v7+s4+$0x0], $0xffff  }
0x1d: {  	v21 =	vld.idx.msk [tilespmem:v14+s4+$0x0], $0xffff  }
0x1e: {  	s28 =	simm.s32 $0x60;
	v11 =	vor.u32 s25, v0;
	v22 =	vld.idx.msk [tilespmem:v16+s4+$0x0], $0xffff  }
0x1f: {  	s9 =	simm.s32 $0xA0;
	v9 =	vor.u32 s28, v0;
	v8 =	vor.u32 s28, v4;
	v19 =	vld.idx.msk [tilespmem:v19+s4+$0x0], $0xffff  }
0x20: {  	s29 =	simm.s32 $0x80;
	v63 =	vor.u32 s9, v0;
	v26 =	vor.u32 s9, v2;
	v5 =	vor.u32 s16, v4;
	v23 =	vld.idx.msk [tilespmem:v15+s4+$0x0], $0xffff;
	[tilespmem:$0x1FF90] =	vst v11  }
0x21: {  	v6 =	vor.u32 s29, v1;
	v7 =	vor.u32 s29, v0;
	v20 =	vld.idx.msk [tilespmem:v20+s4+$0x0], $0xffff;
	v10 =	vmax.f32 v10, $0.0e+00  }
0x22: {  	v17 =	vmax.f32 v17, $0.0e+00;
	v18 =	vmax.f32 v18, $0.0e+00;
	v24 =	vmin.f32 v10, $1.000000000e+00  }
0x23: {  	v27 =	vld.idx.msk [tilespmem:v11+s4+$0x0], $0xffff;
	[tilespmem:$0x1FFA0] =	vst v9;
	v17 =	vmin.f32 v17, $1.000000000e+00;
	v21 =	vmax.f32 v21, $0.0e+00;
	v22 =	vmax.f32 v22, $0.0e+00  }
0x24: {  	v29 =	vld.idx.msk [tilespmem:v9+s4+$0x0], $0xffff;
	v19 =	vmax.f32 v19, $0.0e+00;
	v31 =	vmin.f32 v18, $1.000000000e+00;
	v18 =	vmul.f32 $1.638300000e+04, v24  }
0x25: {  	[tilespmem:$0x1FFB0] =	vst v8;
	v25 =	vmul.f32 $1.638300000e+04, v17;
	v33 =	vmin.f32 v21, $1.000000000e+00;
	v32 =	vmin.f32 v22, $1.000000000e+00  }
0x26: {  	v21 =	vld.idx.msk [tilespmem:v8+s4+$0x0], $0xffff;
	v22 =	vmax.f32 v23, $0.0e+00;
	[tilespmem:$0x1FFC0] =	vst v7;
	v37 =	vmin.f32 v19, $1.000000000e+00;
	v19 =	vmax.f32 v20, $0.0e+00  }
0x27: {  	v28 =	vmul.f32 $1.638300000e+04, v31;
	v23 =	vld.idx.msk [tilespmem:v7+s4+$0x0], $0xffff;
	[tilespmem:$0x1FFD0] =	vst v6;
	v34 =	vmin.f32 v22, $1.000000000e+00;
	v18 =	vtrunc.f32 v18  }
0x28: {  	v39 =	vmin.f32 v19, $1.000000000e+00;
	v25 =	vtrunc.f32 v25;
	v30 =	vld.idx.msk [tilespmem:v6+s4+$0x0], $0xffff;
	[tilespmem:$0x1FFE0] =	vst v63;
	v18 =	vcvt.f32.s32 v18  }
0x29: {  	v25 =	vcvt.f32.s32 v25;
	v20 =	vld.idx.msk [tilespmem:v26+s4+$0x0], $0xffff;
	v26 =	vmax.f32 v29, $0.0e+00;
	v28 =	vtrunc.f32 v28  }
0x2a: {  	v22 =	vld.idx.msk [tilespmem:v63+s4+$0x0], $0xffff;
	v40 =	vmin.f32 v26, $1.000000000e+00;
	v26 =	vmul.f32 $1.638300000e+04, v37;
	v54 =	vcvt.f32.s32 v28  }
0x2b: {  	vm0 =	vlt.s32 v18, $0x3FFE;
	vm1 =	vlt.s32 v25, $0x3FFE;
	v21 =	vmax.f32 v21, $0.0e+00  }
0x2c: {  	v35 =	vnsel vm0, $0x3FFE, v18;
	v36 =	vnsel vm1, $0x3FFE, v25;
	v26 =	vtrunc.f32 v26  }
0x2d: {  	v18 =	vmax.f32 v27, $0.0e+00;
	v25 =	vcvt.s32.f32 v35;
	v27 =	vcvt.s32.f32 v36  }
0x2e: {  	v38 =	vmin.f32 v18, $1.000000000e+00;
	v18 =	vmax.f32 v23, $0.0e+00;
	v19 =	vmax.f32 v30, $0.0e+00  }
0x2f: {  	v22 =	vmax.f32 v22, $0.0e+00;
	v20 =	vmax.f32 v20, $0.0e+00;
	v42 =	vmin.f32 v18, $1.000000000e+00  }
0x30: {  	[tilespmem:$0x1FFF0] =	vst v5;
	v18 =	vmul.f32 $1.638300000e+04, v33;
	v43 =	vmin.f32 v19, $1.000000000e+00;
	v19 =	vmul.f32 $1.638300000e+04, v38  }
0x31: {  	v29 =	vld.idx.msk [tilespmem:v5+s4+$0x0], $0xffff;
	v25 =	vmul.f32 $6.103888150e-05, v25;
	v27 =	vmul.f32 $6.103888150e-05, v27;
	v44 =	vmin.f32 v22, $1.000000000e+00  }
0x32: {  	v22 =	vmul.f32 $1.638300000e+04, v40;
	v45 =	vmin.f32 v20, $1.000000000e+00;
	v20 =	vmul.f32 $1.638300000e+04, v42  }
0x33: {  	v41 =	vmin.f32 v21, $1.000000000e+00;
	v30 =	vmul.f32 $1.638300000e+04, v43;
	v47 =	vmul.f32 $1.638300000e+04, v45  }
0x34: {  	v18 =	vtrunc.f32 v18;
	v19 =	vtrunc.f32 v19;
	v23 =	vsub.f32 v24, v25  }
0x35: {  	v17 =	vsub.f32 v17, v27;
	v25 =	vmul.f32 $1.638300000e+04, v34;
	v27 =	vmul.f32 $1.638300000e+04, v39  }
0x36: {  	v24 =	vmax.f32 v29, $0.0e+00;
	v29 =	vmul.f32 $1.638300000e+04, v41;
	v22 =	vtrunc.f32 v22  }
0x37: {  	v20 =	vtrunc.f32 v20;
	v30 =	vtrunc.f32 v30  }
0x38: {  	v18 =	vcvt.f32.s32 v18;
	v19 =	vcvt.f32.s32 v19  }
0x39: {  	v46 =	vmin.f32 v24, $1.000000000e+00;
	v24 =	vmul.f32 $1.638300000e+04, v44;
	v47 =	vtrunc.f32 v47  }
0x3a: {  	v22 =	vcvt.f32.s32 v22;
	v20 =	vcvt.f32.s32 v20  }
0x3b: {  	v52 =	vcvt.f32.s32 v30;
	v21 =	vmul.f32 $1.638031640e+04, v23  }
0x3c: {  	v17 =	vmul.f32 $1.638031640e+04, v17;
	v23 =	vmul.f32 $1.638300000e+04, v32  }
0x3d: {  	v48 =	vmul.f32 $1.638300000e+04, v46;
	v25 =	vtrunc.f32 v25  }
0x3e: {  	vm12 =	vlt.s32 v54, $0x3FFE;
	v27 =	vtrunc.f32 v27;
	v29 =	vtrunc.f32 v29  }
0x3f: {  	vm0 =	vlt.s32 v18, $0x3FFE;
	v47 =	vcvt.f32.s32 v47;
	v24 =	vtrunc.f32 v24  }
0x40: {  	vm4 =	vlt.s32 v19, $0x3FFE;
	v50 =	vcvt.f32.s32 v27;
	v51 =	vcvt.f32.s32 v29  }
0x41: {  	vm6 =	vlt.s32 v22, $0x3FFE;
	vm8 =	vlt.s32 v20, $0x3FFE;
	vm9 =	vlt.s32 v52, $0x3FFE  }
0x42: {  	v30 =	vnsel vm0, $0x3FFE, v18;
	v23 =	vtrunc.f32 v23;
	v21 =	vadd.s32 $0x8000, v21  }
0x43: {  	v53 =	vcvt.f32.s32 v24;
	vm11 =	vlt.s32 v47, $0x3FFE;
	v24 =	vnsel vm6, $0x3FFE, v22  }
0x44: {  	v22 =	vnsel vm8, $0x3FFE, v20;
	v49 =	vand.u32 $0xFFFF0000, v21;
	v21 =	vtrunc.f32 v48  }
0x45: {  	v48 =	vadd.s32 $0x8000, v17;
	v17 =	vcvt.f32.s32 v23;
	v23 =	vcvt.f32.s32 v25  }
0x46: {  	v25 =	vcvt.f32.s32 v26;
	vm5 =	vlt.s32 v50, $0x3FFE;
	vm7 =	vlt.s32 v51, $0x3FFE  }
0x47: {  	v26 =	vnsel vm4, $0x3FFE, v19;
	v19 =	vnsel vm11, $0x3FFE, v47;
	v11 =	vcvt.s32.f32 v24  }
0x48: {  	v55 =	vcvt.f32.s32 v21;
	vm10 =	vlt.s32 v53, $0x3FFE;
	v21 =	vnsel vm9, $0x3FFE, v52  }
0x49: {  	v10 =	vcvt.s32.f32 v26;
	v60 =	vcvt.s32.f32 v19;
	v35 =	vor.u32 v35, v49  }
0x4a: {  	vm1 =	vlt.s32 v17, $0x3FFE;
	vm2 =	vlt.s32 v23, $0x3FFE;
	vm3 =	vlt.s32 v25, $0x3FFE  }
0x4b: {  	v18 =	vnsel vm10, $0x3FFE, v53;
	v59 =	vcvt.s32.f32 v21;
	v47 =	vmul.f32 $6.103888150e-05, v11  }
0x4c: {  	v29 =	vnsel vm1, $0x3FFE, v17;
	v27 =	vnsel vm3, $0x3FFE, v25;
	v25 =	vnsel vm5, $0x3FFE, v50  }
0x4d: {  	v50 =	vcvt.s32.f32 v30;
	v17 =	vnsel vm12, $0x3FFE, v54;
	v54 =	vcvt.s32.f32 v22  }
0x4e: {  	v28 =	vnsel vm2, $0x3FFE, v23;
	v60 =	vmul.f32 $6.103888150e-05, v60;
	v8 =	vcvt.s32.f32 v29  }
0x4f: {  	v23 =	vnsel vm7, $0x3FFE, v51;
	v9 =	vcvt.s32.f32 v28;
	v56 =	vcvt.s32.f32 v27  }
0x50: {  	vm15 =	vlt.s32 v55, $0x3FFE;
	v57 =	vcvt.s32.f32 v25;
	v58 =	vcvt.s32.f32 v23  }
0x51: {  	v20 =	vnsel vm15, $0x3FFE, v55;
	v55 =	vcvt.s32.f32 v18;
	v49 =	vcvt.s32.f32 v17  }
0x52: {  	v61 =	vcvt.s32.f32 v20;
	v50 =	vmul.f32 $6.103888150e-05, v50  }
0x53: {  	v48 =	vand.u32 $0xFFFF0000, v48;
	v51 =	vmul.f32 $6.103888150e-05, v8;
	v63 =	vmul.f32 $6.103888150e-05, v9  }
0x54: {  	v48 =	vor.u32 v36, v48;
	v8 =	vmul.f32 $6.103888150e-05, v56;
	v9 =	vmul.f32 $6.103888150e-05, v10  }
0x55: {  	v40 =	vsub.f32 v40, v47;
	v10 =	vmul.f32 $6.103888150e-05, v57;
	v11 =	vmul.f32 $6.103888150e-05, v58  }
0x56: {  	v45 =	vsub.f32 v45, v60;
	v57 =	vmul.f32 $6.103888150e-05, v54;
	v58 =	vmul.f32 $6.103888150e-05, v59  }
0x57: {  	v59 =	vmul.f32 $6.103888150e-05, v55;
	v33 =	vsub.f32 v33, v50;
	v32 =	vsub.f32 v32, v51  }
0x58: {  	v49 =	vmul.f32 $6.103888150e-05, v49;
	v34 =	vsub.f32 v34, v63;
	v37 =	vsub.f32 v37, v8  }
0x59: {  	v61 =	vmul.f32 $6.103888150e-05, v61;
	v38 =	vsub.f32 v38, v9;
	v53 =	vsub.f32 v39, v10  }
0x5a: {  	v52 =	vsub.f32 v44, v59;
	v44 =	vsub.f32 v31, v49;
	v31 =	vmul.f32 $1.638031640e+04, v45  }
0x5b: {  	v41 =	vsub.f32 v41, v11;
	v33 =	vmul.f32 $1.638031640e+04, v33;
	v32 =	vmul.f32 $1.638031640e+04, v32  }
0x5c: {  	v42 =	vsub.f32 v42, v57;
	v62 =	vmul.f32 $1.638031640e+04, v34;
	v34 =	vmul.f32 $1.638031640e+04, v37  }
0x5d: {  	s30 =	simm.s32 $0x16040;
	v63 =	vsub.f32 v43, v58;
	v39 =	vmul.f32 $1.638031640e+04, v38;
	v36 =	vmul.f32 $1.638031640e+04, v53  }
0x5e: {  	s6 =	simm.s32 $0x1A040;
	[tilespmem:s30+$0x20] =	vst v35;
	v43 =	vsub.f32 v46, v61;
	v37 =	vmul.f32 $1.638031640e+04, v40;
	v35 =	vmul.f32 $1.638031640e+04, v41  }
0x5f: {  	s2 =	simm.s32 $0x1C070;
	s31 =	simm.s32 $0x1E0;
	s8 =	simm.s32 $0x16040;
	v40 =	vmul.f32 $1.638031640e+04, v42;
	v38 =	vadd.s32 $0x8000, v33;
	v33 =	vmul.f32 $1.638031640e+04, v52  }
0x60: {  	s7 =	simm.s32 $0x0;
	s12 =	simm.s32 $0x1A040;
	s0 =	simm.s32 $0x18070;
	[tilespmem:s6+$0x20] =	vst v48;
	v41 =	vadd.s32 $0x8000, v32;
	v32 =	vmul.f32 $1.638031640e+04, v63;
	v42 =	vadd.s32 $0x8000, v62  }
.LBB2_2:
0x61: {  	s1 =	sadd.s32 $0xFFFFFF40, s31;
	s11 =	sadd.s32 $0xFFFFFF60, s31;
	s14 =	sadd.s32 $0xFFFFFFE0, s31;
	v45 =	vor.u32 s31, v0;
	v56 =	vor.u32 s31, v4;
	v44 =	vmul.f32 $1.638031640e+04, v44  }
0x62: {  	s15 =	sadd.s32 $0xFFFFFFA0, s31;
	s7 =	sadd.s32 $0x8, s7;
	v46 =	vor.u32 s1, v0;
	v47 =	vor.u32 s1, v2;
	s1 =	sadd.s32 $0xFFFFFF80, s31;
	v48 =	vor.u32 s14, v0  }
0x63: {  	s16 =	sadd.s32 $0xFFFFFF20, s31;
	v57 =	vor.u32 s11, v0;
	v58 =	vor.u32 s11, v3;
	s11 =	sadd.s32 $0xFFFFFFC0, s31;
	v49 =	vor.u32 s14, v3;
	p0 =	slt.u32 s7, $0x1F8  }
0x64: {  	v50 =	vor.u32 s16, v0;
	v51 =	vor.u32 s16, v1;
	v59 =	vor.u32 s1, v0  }
0x65: {  	v61 =	vor.u32 s15, v0;
	v62 =	vor.u32 s15, v1;
	v60 =	vor.u32 s1, v4  }
0x66: {  	v43 =	vmul.f32 $1.638031640e+04, v43;
	v63 =	vor.u32 s11, v0;
	v5 =	vor.u32 s11, v2;
	v45 =	vld.idx.msk [tilespmem:v45+s4+$0x0], $0xffff  }
0x67: {  	v34 =	vadd.s32 $0x8000, v34;
	v39 =	vadd.s32 $0x8000, v39;
	v36 =	vadd.s32 $0x8000, v36;
	v6 =	vld.idx.msk [tilespmem:v48+s4+$0x0], $0xffff  }
0x68: {  	v37 =	vadd.s32 $0x8000, v37;
	v8 =	vadd.s32 $0x8000, v35;
	v9 =	vadd.s32 $0x8000, v40;
	v7 =	vld.idx.msk [tilespmem:v49+s4+$0x0], $0xffff  }
0x69: {  	v10 =	vadd.s32 $0x8000, v32;
	v55 =	vadd.s32 $0x8000, v33;
	v53 =	vadd.s32 $0x8000, v31;
	v35 =	vld.idx.msk [tilespmem:v50+s4+$0x0], $0xffff  }
0x6a: {  	v54 =	vadd.s32 $0x8000, v44;
	v52 =	vadd.s32 $0x8000, v43;
	v50 =	vand.u32 $0xFFFF0000, v38;
	v32 =	vld.idx.msk [tilespmem:v51+s4+$0x0], $0xffff  }
0x6b: {  	v48 =	vand.u32 $0xFFFF0000, v34;
	v49 =	vand.u32 $0xFFFF0000, v42;
	v51 =	vand.u32 $0xFFFF0000, v41;
	v38 =	vld.idx.msk [tilespmem:v46+s4+$0x0], $0xffff  }
0x6c: {  	v31 =	vmax.f32 v45, $0.0e+00;
	v46 =	vand.u32 $0xFFFF0000, v36;
	v34 =	vld.idx.msk [tilespmem:v47+s4+$0x0], $0xffff;
	v47 =	vand.u32 $0xFFFF0000, v39  }
0x6d: {  	v45 =	vand.u32 $0xFFFF0000, v37;
	v6 =	vmax.f32 v6, $0.0e+00;
	v31 =	vmin.f32 v31, $1.000000000e+00;
	v36 =	vld.idx.msk [tilespmem:v57+s4+$0x0], $0xffff  }
0x6e: {  	v6 =	vmin.f32 v6, $1.000000000e+00;
	v7 =	vmax.f32 v7, $0.0e+00;
	v57 =	vmul.f32 $1.638300000e+04, v31;
	v37 =	vld.idx.msk [tilespmem:v58+s4+$0x0], $0xffff  }
0x6f: {  	v33 =	vmax.f32 v35, $0.0e+00;
	v35 =	vmul.f32 $1.638300000e+04, v6;
	v7 =	vmin.f32 v7, $1.000000000e+00;
	v39 =	vld.idx.msk [tilespmem:v59+s4+$0x0], $0xffff  }
0x70: {  	v33 =	vmin.f32 v33, $1.000000000e+00;
	v32 =	vmax.f32 v32, $0.0e+00;
	v41 =	vmul.f32 $1.638300000e+04, v7;
	v40 =	vld.idx.msk [tilespmem:v60+s4+$0x0], $0xffff  }
0x71: {  	v32 =	vmin.f32 v32, $1.000000000e+00;
	v38 =	vmax.f32 v38, $0.0e+00;
	v35 =	vtrunc.f32 v35;
	v42 =	vld.idx.msk [tilespmem:v61+s4+$0x0], $0xffff  }
0x72: {  	v43 =	vmax.f32 v34, $0.0e+00;
	v58 =	vcvt.f32.s32 v35;
	v35 =	vtrunc.f32 v41;
	v44 =	vld.idx.msk [tilespmem:v62+s4+$0x0], $0xffff  }
0x73: {  	v34 =	vmin.f32 v38, $1.000000000e+00;
	v36 =	vmax.f32 v36, $0.0e+00;
	v38 =	vcvt.f32.s32 v35;
	v41 =	vld.idx.msk [tilespmem:v63+s4+$0x0], $0xffff  }
0x74: {  	v35 =	vmin.f32 v43, $1.000000000e+00;
	v43 =	vmax.f32 v37, $0.0e+00;
	vm0 =	vlt.s32 v58, $0x3FFE;
	v5 =	vld.idx.msk [tilespmem:v5+s4+$0x0], $0xffff  }
0x75: {  	v39 =	vmax.f32 v39, $0.0e+00;
	v58 =	vnsel vm0, $0x3FFE, v58;
	vm0 =	vlt.s32 v38, $0x3FFE;
	v56 =	vld.idx.msk [tilespmem:v56+s4+$0x0], $0xffff  }
0x76: {  	v40 =	vmax.f32 v40, $0.0e+00;
	v59 =	vcvt.s32.f32 v58;
	v60 =	vnsel vm0, $0x3FFE, v38  }
0x77: {  	v37 =	vmin.f32 v36, $1.000000000e+00;
	v42 =	vmax.f32 v42, $0.0e+00;
	v61 =	vcvt.s32.f32 v60  }
0x78: {  	v36 =	vmin.f32 v43, $1.000000000e+00;
	v43 =	vmax.f32 v44, $0.0e+00;
	v44 =	vmul.f32 $6.103888150e-05, v59  }
0x79: {  	v38 =	vmin.f32 v39, $1.000000000e+00;
	v59 =	vmax.f32 v41, $0.0e+00;
	v61 =	vmul.f32 $6.103888150e-05, v61  }
0x7a: {  	v39 =	vmin.f32 v40, $1.000000000e+00;
	v5 =	vmax.f32 v5, $0.0e+00;
	v6 =	vsub.f32 v6, v44  }
0x7b: {  	v41 =	vmin.f32 v42, $1.000000000e+00;
	v7 =	vsub.f32 v7, v61;
	v40 =	vmax.f32 v56, $0.0e+00  }
0x7c: {  	v42 =	vmin.f32 v43, $1.000000000e+00;
	v43 =	vmin.f32 v59, $1.000000000e+00;
	v6 =	vmul.f32 $1.638031640e+04, v6  }
0x7d: {  	v44 =	vmin.f32 v5, $1.000000000e+00;
	v40 =	vmin.f32 v40, $1.000000000e+00;
	v5 =	vmul.f32 $1.638031640e+04, v7  }
0x7e: {  	v56 =	vmul.f32 $1.638300000e+04, v32;
	v7 =	vmul.f32 $1.638300000e+04, v33;
	v6 =	vadd.s32 $0x8000, v6  }
0x7f: {  	v59 =	vmul.f32 $1.638300000e+04, v34;
	v6 =	vand.u32 $0xFFFF0000, v6;
	v5 =	vadd.s32 $0x8000, v5  }
0x80: {  	s30 =	sadd.s32 $0x80, s30;
	v61 =	vmul.f32 $1.638300000e+04, v35;
	v6 =	vor.u32 v58, v6;
	v5 =	vand.u32 $0xFFFF0000, v5  }
0x81: {  	s6 =	sadd.s32 $0x80, s6;
	v62 =	vmul.f32 $1.638300000e+04, v36;
	v58 =	vmul.f32 $1.638300000e+04, v37;
	v5 =	vor.u32 v60, v5;
	[tilespmem:s30+$0x20] =	vst v6  }
0x82: {  	v60 =	vmul.f32 $1.638300000e+04, v39;
	v6 =	vmul.f32 $1.638300000e+04, v38;
	[tilespmem:s6+$0x20] =	vst v5;
	v5 =	vand.u32 $0xFFFF0000, v8  }
0x83: {  	v9 =	vand.u32 $0xFFFF0000, v9;
	v63 =	vmul.f32 $1.638300000e+04, v42;
	v8 =	vmul.f32 $1.638300000e+04, v41  }
0x84: {  	v10 =	vand.u32 $0xFFFF0000, v10;
	v11 =	vmul.f32 $1.638300000e+04, v43;
	v12 =	vmul.f32 $1.638300000e+04, v44  }
0x85: {  	v55 =	vand.u32 $0xFFFF0000, v55;
	v13 =	vmul.f32 $1.638300000e+04, v40;
	v7 =	vtrunc.f32 v7  }
0x86: {  	v53 =	vand.u32 $0xFFFF0000, v53;
	v59 =	vtrunc.f32 v59;
	v56 =	vtrunc.f32 v56  }
0x87: {  	v54 =	vand.u32 $0xFFFF0000, v54;
	v61 =	vtrunc.f32 v61;
	v58 =	vtrunc.f32 v58  }
0x88: {  	v52 =	vand.u32 $0xFFFF0000, v52;
	v62 =	vtrunc.f32 v62;
	v6 =	vtrunc.f32 v6  }
0x89: {  	v30 =	vor.u32 v30, v50;
	v60 =	vtrunc.f32 v60;
	v8 =	vtrunc.f32 v8  }
0x8a: {  	v29 =	vor.u32 v29, v51;
	v50 =	vtrunc.f32 v63;
	v11 =	vtrunc.f32 v11;
	[tilespmem:s8+$0xFFFFFFC0] =	vst v30  }
0x8b: {  	v28 =	vor.u32 v28, v49;
	v12 =	vtrunc.f32 v12;
	v30 =	vtrunc.f32 v57;
	[tilespmem:s12+$0xFFFFFFC0] =	vst v29  }
0x8c: {  	v27 =	vor.u32 v27, v48;
	v13 =	vtrunc.f32 v13;
	v7 =	vcvt.f32.s32 v7;
	[tilespmem:s8+$0xFFFFFFD0] =	vst v28  }
0x8d: {  	v26 =	vor.u32 v26, v47;
	v48 =	vcvt.f32.s32 v59;
	v28 =	vcvt.f32.s32 v56;
	[tilespmem:s12+$0xFFFFFFD0] =	vst v27  }
0x8e: {  	vm0 =	vlt.s32 v7, $0x3FFE;
	v47 =	vcvt.f32.s32 v58;
	v27 =	vcvt.f32.s32 v61;
	[tilespmem:s8+$0xFFFFFFE0] =	vst v26  }
0x8f: {  	v49 =	vcvt.f32.s32 v62;
	v6 =	vcvt.f32.s32 v6;
	vm1 =	vlt.s32 v28, $0x3FFE  }
0x90: {  	vm2 =	vlt.s32 v48, $0x3FFE;
	v51 =	vcvt.f32.s32 v60;
	v8 =	vcvt.f32.s32 v8  }
0x91: {  	v50 =	vcvt.f32.s32 v50;
	v11 =	vcvt.f32.s32 v11;
	vm3 =	vlt.s32 v27, $0x3FFE  }
0x92: {  	v12 =	vcvt.f32.s32 v12;
	vm4 =	vlt.s32 v47, $0x3FFE;
	v56 =	vcvt.f32.s32 v30  }
0x93: {  	vm5 =	vlt.s32 v49, $0x3FFE;
	v13 =	vcvt.f32.s32 v13;
	vm6 =	vlt.s32 v6, $0x3FFE  }
0x94: {  	vm9 =	vlt.s32 v50, $0x3FFE;
	vm7 =	vlt.s32 v51, $0x3FFE;
	vm8 =	vlt.s32 v8, $0x3FFE  }
0x95: {  	vm10 =	vlt.s32 v11, $0x3FFE;
	vm11 =	vlt.s32 v12, $0x3FFE;
	vm12 =	vlt.s32 v56, $0x3FFE  }
0x96: {  	v30 =	vnsel vm0, $0x3FFE, v7;
	vm0 =	vlt.s32 v13, $0x3FFE;
	v29 =	vnsel vm1, $0x3FFE, v28  }
0x97: {  	v26 =	vnsel vm4, $0x3FFE, v47;
	v28 =	vnsel vm2, $0x3FFE, v48;
	v27 =	vnsel vm3, $0x3FFE, v27  }
0x98: {  	v6 =	vnsel vm6, $0x3FFE, v6;
	v7 =	vnsel vm5, $0x3FFE, v49;
	v47 =	vnsel vm7, $0x3FFE, v51  }
0x99: {  	v11 =	vnsel vm10, $0x3FFE, v11;
	v8 =	vnsel vm8, $0x3FFE, v8;
	v48 =	vnsel vm9, $0x3FFE, v50  }
0x9a: {  	v12 =	vnsel vm11, $0x3FFE, v12;
	v13 =	vnsel vm0, $0x3FFE, v13;
	v49 =	vnsel vm12, $0x3FFE, v56  }
0x9b: {  	v46 =	vor.u32 v25, v46;
	v25 =	vmovc v7;
	v50 =	vcvt.s32.f32 v30;
	v51 =	vcvt.s32.f32 v29  }
0x9c: {  	v45 =	vor.u32 v24, v45;
	v24 =	vmovc v6;
	v7 =	vcvt.s32.f32 v28;
	v56 =	vcvt.s32.f32 v27;
	[tilespmem:s12+$0xFFFFFFE0] =	vst v46  }
0x9d: {  	v5 =	vor.u32 v23, v5;
	v6 =	vcvt.s32.f32 v26;
	v23 =	vmovc v47;
	v46 =	vcvt.s32.f32 v25;
	[tilespmem:s8+$0xFFFFFFF0] =	vst v45  }
0x9e: {  	v47 =	vcvt.s32.f32 v23;
	v45 =	vcvt.s32.f32 v24;
	[tilespmem:s12+$0xFFFFFFF0] =	vst v5;
	v5 =	vor.u32 v22, v9;
	v22 =	vmovc v8  }
0x9f: {  	v9 =	vcvt.s32.f32 v48;
	v8 =	vcvt.s32.f32 v22;
	[tilespmem:s8+$0x0] =	vst v5;
	v5 =	vor.u32 v21, v10;
	v21 =	vmovc v48  }
0xa0: {  	v10 =	vcvt.s32.f32 v11;
	v48 =	vcvt.s32.f32 v12;
	[tilespmem:s12+$0x0] =	vst v5;
	v5 =	vor.u32 v18, v55;
	v18 =	vmovc v11  }
0xa1: {  	v11 =	vcvt.s32.f32 v49;
	v55 =	vcvt.s32.f32 v13;
	[tilespmem:s8+$0x10] =	vst v5;
	v5 =	vor.u32 v19, v53;
	v19 =	vmovc v12  }
0xa2: {  	v12 =	vmul.f32 $6.103888150e-05, v50;
	v50 =	vmul.f32 $6.103888150e-05, v51;
	[tilespmem:s12+$0x10] =	vst v5;
	v5 =	vor.u32 v17, v54;
	v17 =	vmovc v49  }
0xa3: {  	v7 =	vmul.f32 $6.103888150e-05, v7;
	v49 =	vmul.f32 $6.103888150e-05, v56;
	[tilespmem:s8+$0x30] =	vst v5;
	v5 =	vor.u32 v20, v52;
	v20 =	vmovc v13;
	s8 =	smov.u32 s30  }
0xa4: {  	v6 =	vmul.f32 $6.103888150e-05, v6;
	v12 =	vsub.f32 v33, v12;
	v13 =	vmul.f32 $6.103888150e-05, v46;
	[tilespmem:s12+$0x30] =	vst v5;
	s12 =	smov.u32 s6  }
0xa5: {  	v33 =	vmul.f32 $6.103888150e-05, v47;
	v5 =	vsub.f32 v32, v50;
	v32 =	vmul.f32 $6.103888150e-05, v45  }
0xa6: {  	v7 =	vsub.f32 v34, v7;
	v9 =	vmul.f32 $6.103888150e-05, v9;
	v8 =	vmul.f32 $6.103888150e-05, v8  }
0xa7: {  	v10 =	vmul.f32 $6.103888150e-05, v10;
	v34 =	vsub.f32 v35, v49;
	v35 =	vmul.f32 $6.103888150e-05, v48  }
0xa8: {  	v6 =	vsub.f32 v37, v6;
	v11 =	vmul.f32 $6.103888150e-05, v11;
	v37 =	vmul.f32 $6.103888150e-05, v55  }
0xa9: {  	v12 =	vmul.f32 $1.638031640e+04, v12;
	v13 =	vsub.f32 v36, v13;
	v32 =	vsub.f32 v38, v32  }
0xaa: {  	v8 =	vsub.f32 v41, v8;
	v33 =	vsub.f32 v39, v33;
	v5 =	vmul.f32 $1.638031640e+04, v5  }
0xab: {  	v7 =	vmul.f32 $1.638031640e+04, v7;
	v9 =	vsub.f32 v42, v9;
	v10 =	vsub.f32 v43, v10  }
.Ltmp0:
0xac: {  	v34 =	vmul.f32 $1.638031640e+04, v34;
	v45 =	vsub.f32 v44, v35;
	v44 =	vsub.f32 v31, v11;
	(pc) =	sbr.rel @p0 .LBB2_2-.Ltmp0, $4  }
0xad: {  	v43 =	vsub.f32 v40, v37;
	v39 =	vmul.f32 $1.638031640e+04, v6;
	v36 =	vmul.f32 $1.638031640e+04, v13  }
0xae: {  	v38 =	vadd.s32 $0x8000, v12;
	v35 =	vmul.f32 $1.638031640e+04, v33;
	v37 =	vmul.f32 $1.638031640e+04, v32  }
0xaf: {  	v40 =	vmul.f32 $1.638031640e+04, v8;
	v41 =	vadd.s32 $0x8000, v5;
	v32 =	vmul.f32 $1.638031640e+04, v9  }
0xb0: {  	s31 =	sadd.s32 $0x100, s31;
	v42 =	vadd.s32 $0x8000, v7;
	v33 =	vmul.f32 $1.638031640e+04, v10;
	v31 =	vmul.f32 $1.638031640e+04, v45  }
0xb1: {  	v5 =	vmul.f32 $1.638031640e+04, v44;
	v7 =	vand.u32 $0xFFFF0000, v38  }
0xb2: {  	v6 =	vmul.f32 $1.638031640e+04, v43;
	v9 =	vand.u32 $0xFFFF0000, v41;
	v7 =	vor.u32 v30, v7  }
0xb3: {  	v8 =	vadd.s32 $0x8000, v34;
	v11 =	vand.u32 $0xFFFF0000, v42;
	[tilespmem:s8+$0xFFFFFFC0] =	vst v7;
	v7 =	vor.u32 v29, v9  }
0xb4: {  	v8 =	vand.u32 $0xFFFF0000, v8;
	v5 =	vadd.s32 $0x8000, v5;
	[tilespmem:s12+$0xFFFFFFC0] =	vst v7;
	v7 =	vor.u32 v28, v11  }
0xb5: {  	v10 =	vadd.s32 $0x8000, v39;
	v5 =	vand.u32 $0xFFFF0000, v5;
	[tilespmem:s8+$0xFFFFFFD0] =	vst v7;
	v7 =	vor.u32 v27, v8  }
0xb6: {  	v10 =	vand.u32 $0xFFFF0000, v10;
	v6 =	vadd.s32 $0x8000, v6;
	v5 =	vor.u32 v17, v5;
	[tilespmem:s12+$0xFFFFFFD0] =	vst v7  }
0xb7: {  	v9 =	vadd.s32 $0x8000, v36;
	v6 =	vand.u32 $0xFFFF0000, v6;
	v7 =	vor.u32 v26, v10;
	[tilespmem:s8+$0x30] =	vst v5  }
0xb8: {  	v11 =	vadd.s32 $0x8000, v37;
	v9 =	vand.u32 $0xFFFF0000, v9;
	v5 =	vor.u32 v20, v6;
	[tilespmem:s8+$0xFFFFFFE0] =	vst v7  }
0xb9: {  	v8 =	vadd.s32 $0x8000, v35;
	v11 =	vand.u32 $0xFFFF0000, v11;
	v7 =	vor.u32 v25, v9;
	[tilespmem:s12+$0x30] =	vst v5  }
0xba: {  	v10 =	vadd.s32 $0x8000, v40;
	v8 =	vand.u32 $0xFFFF0000, v8;
	[tilespmem:s12+$0xFFFFFFE0] =	vst v7;
	v7 =	vor.u32 v24, v11  }
0xbb: {  	v9 =	vadd.s32 $0x8000, v32;
	v10 =	vand.u32 $0xFFFF0000, v10;
	[tilespmem:s8+$0xFFFFFFF0] =	vst v7;
	v7 =	vor.u32 v23, v8  }
0xbc: {  	v11 =	vadd.s32 $0x8000, v33;
	v9 =	vand.u32 $0xFFFF0000, v9;
	[tilespmem:s12+$0xFFFFFFF0] =	vst v7;
	v7 =	vor.u32 v22, v10  }
0xbd: {  	v8 =	vadd.s32 $0x8000, v31;
	v10 =	vand.u32 $0xFFFF0000, v11;
	[tilespmem:s8+$0x0] =	vst v7;
	v7 =	vor.u32 v21, v9  }
0xbe: {  	v8 =	vand.u32 $0xFFFF0000, v8;
	[tilespmem:s12+$0x0] =	vst v7;
	v7 =	vor.u32 v18, v10  }
0xbf: {  	[tilespmem:s8+$0x10] =	vst v7;
	v7 =	vor.u32 v19, v8  }
0xc0: {  	[tilespmem:s12+$0x10] =	vst v7  }
0xc1: {  	v5 =	vld [tilespmem:$0x1FF70]  }
0xc2: {  	v7 =	vld [tilespmem:$0x1FF80]  }
0xc3: {  	v10 =	vld.idx.msk [tilespmem:v14+s13+$0x0], $0xffff  }
0xc4: {  	v8 =	vor.u32 s22, v1;
	v11 =	vld.idx.msk [tilespmem:v16+s13+$0x0], $0xffff  }
0xc5: {  	v12 =	vld.idx.msk [tilespmem:v15+s13+$0x0], $0xffff  }
0xc6: {  	v15 =	vld [tilespmem:$0x1FF90]  }
0xc7: {  	v17 =	vld [tilespmem:$0x1FFA0]  }
0xc8: {  	v9 =	vor.u32 s25, v1;
	v18 =	vld [tilespmem:$0x1FFD0]  }
0xc9: {  	v6 =	vld.idx.msk [tilespmem:v8+s13+$0x0], $0xffff;
	v8 =	vor.u32 s23, v1;
	v10 =	vmax.f32 v10, $0.0e+00;
	v11 =	vmax.f32 v11, $0.0e+00  }
0xca: {  	v21 =	vmin.f32 v10, $1.000000000e+00;
	v10 =	vld [tilespmem:$0x1FFB0];
	v20 =	vmin.f32 v11, $1.000000000e+00;
	v11 =	vmax.f32 v12, $0.0e+00  }
0xcb: {  	v22 =	vmin.f32 v11, $1.000000000e+00;
	v11 =	vld [tilespmem:$0x1FFE0]  }
0xcc: {  	v5 =	vld.idx.msk [tilespmem:v5+s13+$0x0], $0xffff  }
0xcd: {  	v7 =	vld.idx.msk [tilespmem:v7+s13+$0x0], $0xffff  }
0xce: {  	v6 =	vmax.f32 v6, $0.0e+00;
	v8 =	vld.idx.msk [tilespmem:v8+s13+$0x0], $0xffff  }
0xcf: {  	v9 =	vld.idx.msk [tilespmem:v9+s13+$0x0], $0xffff;
	v6 =	vmin.f32 v6, $1.000000000e+00  }
0xd0: {  	v14 =	vor.u32 s9, v1;
	v17 =	vld.idx.msk [tilespmem:v17+s13+$0x0], $0xffff;
	v13 =	vmul.f32 $1.638300000e+04, v6  }
0xd1: {  	v18 =	vld.idx.msk [tilespmem:v18+s13+$0x0], $0xffff  }
0xd2: {  	v13 =	vtrunc.f32 v13;
	v5 =	vmax.f32 v5, $0.0e+00;
	v7 =	vmax.f32 v7, $0.0e+00  }
0xd3: {  	v12 =	vld [tilespmem:$0x1FFC0];
	v13 =	vcvt.f32.s32 v13;
	v8 =	vmax.f32 v8, $0.0e+00;
	v5 =	vmin.f32 v5, $1.000000000e+00  }
0xd4: {  	v19 =	vmin.f32 v7, $1.000000000e+00;
	v10 =	vld.idx.msk [tilespmem:v10+s13+$0x0], $0xffff;
	v25 =	vmin.f32 v8, $1.000000000e+00;
	v8 =	vmax.f32 v9, $0.0e+00  }
0xd5: {  	v9 =	vld.idx.msk [tilespmem:v14+s13+$0x0], $0xffff;
	v14 =	vmax.f32 v17, $0.0e+00;
	v7 =	vmul.f32 $1.638300000e+04, v5;
	v27 =	vmin.f32 v8, $1.000000000e+00  }
0xd6: {  	v11 =	vld.idx.msk [tilespmem:v11+s13+$0x0], $0xffff;
	v8 =	vmax.f32 v18, $0.0e+00;
	v28 =	vmin.f32 v14, $1.000000000e+00;
	v14 =	vmul.f32 $1.638300000e+04, v25  }
0xd7: {  	v16 =	vmul.f32 $1.638300000e+04, v19;
	v31 =	vmin.f32 v8, $1.000000000e+00;
	v7 =	vtrunc.f32 v7  }
0xd8: {  	v15 =	vld.idx.msk [tilespmem:v15+s13+$0x0], $0xffff;
	vm1 =	vlt.s32 v13, $0x3FFE;
	v18 =	vmul.f32 $1.638300000e+04, v31;
	v14 =	vtrunc.f32 v14  }
0xd9: {  	v24 =	vnsel vm1, $0x3FFE, v13;
	v16 =	vtrunc.f32 v16;
	v7 =	vcvt.f32.s32 v7  }
0xda: {  	v54 =	vcvt.f32.s32 v16;
	v10 =	vmax.f32 v10, $0.0e+00;
	v9 =	vmax.f32 v9, $0.0e+00  }
0xdb: {  	v12 =	vld.idx.msk [tilespmem:v12+s13+$0x0], $0xffff;
	v18 =	vtrunc.f32 v18;
	vm0 =	vlt.s32 v7, $0x3FFE;
	v11 =	vmax.f32 v11, $0.0e+00  }
0xdc: {  	v17 =	vld [tilespmem:$0x1FFF0];
	v29 =	vmin.f32 v10, $1.000000000e+00;
	v10 =	vmul.f32 $1.638300000e+04, v20;
	v33 =	vmin.f32 v9, $1.000000000e+00  }
0xdd: {  	v52 =	vcvt.f32.s32 v18;
	v23 =	vnsel vm0, $0x3FFE, v7;
	v7 =	vmax.f32 v15, $0.0e+00  }
0xde: {  	v15 =	vcvt.s32.f32 v24;
	v32 =	vmin.f32 v11, $1.000000000e+00;
	v11 =	vmul.f32 $1.638300000e+04, v28  }
0xdf: {  	v48 =	vmul.f32 $1.638300000e+04, v33;
	v13 =	vcvt.s32.f32 v23  }
0xe0: {  	v26 =	vmin.f32 v7, $1.000000000e+00;
	v7 =	vmax.f32 v12, $0.0e+00;
	v10 =	vtrunc.f32 v10  }
0xe1: {  	v15 =	vmul.f32 $6.103888150e-05, v15;
	v30 =	vmin.f32 v7, $1.000000000e+00;
	v7 =	vmul.f32 $1.638300000e+04, v21  }
0xe2: {  	v8 =	vmul.f32 $1.638300000e+04, v26;
	v11 =	vtrunc.f32 v11  }
0xe3: {  	v35 =	vtrunc.f32 v48;
	v13 =	vmul.f32 $6.103888150e-05, v13  }
0xe4: {  	vm12 =	vlt.s32 v54, $0x3FFE;
	v17 =	vld.idx.msk [tilespmem:v17+s13+$0x0], $0xffff;
	v9 =	vmul.f32 $1.638300000e+04, v30;
	v11 =	vcvt.f32.s32 v11  }
0xe5: {  	v35 =	vcvt.f32.s32 v35;
	v6 =	vsub.f32 v6, v15;
	v15 =	vmul.f32 $1.638300000e+04, v27  }
0xe6: {  	vm9 =	vlt.s32 v52, $0x3FFE;
	v7 =	vtrunc.f32 v7;
	v8 =	vtrunc.f32 v8  }
0xe7: {  	v5 =	vsub.f32 v5, v13;
	v13 =	vmul.f32 $1.638300000e+04, v22;
	v9 =	vtrunc.f32 v9  }
0xe8: {  	v8 =	vcvt.f32.s32 v8;
	vm6 =	vlt.s32 v11, $0x3FFE;
	v6 =	vmul.f32 $1.638031640e+04, v6  }
0xe9: {  	v12 =	vmax.f32 v17, $0.0e+00;
	v17 =	vmul.f32 $1.638300000e+04, v29;
	v15 =	vtrunc.f32 v15  }
0xea: {  	vm11 =	vlt.s32 v35, $0x3FFE;
	v9 =	vcvt.f32.s32 v9;
	v5 =	vmul.f32 $1.638031640e+04, v5  }
0xeb: {  	v34 =	vmin.f32 v12, $1.000000000e+00;
	v12 =	vmul.f32 $1.638300000e+04, v32;
	v13 =	vtrunc.f32 v13  }
0xec: {  	v50 =	vcvt.f32.s32 v15;
	vm4 =	vlt.s32 v8, $0x3FFE;
	v49 =	vmul.f32 $1.638300000e+04, v34  }
0xed: {  	v17 =	vtrunc.f32 v17;
	v36 =	vadd.s32 $0x8000, v6;
	v6 =	vcvt.f32.s32 v10  }
0xee: {  	v10 =	vcvt.f32.s32 v13;
	v13 =	vcvt.f32.s32 v14;
	vm8 =	vlt.s32 v9, $0x3FFE  }
0xef: {  	v14 =	vnsel vm4, $0x3FFE, v8;
	v12 =	vtrunc.f32 v12;
	v5 =	vadd.s32 $0x8000, v5  }
0xf0: {  	v51 =	vcvt.f32.s32 v17;
	vm5 =	vlt.s32 v50, $0x3FFE;
	v60 =	vcvt.s32.f32 v14  }
0xf1: {  	v37 =	vand.u32 $0xFFFF0000, v5;
	v5 =	vcvt.f32.s32 v7;
	v7 =	vtrunc.f32 v49  }
0xf2: {  	vm1 =	vlt.s32 v6, $0x3FFE;
	vm2 =	vlt.s32 v10, $0x3FFE;
	vm3 =	vlt.s32 v13, $0x3FFE  }
0xf3: {  	v53 =	vcvt.f32.s32 v12;
	v12 =	vnsel vm6, $0x3FFE, v11;
	v55 =	vcvt.f32.s32 v7  }
0xf4: {  	vm7 =	vlt.s32 v51, $0x3FFE;
	v17 =	vnsel vm1, $0x3FFE, v6;
	v16 =	vnsel vm2, $0x3FFE, v10  }
0xf5: {  	v15 =	vnsel vm3, $0x3FFE, v13;
	v13 =	vnsel vm5, $0x3FFE, v50;
	v10 =	vnsel vm8, $0x3FFE, v9  }
0xf6: {  	v9 =	vnsel vm9, $0x3FFE, v52;
	v61 =	vcvt.s32.f32 v12;
	v6 =	vnsel vm12, $0x3FFE, v54  }
0xf7: {  	v37 =	vor.u32 v23, v37;
	v54 =	vmul.f32 $6.103888150e-05, v60;
	v57 =	vcvt.s32.f32 v17  }
0xf8: {  	vm0 =	vlt.s32 v5, $0x3FFE;
	v58 =	vcvt.s32.f32 v16;
	v59 =	vcvt.s32.f32 v15  }
0xf9: {  	vm10 =	vlt.s32 v53, $0x3FFE;
	v45 =	vcvt.s32.f32 v13;
	v62 =	vcvt.s32.f32 v10  }
0xfa: {  	v11 =	vnsel vm7, $0x3FFE, v51;
	v47 =	vcvt.s32.f32 v9;
	v23 =	vcvt.s32.f32 v6  }
0xfb: {  	v18 =	vnsel vm0, $0x3FFE, v5;
	v7 =	vnsel vm10, $0x3FFE, v53;
	v46 =	vcvt.s32.f32 v11  }
0xfc: {  	v5 =	vnsel vm11, $0x3FFE, v35;
	v35 =	vmul.f32 $6.103888150e-05, v61;
	v56 =	vcvt.s32.f32 v18  }
0xfd: {  	v36 =	vand.u32 $0xFFFF0000, v36;
	v63 =	vcvt.s32.f32 v7;
	v48 =	vcvt.s32.f32 v5  }
0xfe: {  	vm15 =	vlt.s32 v55, $0x3FFE;
	v39 =	vmul.f32 $6.103888150e-05, v57;
	v52 =	vmul.f32 $6.103888150e-05, v58  }
0xff: {  	v8 =	vnsel vm15, $0x3FFE, v55;
	v53 =	vmul.f32 $6.103888150e-05, v59;
	v55 =	vmul.f32 $6.103888150e-05, v45  }
0x100: {  	v24 =	vor.u32 v24, v36;
	v57 =	vmul.f32 $6.103888150e-05, v62;
	v58 =	vmul.f32 $6.103888150e-05, v47  }
0x101: {  	v26 =	vsub.f32 v26, v54;
	v23 =	vmul.f32 $6.103888150e-05, v23;
	v49 =	vcvt.s32.f32 v8  }
0x102: {  	v35 =	vsub.f32 v28, v35;
	v38 =	vmul.f32 $6.103888150e-05, v56;
	v20 =	vsub.f32 v20, v39  }
0x103: {  	v56 =	vmul.f32 $6.103888150e-05, v46;
	v22 =	vsub.f32 v22, v52;
	v25 =	vsub.f32 v25, v53  }
0x104: {  	v59 =	vmul.f32 $6.103888150e-05, v63;
	v60 =	vmul.f32 $6.103888150e-05, v48;
	v41 =	vsub.f32 v27, v55  }
0x105: {  	v30 =	vsub.f32 v30, v57;
	v63 =	vsub.f32 v31, v58;
	v27 =	vmul.f32 $1.638031640e+04, v26  }
0x106: {  	v61 =	vmul.f32 $6.103888150e-05, v49;
	v26 =	vmul.f32 $1.638031640e+04, v35;
	v21 =	vsub.f32 v21, v38  }
0x107: {  	v20 =	vmul.f32 $1.638031640e+04, v20;
	v29 =	vsub.f32 v29, v56;
	v62 =	vmul.f32 $1.638031640e+04, v22  }
0x108: {  	[tilespmem:s0+$0xFFFFFFF0] =	vst v37;
	v40 =	vsub.f32 v32, v59;
	v25 =	vmul.f32 $1.638031640e+04, v25;
	v33 =	vsub.f32 v33, v60  }
0x109: {  	[tilespmem:s2+$0xFFFFFFF0] =	vst v24;
	v32 =	vsub.f32 v19, v23;
	v23 =	vmul.f32 $1.638031640e+04, v41;
	v24 =	vmul.f32 $1.638031640e+04, v30  }
0x10a: {  	v31 =	vsub.f32 v34, v61;
	v21 =	vmul.f32 $1.638031640e+04, v21;
	v22 =	vmul.f32 $1.638031640e+04, v29  }
0x10b: {  	s7 =	simm.s32 $0x18070;
	v29 =	vadd.s32 $0x8000, v20;
	v20 =	vmul.f32 $1.638031640e+04, v63;
	v30 =	vadd.s32 $0x8000, v62  }
0x10c: {  	s6 =	simm.s32 $0x1C070;
	s8 =	simm.s32 $0x200;
	s9 =	simm.s32 $0x1E0;
	v19 =	vmul.f32 $1.638031640e+04, v33;
	v28 =	vadd.s32 $0x8000, v21;
	v21 =	vmul.f32 $1.638031640e+04, v40  }
.LBB2_4:
0x10d: {  	s1 =	sadd.s32 $0xFFFFFF40, s9;
	s11 =	sadd.s32 $0xFFFFFF60, s9;
	s12 =	sadd.s32 $0xFFFFFFE0, s9;
	v33 =	vor.u32 s9, v0;
	v44 =	vor.u32 s9, v4;
	v32 =	vmul.f32 $1.638031640e+04, v32  }
0x10e: {  	s14 =	sadd.s32 $0xFFFFFFA0, s9;
	s8 =	sadd.s32 $0x8, s8;
	v34 =	vor.u32 s1, v0;
	v35 =	vor.u32 s1, v1;
	s1 =	sadd.s32 $0xFFFFFF80, s9;
	v36 =	vor.u32 s12, v0  }
0x10f: {  	s15 =	sadd.s32 $0xFFFFFF20, s9;
	v45 =	vor.u32 s11, v0;
	v46 =	vor.u32 s11, v1;
	s11 =	sadd.s32 $0xFFFFFFC0, s9;
	v37 =	vor.u32 s12, v1;
	p0 =	slt.u32 s8, $0x3F8  }
0x110: {  	v38 =	vor.u32 s15, v0;
	v39 =	vor.u32 s15, v1;
	v47 =	vor.u32 s1, v0  }
0x111: {  	v49 =	vor.u32 s14, v0;
	v50 =	vor.u32 s14, v1;
	v48 =	vor.u32 s1, v4  }
0x112: {  	v31 =	vmul.f32 $1.638031640e+04, v31;
	v51 =	vor.u32 s11, v0;
	v52 =	vor.u32 s11, v1;
	v33 =	vld.idx.msk [tilespmem:v33+s13+$0x0], $0xffff  }
0x113: {  	v25 =	vadd.s32 $0x8000, v25;
	v27 =	vadd.s32 $0x8000, v27;
	v23 =	vadd.s32 $0x8000, v23;
	v53 =	vld.idx.msk [tilespmem:v36+s13+$0x0], $0xffff  }
0x114: {  	v26 =	vadd.s32 $0x8000, v26;
	v55 =	vadd.s32 $0x8000, v22;
	v56 =	vadd.s32 $0x8000, v24;
	v54 =	vld.idx.msk [tilespmem:v37+s13+$0x0], $0xffff  }
0x115: {  	v57 =	vadd.s32 $0x8000, v20;
	v43 =	vadd.s32 $0x8000, v21;
	v41 =	vadd.s32 $0x8000, v19;
	v22 =	vld.idx.msk [tilespmem:v38+s13+$0x0], $0xffff  }
0x116: {  	v42 =	vadd.s32 $0x8000, v32;
	v40 =	vadd.s32 $0x8000, v31;
	v38 =	vand.u32 $0xFFFF0000, v28;
	v20 =	vld.idx.msk [tilespmem:v39+s13+$0x0], $0xffff  }
0x117: {  	v36 =	vand.u32 $0xFFFF0000, v25;
	v37 =	vand.u32 $0xFFFF0000, v30;
	v39 =	vand.u32 $0xFFFF0000, v29;
	v24 =	vld.idx.msk [tilespmem:v34+s13+$0x0], $0xffff  }
0x118: {  	v19 =	vmax.f32 v33, $0.0e+00;
	v34 =	vand.u32 $0xFFFF0000, v23;
	v25 =	vld.idx.msk [tilespmem:v35+s13+$0x0], $0xffff;
	v35 =	vand.u32 $0xFFFF0000, v27  }
0x119: {  	v33 =	vand.u32 $0xFFFF0000, v26;
	v21 =	vmax.f32 v53, $0.0e+00;
	v19 =	vmin.f32 v19, $1.000000000e+00;
	v23 =	vld.idx.msk [tilespmem:v45+s13+$0x0], $0xffff  }
0x11a: {  	v28 =	vmin.f32 v21, $1.000000000e+00;
	v21 =	vmax.f32 v54, $0.0e+00;
	v45 =	vmul.f32 $1.638300000e+04, v19;
	v26 =	vld.idx.msk [tilespmem:v46+s13+$0x0], $0xffff  }
0x11b: {  	v22 =	vmax.f32 v22, $0.0e+00;
	v29 =	vmul.f32 $1.638300000e+04, v28;
	v30 =	vmin.f32 v21, $1.000000000e+00;
	v27 =	vld.idx.msk [tilespmem:v47+s13+$0x0], $0xffff  }
0x11c: {  	v21 =	vmin.f32 v22, $1.000000000e+00;
	v20 =	vmax.f32 v20, $0.0e+00;
	v22 =	vmul.f32 $1.638300000e+04, v30;
	v31 =	vld.idx.msk [tilespmem:v48+s13+$0x0], $0xffff  }
0x11d: {  	v20 =	vmin.f32 v20, $1.000000000e+00;
	v24 =	vmax.f32 v24, $0.0e+00;
	v29 =	vtrunc.f32 v29;
	v32 =	vld.idx.msk [tilespmem:v49+s13+$0x0], $0xffff  }
0x11e: {  	v25 =	vmax.f32 v25, $0.0e+00;
	v29 =	vcvt.f32.s32 v29;
	v47 =	vtrunc.f32 v22;
	v46 =	vld.idx.msk [tilespmem:v50+s13+$0x0], $0xffff  }
0x11f: {  	v22 =	vmin.f32 v24, $1.000000000e+00;
	v24 =	vmax.f32 v23, $0.0e+00;
	v47 =	vcvt.f32.s32 v47;
	v48 =	vld.idx.msk [tilespmem:v51+s13+$0x0], $0xffff  }
0x120: {  	v23 =	vmin.f32 v25, $1.000000000e+00;
	v26 =	vmax.f32 v26, $0.0e+00;
	vm0 =	vlt.s32 v29, $0x3FFE;
	v49 =	vld.idx.msk [tilespmem:v52+s13+$0x0], $0xffff  }
0x121: {  	v27 =	vmax.f32 v27, $0.0e+00;
	v50 =	vnsel vm0, $0x3FFE, v29;
	vm0 =	vlt.s32 v47, $0x3FFE;
	v44 =	vld.idx.msk [tilespmem:v44+s13+$0x0], $0xffff  }
0x122: {  	v29 =	vmax.f32 v31, $0.0e+00;
	v31 =	vcvt.s32.f32 v50;
	v47 =	vnsel vm0, $0x3FFE, v47  }
0x123: {  	v25 =	vmin.f32 v24, $1.000000000e+00;
	v32 =	vmax.f32 v32, $0.0e+00;
	v51 =	vcvt.s32.f32 v47  }
0x124: {  	v24 =	vmin.f32 v26, $1.000000000e+00;
	v46 =	vmax.f32 v46, $0.0e+00;
	v31 =	vmul.f32 $6.103888150e-05, v31  }
0x125: {  	v26 =	vmin.f32 v27, $1.000000000e+00;
	v48 =	vmax.f32 v48, $0.0e+00;
	v51 =	vmul.f32 $6.103888150e-05, v51  }
0x126: {  	v27 =	vmin.f32 v29, $1.000000000e+00;
	v49 =	vmax.f32 v49, $0.0e+00;
	v28 =	vsub.f32 v28, v31  }
0x127: {  	v29 =	vmin.f32 v32, $1.000000000e+00;
	v51 =	vsub.f32 v30, v51;
	v44 =	vmax.f32 v44, $0.0e+00  }
0x128: {  	v31 =	vmin.f32 v48, $1.000000000e+00;
	v30 =	vmin.f32 v46, $1.000000000e+00;
	v46 =	vmul.f32 $1.638031640e+04, v28  }
0x129: {  	v32 =	vmin.f32 v49, $1.000000000e+00;
	v28 =	vmin.f32 v44, $1.000000000e+00;
	v48 =	vmul.f32 $1.638031640e+04, v51  }
0x12a: {  	v49 =	vmul.f32 $1.638300000e+04, v20;
	v44 =	vmul.f32 $1.638300000e+04, v21;
	v46 =	vadd.s32 $0x8000, v46  }
0x12b: {  	v51 =	vmul.f32 $1.638300000e+04, v22;
	v46 =	vand.u32 $0xFFFF0000, v46;
	v48 =	vadd.s32 $0x8000, v48  }
0x12c: {  	s0 =	sadd.s32 $0x80, s0;
	v52 =	vmul.f32 $1.638300000e+04, v23;
	v46 =	vor.u32 v50, v46;
	v48 =	vand.u32 $0xFFFF0000, v48  }
0x12d: {  	s2 =	sadd.s32 $0x80, s2;
	v53 =	vmul.f32 $1.638300000e+04, v24;
	v50 =	vmul.f32 $1.638300000e+04, v25;
	[tilespmem:s0+$0xFFFFFFF0] =	vst v46;
	v46 =	vor.u32 v47, v48  }
0x12e: {  	v47 =	vmul.f32 $1.638300000e+04, v26;
	v48 =	vmul.f32 $1.638300000e+04, v27;
	[tilespmem:s2+$0xFFFFFFF0] =	vst v46;
	v46 =	vand.u32 $0xFFFF0000, v55  }
0x12f: {  	v56 =	vand.u32 $0xFFFF0000, v56;
	v54 =	vmul.f32 $1.638300000e+04, v29;
	v55 =	vmul.f32 $1.638300000e+04, v30  }
0x130: {  	v57 =	vand.u32 $0xFFFF0000, v57;
	v58 =	vmul.f32 $1.638300000e+04, v31;
	v59 =	vmul.f32 $1.638300000e+04, v32  }
0x131: {  	v43 =	vand.u32 $0xFFFF0000, v43;
	v60 =	vmul.f32 $1.638300000e+04, v28;
	v44 =	vtrunc.f32 v44  }
0x132: {  	v41 =	vand.u32 $0xFFFF0000, v41;
	v49 =	vtrunc.f32 v49;
	v51 =	vtrunc.f32 v51  }
0x133: {  	v42 =	vand.u32 $0xFFFF0000, v42;
	v52 =	vtrunc.f32 v52;
	v50 =	vtrunc.f32 v50  }
0x134: {  	v40 =	vand.u32 $0xFFFF0000, v40;
	v53 =	vtrunc.f32 v53;
	v47 =	vtrunc.f32 v47  }
0x135: {  	v18 =	vor.u32 v18, v38;
	v54 =	vtrunc.f32 v54;
	v48 =	vtrunc.f32 v48  }
0x136: {  	v17 =	vor.u32 v17, v39;
	v38 =	vtrunc.f32 v55;
	v55 =	vtrunc.f32 v58;
	[tilespmem:s7+$0xFFFFFF90] =	vst v18  }
0x137: {  	v16 =	vor.u32 v16, v37;
	v39 =	vtrunc.f32 v45;
	v18 =	vtrunc.f32 v59;
	[tilespmem:s6+$0xFFFFFF90] =	vst v17  }
0x138: {  	v15 =	vor.u32 v15, v36;
	v37 =	vtrunc.f32 v60;
	v17 =	vcvt.f32.s32 v44;
	[tilespmem:s7+$0xFFFFFFA0] =	vst v16  }
0x139: {  	v14 =	vor.u32 v14, v35;
	v36 =	vcvt.f32.s32 v51;
	v16 =	vcvt.f32.s32 v49;
	[tilespmem:s6+$0xFFFFFFA0] =	vst v15  }
0x13a: {  	v35 =	vcvt.f32.s32 v50;
	vm0 =	vlt.s32 v17, $0x3FFE;
	v15 =	vcvt.f32.s32 v52;
	[tilespmem:s7+$0xFFFFFFB0] =	vst v14  }
0x13b: {  	v45 =	vcvt.f32.s32 v47;
	v44 =	vcvt.f32.s32 v53;
	vm1 =	vlt.s32 v16, $0x3FFE  }
0x13c: {  	vm2 =	vlt.s32 v36, $0x3FFE;
	v47 =	vcvt.f32.s32 v48;
	v48 =	vcvt.f32.s32 v54  }
0x13d: {  	v38 =	vcvt.f32.s32 v38;
	v49 =	vcvt.f32.s32 v55;
	vm3 =	vlt.s32 v15, $0x3FFE  }
0x13e: {  	v39 =	vcvt.f32.s32 v39;
	vm4 =	vlt.s32 v35, $0x3FFE;
	v50 =	vcvt.f32.s32 v18  }
0x13f: {  	v37 =	vcvt.f32.s32 v37;
	vm6 =	vlt.s32 v45, $0x3FFE;
	vm5 =	vlt.s32 v44, $0x3FFE  }
0x140: {  	vm7 =	vlt.s32 v47, $0x3FFE;
	vm8 =	vlt.s32 v48, $0x3FFE;
	vm9 =	vlt.s32 v38, $0x3FFE  }
0x141: {  	vm12 =	vlt.s32 v39, $0x3FFE;
	vm11 =	vlt.s32 v50, $0x3FFE;
	vm10 =	vlt.s32 v49, $0x3FFE  }
0x142: {  	v18 =	vnsel vm0, $0x3FFE, v17;
	vm0 =	vlt.s32 v37, $0x3FFE;
	v17 =	vnsel vm1, $0x3FFE, v16  }
0x143: {  	v14 =	vnsel vm4, $0x3FFE, v35;
	v16 =	vnsel vm2, $0x3FFE, v36;
	v15 =	vnsel vm3, $0x3FFE, v15  }
0x144: {  	v35 =	vnsel vm5, $0x3FFE, v44;
	v44 =	vnsel vm7, $0x3FFE, v47;
	v36 =	vnsel vm6, $0x3FFE, v45  }
0x145: {  	v38 =	vnsel vm9, $0x3FFE, v38;
	v45 =	vnsel vm8, $0x3FFE, v48;
	v47 =	vnsel vm10, $0x3FFE, v49  }
0x146: {  	v39 =	vnsel vm12, $0x3FFE, v39;
	v48 =	vnsel vm11, $0x3FFE, v50;
	v37 =	vnsel vm0, $0x3FFE, v37  }
0x147: {  	v34 =	vor.u32 v13, v34;
	v49 =	vcvt.s32.f32 v18;
	v13 =	vmovc v35;
	v50 =	vcvt.s32.f32 v17  }
0x148: {  	v33 =	vor.u32 v12, v33;
	v35 =	vcvt.s32.f32 v16;
	v12 =	vmovc v36;
	v51 =	vcvt.s32.f32 v15;
	[tilespmem:s6+$0xFFFFFFB0] =	vst v34  }
0x149: {  	v36 =	vcvt.s32.f32 v13;
	v34 =	vcvt.s32.f32 v14;
	[tilespmem:s7+$0xFFFFFFC0] =	vst v33;
	v33 =	vor.u32 v11, v46;
	v11 =	vmovc v44  }
0x14a: {  	v44 =	vcvt.s32.f32 v12;
	v46 =	vcvt.s32.f32 v11;
	[tilespmem:s6+$0xFFFFFFC0] =	vst v33;
	v33 =	vor.u32 v10, v56;
	v10 =	vmovc v45  }
0x14b: {  	v52 =	vcvt.s32.f32 v38;
	v45 =	vcvt.s32.f32 v10;
	[tilespmem:s7+$0xFFFFFFD0] =	vst v33;
	v33 =	vor.u32 v9, v57;
	v9 =	vmovc v38  }
0x14c: {  	v53 =	vcvt.s32.f32 v48;
	v38 =	vcvt.s32.f32 v47;
	[tilespmem:s6+$0xFFFFFFD0] =	vst v33;
	v33 =	vor.u32 v7, v43;
	v7 =	vmovc v47  }
0x14d: {  	v43 =	vcvt.s32.f32 v39;
	v47 =	vcvt.s32.f32 v37;
	[tilespmem:s7+$0xFFFFFFE0] =	vst v33;
	v33 =	vor.u32 v5, v41;
	v5 =	vmovc v48  }
0x14e: {  	v41 =	vmul.f32 $6.103888150e-05, v49;
	v48 =	vmul.f32 $6.103888150e-05, v50;
	[tilespmem:s6+$0xFFFFFFE0] =	vst v33;
	v33 =	vor.u32 v6, v42;
	v6 =	vmovc v39  }
0x14f: {  	v35 =	vmul.f32 $6.103888150e-05, v35;
	v39 =	vmul.f32 $6.103888150e-05, v51;
	[tilespmem:s7+$0x0] =	vst v33;
	v33 =	vor.u32 v8, v40;
	v8 =	vmovc v37;
	s7 =	smov.u32 s0  }
0x150: {  	v36 =	vmul.f32 $6.103888150e-05, v36;
	v34 =	vmul.f32 $6.103888150e-05, v34;
	v21 =	vsub.f32 v21, v41;
	[tilespmem:s6+$0x0] =	vst v33;
	s6 =	smov.u32 s2  }
0x151: {  	v20 =	vsub.f32 v20, v48;
	v37 =	vmul.f32 $6.103888150e-05, v46;
	v33 =	vmul.f32 $6.103888150e-05, v44  }
0x152: {  	v22 =	vsub.f32 v22, v35;
	v35 =	vmul.f32 $6.103888150e-05, v45;
	v40 =	vmul.f32 $6.103888150e-05, v52  }
0x153: {  	v38 =	vmul.f32 $6.103888150e-05, v38;
	v23 =	vsub.f32 v23, v39;
	v39 =	vmul.f32 $6.103888150e-05, v53  }
0x154: {  	v34 =	vsub.f32 v25, v34;
	v42 =	vmul.f32 $6.103888150e-05, v47;
	v41 =	vmul.f32 $6.103888150e-05, v43  }
0x155: {  	v24 =	vsub.f32 v24, v36;
	v21 =	vmul.f32 $1.638031640e+04, v21;
	v26 =	vsub.f32 v26, v33  }
0x156: {  	v35 =	vsub.f32 v29, v35;
	v20 =	vmul.f32 $1.638031640e+04, v20;
	v33 =	vsub.f32 v27, v37  }
0x157: {  	v36 =	vmul.f32 $1.638031640e+04, v22;
	v30 =	vsub.f32 v30, v40;
	v37 =	vsub.f32 v31, v38  }
.Ltmp1:
0x158: {  	v25 =	vmul.f32 $1.638031640e+04, v23;
	v38 =	vsub.f32 v32, v39;
	v32 =	vsub.f32 v19, v41;
	(pc) =	sbr.rel @p0 .LBB2_4-.Ltmp1, $4  }
0x159: {  	v27 =	vmul.f32 $1.638031640e+04, v34;
	v23 =	vmul.f32 $1.638031640e+04, v24;
	v31 =	vsub.f32 v28, v42  }
0x15a: {  	v28 =	vadd.s32 $0x8000, v21;
	v26 =	vmul.f32 $1.638031640e+04, v26;
	v22 =	vmul.f32 $1.638031640e+04, v33  }
0x15b: {  	v24 =	vmul.f32 $1.638031640e+04, v35;
	v29 =	vadd.s32 $0x8000, v20;
	v20 =	vmul.f32 $1.638031640e+04, v30  }
0x15c: {  	s9 =	sadd.s32 $0x100, s9;
	v30 =	vadd.s32 $0x8000, v36;
	v21 =	vmul.f32 $1.638031640e+04, v37;
	v19 =	vmul.f32 $1.638031640e+04, v38  }
0x15d: {  	v32 =	vmul.f32 $1.638031640e+04, v32;
	v28 =	vand.u32 $0xFFFF0000, v28  }
0x15e: {  	v31 =	vmul.f32 $1.638031640e+04, v31;
	v53 =	vand.u32 $0xFFFF0000, v30;
	v18 =	vor.u32 v18, v28  }
0x15f: {  	v29 =	vand.u32 $0xFFFF0000, v29;
	v25 =	vadd.s32 $0x8000, v25;
	v16 =	vor.u32 v16, v53;
	[tilespmem:s7+$0xFFFFFF90] =	vst v18  }
0x160: {  	v54 =	vadd.s32 $0x8000, v27;
	v17 =	vor.u32 v17, v29;
	v25 =	vand.u32 $0xFFFF0000, v25;
	[tilespmem:s7+$0xFFFFFFA0] =	vst v16  }
0x161: {  	v56 =	vadd.s32 $0x8000, v26;
	v18 =	vand.u32 $0xFFFF0000, v54;
	v15 =	vor.u32 v15, v25;
	[tilespmem:s6+$0xFFFFFF90] =	vst v17  }
0x162: {  	v55 =	vadd.s32 $0x8000, v23;
	v16 =	vand.u32 $0xFFFF0000, v56;
	[tilespmem:s6+$0xFFFFFFA0] =	vst v15;
	v14 =	vor.u32 v14, v18  }
0x163: {  	v57 =	vadd.s32 $0x8000, v22;
	v17 =	vand.u32 $0xFFFF0000, v55;
	v12 =	vor.u32 v12, v16;
	[tilespmem:s7+$0xFFFFFFB0] =	vst v14  }
0x164: {  	v58 =	vadd.s32 $0x8000, v24;
	v15 =	vand.u32 $0xFFFF0000, v57;
	v13 =	vor.u32 v13, v17;
	[tilespmem:s7+$0xFFFFFFC0] =	vst v12  }
0x165: {  	v60 =	vadd.s32 $0x8000, v21;
	v14 =	vand.u32 $0xFFFF0000, v58;
	v11 =	vor.u32 v11, v15;
	[tilespmem:s6+$0xFFFFFFB0] =	vst v13  }
0x166: {  	v59 =	vadd.s32 $0x8000, v20;
	v12 =	vand.u32 $0xFFFF0000, v60;
	[tilespmem:s6+$0xFFFFFFC0] =	vst v11;
	v10 =	vor.u32 v10, v14  }
0x167: {  	v61 =	vadd.s32 $0x8000, v19;
	v13 =	vand.u32 $0xFFFF0000, v59;
	v7 =	vor.u32 v7, v12;
	[tilespmem:s7+$0xFFFFFFD0] =	vst v10  }
0x168: {  	v62 =	vadd.s32 $0x8000, v32;
	v11 =	vand.u32 $0xFFFF0000, v61;
	v9 =	vor.u32 v9, v13;
	[tilespmem:s7+$0xFFFFFFE0] =	vst v7  }
0x169: {  	v63 =	vadd.s32 $0x8000, v31;
	v10 =	vand.u32 $0xFFFF0000, v62;
	v5 =	vor.u32 v5, v11;
	[tilespmem:s6+$0xFFFFFFD0] =	vst v9  }
0x16a: {  	v7 =	vand.u32 $0xFFFF0000, v63;
	[tilespmem:s6+$0xFFFFFFE0] =	vst v5;
	v5 =	vor.u32 v6, v10  }
0x16b: {  	[tilespmem:s7+$0x0] =	vst v5;
	v5 =	vor.u32 v8, v7  }
0x16c: {  	[tilespmem:s6+$0x0] =	vst v5  }
0x16d: {  	s2 =	simm.s32 $0x0;
	s1 =	simm.s32 $0x80;
	s0 =	rddreg [dreg:$0x6]  }
0x16e: {  	[tilespmem:s2], [sflag:$0x1] =	stream.strided.gather [hbm4b:s0+s1], $0x4000, s17, s1, $0x38;
	[tilespmem:$0x1E000] =	vst v63  }
0x16f: {  	s31 =	rddreg [dreg:$0x7];
	s0 =	simm.s32 $0x0  }
0x170: {  	[tilespmem:s13], [sflag:$0x2] =	stream.strided.gather [hbm4b:s31+s1], $0x4000, s17, s1, $0x38;
	[tilespmem:$0x1E000] =	vst v63  }
.LBB2_6:
0x171: {  	s6 =	simm.s32 $0x1  }
0x172: {  	_ =	swait.ge [sflag:s6], $0x4000  }
0x173: {  	[sflag:s6] =	ssyncset.done $0x0  }
0x174: {  	s1 =	sshll.u32 s0, $0x2;
	s8 =	simm.s32 $0x2;
	[sflag:s6] =	ssyncadd.s32 $0xFFFFC000  }
0x175: {  	s15 =	sshll.u32 s0, $0x6;
	s2 =	sadd.s32 s5, s1;
	_ =	swait.ge [sflag:s8], $0x4000  }
0x176: {  	s1 =	sand.u32 $0x40, s15;
	s16 =	sshll.u32 s2, $0xB;
	s7 =	rddreg [dreg:$0x0]  }
0x177: {  	s6 =	sand.u32 $0x1FC000, s16;
	s1 =	sadd.s32 s1, s7  }
0x178: {  	[sflag:s8] =	ssyncset.done $0x0;
	s1 =	sadd.s32 s6, s1  }
0x179: {  	s22 =	simm.s32 $0x80;
	[sflag:s8] =	ssyncadd.s32 $0xFFFFC000;
	s6 =	sadd.s32 $0x20, s1  }
0x17a: {  	[tilespmem:s18], [sflag:$0x3] =	stream.strided.gather [hbm4b:s6+s22], $0x4000, s17, s22, $0x38;
	[tilespmem:$0x1E000] =	vst v63  }
0x17b: {  	p0 =	seq.s32 s0, $0x0;
	s1 =	sadd.s32 $0x30, s1  }
0x17c: {  	[tilespmem:s19], [sflag:$0x4] =	stream.strided.gather [hbm4b:s1+s22], $0x4000, s17, s22, $0x38;
	[tilespmem:$0x1E000] =	vst v63  }
0x17d: {  	s23 =	simm.s32 $0x0;
	s1 =	simm.s32 @!p0 $0x5  }
0x17e: {  	s30 =	sand.u32 $0x60, s23;
	_ =	swait.ge @!p0 [sflag:s1], $0x2000  }
0x17f: {  	s8 =	sor.u32 $0x10, s30;
	s6 =	sand.u32 $0xF80, s23;
	[sflag:s1] =	ssyncset.done @!p0 $0x0  }
0x180: {  	s25 =	sor.u32 s6, s8;
	[sflag:s1] =	ssyncadd.s32 @!p0 $0xFFFFE000  }
0x181: {  	s26 =	simm.s32 $0x16000;
	v13 =	vld [tilespmem:s25+$0x16000]  }
0x182: {  	v9 =	vld [tilespmem:s26+$0x0];
	_ =	sdelay $0x2  }
0x183: {  	v17 =	vld [tilespmem:s25+$0x1A000]  }
0x184: {  	s28 =	simm.s32 $0x1A000;
	s29 =	simm.s32 $0x20;
	v12 =	vand.u32 $0xFFFF, v13  }
0x185: {  	s12 =	sand.u32 $0x60, s29;
	s16 =	simm.s32 $0x1A020;
	v7 =	vld [tilespmem:s28+$0x0];
	v10 =	vand.u32 $0xFFFF, v9  }
0x186: {  	s9 =	sor.u32 $0x10, s12;
	s6 =	sand.u32 $0xF80, s29;
	s1 =	simm.s32 $0x16020;
	v6 =	vld [tilespmem:s16+$0x0]  }
0x187: {  	s14 =	sor.u32 s6, s9;
	v5 =	vld [tilespmem:s1+$0x0]  }
0x188: {  	v8 =	vld [tilespmem:s14+$0x16000];
	v28 =	vand.u32 $0xFFFF, v17  }
0x189: {  	v14 =	vadd.s32 $0x1, v12;
	v22 =	vld.idx.msk [tilespmem:v12+s4+$0x0], $0xffff  }
0x18a: {  	v11 =	vld.idx.msk [tilespmem:v10+s13+$0x0], $0xffff  }
0x18b: {  	v21 =	vand.u32 $0xFFFF, v7;
	v23 =	vadd.s32 $0x1, v10;
	v18 =	vadd.s32 $0x1, v28;
	v10 =	vld.idx.msk [tilespmem:v10+s4+$0x0], $0xffff  }
0x18c: {  	v24 =	vadd.s32 $0x1, v21;
	v30 =	vld.idx.msk [tilespmem:v12+s13+$0x0], $0xffff  }
0x18d: {  	v12 =	vld.idx.msk [tilespmem:v28+s4+$0x0], $0xffff  }
0x18e: {  	v20 =	vld.idx.msk [tilespmem:v14+s13+$0x0], $0xffff  }
0x18f: {  	v14 =	vld.idx.msk [tilespmem:v14+s4+$0x0], $0xffff  }
0x190: {  	v15 =	vld.idx.msk [tilespmem:v18+s13+$0x0], $0xffff  }
0x191: {  	v19 =	vld.idx.msk [tilespmem:v24+s13+$0x0], $0xffff  }
0x192: {  	v31 =	vld.idx.msk [tilespmem:v18+s4+$0x0], $0xffff  }
0x193: {  	v18 =	vld.idx.msk [tilespmem:v21+s4+$0x0], $0xffff  }
0x194: {  	v27 =	vld.idx.msk [tilespmem:v24+s4+$0x0], $0xffff;
	v14 =	vsub.f32 v14, v22  }
0x195: {  	v13 =	vand.u32 $0xFFFF0000, v13;
	v24 =	vsub.f32 v20, v30;
	v20 =	vld.idx.msk [tilespmem:v21+s13+$0x0], $0xffff;
	v21 =	vand.u32 $0xFFFF, v8  }
0x196: {  	s31 =	sshll.u32 s0, $0x9;
	v16 =	vld.idx.msk [tilespmem:v23+s13+$0x0], $0xffff;
	v29 =	vmul.f32 v13, v14  }
0x197: {  	s7 =	sand.u32 $0x200, s31;
	s23 =	simm.s32 $0x0;
	s6 =	sshll.u32 s2, $0xE;
	v26 =	vld.idx.msk [tilespmem:v23+s4+$0x0], $0xffff;
	v14 =	vand.u32 $0xFFFF0000, v17;
	v17 =	vmul.f32 v13, v24  }
0x198: {  	s2 =	sshll.u32 s0, $0x1;
	s22 =	simm.s32 $0x40;
	s11 =	sand.u32 $0xFE0000, s6;
	v25 =	vand.u32 $0xFFFF, v5;
	v23 =	vld [tilespmem:s14+$0x1A000];
	v24 =	vadd.s32 $0x1, v21;
	v29 =	vadd.f32 v29, v22  }
0x199: {  	s11 =	sor.u32 s7, s11;
	s25 =	simm.s32 $0x2;
	s26 =	simm.s32 $0x40;
	v13 =	vadd.s32 $0x1, v25;
	v22 =	vld.idx.msk [tilespmem:v28+s13+$0x0], $0xffff;
	v28 =	vsub.f32 v31, v12;
	v17 =	vadd.f32 v17, v30  }
.LBB2_7:
0x19a: {  	s28 =	sand.u32 $0x60, s26;
	v30 =	vld.idx.msk [tilespmem:v21+s4+$0x0], $0xffff;
	s1 =	sadd.s32 $0x20, s1;
	s16 =	sadd.s32 $0x20, s16;
	v29 =	vsub.f32 $1.000000000e+00, v29  }
0x19b: {  	s14 =	sand.u32 $0xF80, s26;
	s25 =	sadd.s32 $0x2, s25;
	v27 =	vsub.f32 v27, v18;
	v31 =	vld [tilespmem:s16+$0x0];
	s15 =	sor.u32 $0x10, s28;
	v28 =	vmul.f32 v14, v28  }
0x19c: {  	v32 =	vand.u32 $0xFFFF0000, v9;
	v33 =	vand.u32 $0xFFFF0000, v7;
	v7 =	vmovc v6;
	v9 =	vmov v5;
	p1 =	slt.u32 s25, $0xFE;
	s14 =	sor.u32 s14, s15;
	v5 =	vld [tilespmem:s1+$0x0]  }
0x19d: {  	v41 =	vsub.f32 v16, v11;
	v34 =	vand.u32 $0xFFFF, v7;
	v26 =	vsub.f32 v26, v10;
	v35 =	vld.idx.msk [tilespmem:v25+s13+$0x0], $0xffff  }
0x19e: {  	v19 =	vsub.f32 v19, v20;
	v36 =	vadd.s32 $0x1, v34;
	v16 =	vmul.f32 v33, v27;
	v37 =	vld.idx.msk [tilespmem:v24+s13+$0x0], $0xffff  }
0x19f: {  	v27 =	vmul.f32 v32, v41;
	v39 =	vand.u32 $0xFFFF, v23;
	v15 =	vsub.f32 v15, v22;
	v38 =	vld [tilespmem:s14+$0x16000]  }
0x1a0: {  	v19 =	vmul.f32 v33, v19;
	v40 =	vadd.s32 $0x1, v39;
	v18 =	vadd.f32 v16, v18;
	v25 =	vld.idx.msk [tilespmem:v25+s4+$0x0], $0xffff;
	v6 =	vmovc v31  }
0x1a1: {  	v26 =	vmul.f32 v32, v26;
	v32 =	vadd.f32 v27, v11;
	v27 =	vmul.f32 v14, v15;
	v16 =	vld.idx.msk [tilespmem:v13+s13+$0x0], $0xffff  }
0x1a2: {  	v14 =	vand.u32 $0xFFFF0000, v23;
	v15 =	vadd.f32 v19, v20;
	v19 =	vadd.f32 v28, v12;
	v23 =	vld.idx.msk [tilespmem:v24+s4+$0x0], $0xffff  }
0x1a3: {  	v20 =	vsub.f32 $1.000000000e+00, v32;
	v11 =	vmov v35;
	v31 =	vld.idx.msk [tilespmem:v21+s13+$0x0], $0xffff  }
0x1a4: {  	v28 =	vadd.f32 v26, v10;
	v21 =	vsub.f32 $1.000000000e+00, v15;
	v12 =	vld.idx.msk [tilespmem:v39+s4+$0x0], $0xffff  }
0x1a5: {  	s29 =	sand.u32 $0x1F00, s23;
	s23 =	smov.u32 s22;
	v22 =	vadd.f32 v27, v22;
	v24 =	vsub.f32 $1.000000000e+00, v19;
	v15 =	vld.idx.msk [tilespmem:v40+s13+$0x0], $0xffff  }
0x1a6: {  	s29 =	sor.u32 $0x10000, s29;
	v26 =	vsub.f32 $1.000000000e+00, v28;
	v27 =	vsub.f32 $1.000000000e+00, v18;
	v20 =	vmul.f32 v21, v20;
	v10 =	vmovc v25;
	v19 =	vld.idx.msk [tilespmem:v36+s13+$0x0], $0xffff  }
0x1a7: {  	v17 =	vsub.f32 $1.000000000e+00, v17;
	s31 =	sor.u32 s30, s29;
	s30 =	smov.u32 s12;
	s12 =	smov.u32 s28;
	v24 =	vmul.f32 v24, v29;
	v22 =	vsub.f32 $1.000000000e+00, v22;
	v28 =	vld.idx.msk [tilespmem:v40+s4+$0x0], $0xffff  }
0x1a8: {  	s28 =	sor.u32 s8, s29;
	s8 =	smov.u32 s9;
	s9 =	smov.u32 s15;
	v29 =	vand.u32 $0xFFFF0000, v8;
	v25 =	vsub.f32 v23, v30;
	v23 =	vmul.f32 v27, v26;
	v18 =	vld.idx.msk [tilespmem:v34+s4+$0x0], $0xffff;
	[tilespmem:s31+$0x80] =	vst v20  }
.Ltmp2:
0x1a9: {  	v21 =	vand.u32 $0xFFFF, v38;
	v17 =	vmul.f32 v22, v17;
	v32 =	vsub.f32 v37, v31;
	v27 =	vld.idx.msk [tilespmem:v36+s4+$0x0], $0xffff;
	[tilespmem:s28+$0x0] =	vst v24;
	(pc) =	sbr.rel @p1 .LBB2_7-.Ltmp2, $4  }
0x1aa: {  	v8 =	vmov v38;
	v22 =	vmul.f32 v29, v25;
	v20 =	vld.idx.msk [tilespmem:v34+s13+$0x0], $0xffff;
	[tilespmem:s31+$0x0] =	vst v23  }
0x1ab: {  	v25 =	vand.u32 $0xFFFF, v5;
	v24 =	vadd.s32 $0x1, v21;
	v32 =	vmul.f32 v29, v32;
	v26 =	vld.idx.msk [tilespmem:v13+s4+$0x0], $0xffff  }
0x1ac: {  	v13 =	vadd.s32 $0x1, v25;
	v29 =	vadd.f32 v22, v30;
	v23 =	vld [tilespmem:s14+$0x1A000];
	[tilespmem:s28+$0x80] =	vst v17  }
0x1ad: {  	s26 =	sadd.s32 $0x20, s26;
	s22 =	sadd.s32 $0x40, s22;
	v28 =	vsub.f32 v28, v12;
	v17 =	vadd.f32 v32, v31;
	v22 =	vld.idx.msk [tilespmem:v39+s13+$0x0], $0xffff  }
0x1ae: {  	_ =	sdelay $0x3  }
0x1af: {  	v30 =	vld.idx.msk [tilespmem:v21+s4+$0x0], $0xffff  }
0x1b0: {  	v31 =	vld.idx.msk [tilespmem:v25+s13+$0x0], $0xffff  }
0x1b1: {  	v27 =	vsub.f32 v27, v18;
	v32 =	vand.u32 $0xFFFF, v6;
	v33 =	vld.idx.msk [tilespmem:v24+s13+$0x0], $0xffff  }
0x1b2: {  	v9 =	vand.u32 $0xFFFF0000, v9;
	v16 =	vsub.f32 v16, v11;
	v25 =	vld.idx.msk [tilespmem:v25+s4+$0x0], $0xffff;
	v7 =	vand.u32 $0xFFFF0000, v7  }
0x1b3: {  	v37 =	vld.idx.msk [tilespmem:v13+s13+$0x0], $0xffff;
	v35 =	vadd.s32 $0x1, v32;
	v19 =	vsub.f32 v19, v20;
	v28 =	vmul.f32 v14, v28  }
0x1b4: {  	v24 =	vld.idx.msk [tilespmem:v24+s4+$0x0], $0xffff;
	v17 =	vsub.f32 $1.000000000e+00, v17;
	v27 =	vmul.f32 v7, v27;
	v26 =	vsub.f32 v26, v10  }
0x1b5: {  	v21 =	vld.idx.msk [tilespmem:v21+s13+$0x0], $0xffff;
	v34 =	vand.u32 $0xFFFF, v23;
	v7 =	vmul.f32 v7, v19;
	v19 =	vsub.f32 $1.000000000e+00, v29  }
0x1b6: {  	v13 =	vld.idx.msk [tilespmem:v13+s4+$0x0], $0xffff;
	v16 =	vmul.f32 v9, v16;
	v12 =	vadd.f32 v28, v12;
	v15 =	vsub.f32 v15, v22  }
0x1b7: {  	v36 =	vadd.s32 $0x1, v34;
	v18 =	vadd.f32 v27, v18;
	v9 =	vmul.f32 v9, v26;
	v27 =	vld.idx.msk [tilespmem:v32+s13+$0x0], $0xffff  }
0x1b8: {  	v11 =	vadd.f32 v16, v11;
	v7 =	vadd.f32 v7, v20;
	v20 =	vld.idx.msk [tilespmem:v35+s13+$0x0], $0xffff;
	v14 =	vmul.f32 v14, v15  }
0x1b9: {  	v8 =	vand.u32 $0xFFFF0000, v8;
	v12 =	vsub.f32 $1.000000000e+00, v12;
	v9 =	vadd.f32 v9, v10;
	v10 =	vld.idx.msk [tilespmem:v32+s4+$0x0], $0xffff  }
0x1ba: {  	v5 =	vand.u32 $0xFFFF0000, v5;
	v16 =	vld.idx.msk [tilespmem:v34+s4+$0x0], $0xffff;
	v14 =	vadd.f32 v14, v22;
	v22 =	vsub.f32 v24, v30  }
0x1bb: {  	v6 =	vand.u32 $0xFFFF0000, v6;
	v26 =	vsub.f32 v33, v21;
	v13 =	vsub.f32 v13, v25;
	v24 =	vld.idx.msk [tilespmem:v35+s4+$0x0], $0xffff  }
0x1bc: {  	v11 =	vsub.f32 $1.000000000e+00, v11;
	v7 =	vsub.f32 $1.000000000e+00, v7;
	v15 =	vld.idx.msk [tilespmem:v36+s4+$0x0], $0xffff;
	v22 =	vmul.f32 v8, v22  }
0x1bd: {  	v18 =	vsub.f32 $1.000000000e+00, v18;
	v12 =	vmul.f32 v12, v19;
	v19 =	vsub.f32 v37, v31;
	v28 =	vld.idx.msk [tilespmem:v36+s13+$0x0], $0xffff  }
0x1be: {  	v7 =	vmul.f32 v7, v11;
	v8 =	vmul.f32 v8, v26;
	v11 =	vadd.f32 v22, v30;
	v22 =	vld.idx.msk [tilespmem:v34+s13+$0x0], $0xffff  }
0x1bf: {  	v9 =	vsub.f32 $1.000000000e+00, v9;
	v19 =	vmul.f32 v5, v19;
	v20 =	vsub.f32 v20, v27  }
0x1c0: {  	v5 =	vmul.f32 v5, v13;
	v8 =	vadd.f32 v8, v21;
	v21 =	vsub.f32 v24, v10  }
0x1c1: {  	v23 =	vand.u32 $0xFFFF0000, v23;
	v14 =	vsub.f32 $1.000000000e+00, v14;
	v15 =	vsub.f32 v15, v16  }
0x1c2: {  	s1 =	sand.u32 $0x1F00, s23;
	v5 =	vadd.f32 v5, v25;
	v21 =	vmul.f32 v6, v21;
	v6 =	vmul.f32 v6, v20  }
0x1c3: {  	s1 =	sor.u32 $0x10000, s1;
	v19 =	vadd.f32 v19, v31;
	v15 =	vmul.f32 v23, v15;
	v20 =	vsub.f32 v28, v22  }
0x1c4: {  	s14 =	sor.u32 s30, s1;
	s1 =	sor.u32 s8, s1;
	v9 =	vmul.f32 v18, v9;
	v5 =	vsub.f32 $1.000000000e+00, v5;
	v6 =	vadd.f32 v6, v27  }
0x1c5: {  	[tilespmem:s1+$0x0] =	vst v12;
	v10 =	vadd.f32 v21, v10;
	v15 =	vadd.f32 v15, v16;
	v13 =	vmul.f32 v23, v20  }
0x1c6: {  	[tilespmem:s14+$0x80] =	vst v7;
	v16 =	vsub.f32 $1.000000000e+00, v19;
	v6 =	vsub.f32 $1.000000000e+00, v6  }
0x1c7: {  	s15 =	sand.u32 $0x1F00, s22;
	v7 =	vmul.f32 v14, v17;
	[tilespmem:s14+$0x0] =	vst v9;
	v9 =	vsub.f32 $1.000000000e+00, v10;
	v12 =	vadd.f32 v13, v22  }
0x1c8: {  	s8 =	sor.u32 $0x10000, s15;
	v11 =	vsub.f32 $1.000000000e+00, v11;
	v13 =	vsub.f32 $1.000000000e+00, v15;
	v6 =	vmul.f32 v6, v16  }
0x1c9: {  	s16 =	sor.u32 s12, s8;
	[tilespmem:s1+$0x80] =	vst v7;
	v8 =	vsub.f32 $1.000000000e+00, v8;
	v5 =	vmul.f32 v9, v5;
	v10 =	vsub.f32 $1.000000000e+00, v12  }
0x1ca: {  	v7 =	vmul.f32 v13, v11;
	[tilespmem:s16+$0x80] =	vst v6  }
0x1cb: {  	s9 =	sor.u32 s9, s8;
	[tilespmem:s16+$0x0] =	vst v5;
	v6 =	vmul.f32 v10, v8  }
0x1cc: {  	s8 =	sshrl.u32 s11, $0x3;
	[tilespmem:s9+$0x0] =	vst v7  }
0x1cd: {  	s22 =	sadd.s32 s3, s8;
	s1 =	simm.s32 @!p0 $0x6;
	[tilespmem:s9+$0x80] =	vst v6  }
0x1ce: {  	[hbm4b:s22+s20] =	stream.strided.scatter [tilespmem:s21], [sflag:$0x5], $0x2000, s17, s20, $0x38;
	[tilespmem:$0x1E000] =	vst v63  }
0x1cf: {  	_ =	swait.ge @!p0 [sflag:s1], $0x2000  }
0x1d0: {  	[sflag:s1] =	ssyncset.done @!p0 $0x0  }
0x1d1: {  	s23 =	simm.s32 $0x17010;
	[sflag:s1] =	ssyncadd.s32 @!p0 $0xFFFFE000  }
0x1d2: {  	s25 =	simm.s32 $0x1B010;
	v7 =	vld [tilespmem:s23+$0x0]  }
0x1d3: {  	v8 =	vld [tilespmem:s25+$0x0];
	_ =	sdelay $0x1  }
0x1d4: {  	v9 =	vld [tilespmem:s23+$0xFFFFFFF0]  }
0x1d5: {  	v11 =	vld [tilespmem:s25+$0xFFFFFFF0]  }
0x1d6: {  	v12 =	vand.u32 $0xFFFF, v7  }
0x1d7: {  	v13 =	vand.u32 $0xFFFF, v8  }
0x1d8: {  	s9 =	simm.s32 $0x1B030;
	v16 =	vadd.s32 $0x1, v12  }
0x1d9: {  	s26 =	simm.s32 $0x17030;
	v27 =	vld [tilespmem:s9+$0xFFFFFFF0];
	v10 =	vand.u32 $0xFFFF, v9;
	v17 =	vadd.s32 $0x1, v13  }
0x1da: {  	v28 =	vld [tilespmem:s26+$0xFFFFFFF0];
	v14 =	vand.u32 $0xFFFF, v11;
	v5 =	vadd.s32 $0x1, v10  }
0x1db: {  	v6 =	vadd.s32 $0x1, v14;
	v15 =	vld.idx.msk [tilespmem:v12+s13+$0x0], $0xffff  }
0x1dc: {  	v18 =	vld.idx.msk [tilespmem:v13+s13+$0x0], $0xffff  }
0x1dd: {  	v19 =	vld.idx.msk [tilespmem:v16+s13+$0x0], $0xffff  }
0x1de: {  	v20 =	vld.idx.msk [tilespmem:v17+s13+$0x0], $0xffff  }
0x1df: {  	v21 =	vld.idx.msk [tilespmem:v5+s4+$0x0], $0xffff  }
0x1e0: {  	v22 =	vld.idx.msk [tilespmem:v6+s4+$0x0], $0xffff  }
0x1e1: {  	v23 =	vld.idx.msk [tilespmem:v5+s13+$0x0], $0xffff  }
0x1e2: {  	v24 =	vld.idx.msk [tilespmem:v6+s13+$0x0], $0xffff  }
0x1e3: {  	v6 =	vld [tilespmem:s9+$0x0]  }
0x1e4: {  	v5 =	vld [tilespmem:s26+$0x0]  }
0x1e5: {  	v26 =	vld.idx.msk [tilespmem:v14+s4+$0x0], $0xffff  }
0x1e6: {  	v25 =	vld.idx.msk [tilespmem:v10+s4+$0x0], $0xffff;
	v19 =	vsub.f32 v19, v15  }
0x1e7: {  	v29 =	vand.u32 $0xFFFF0000, v7;
	v30 =	vand.u32 $0xFFFF0000, v8;
	v31 =	vld.idx.msk [tilespmem:v10+s13+$0x0], $0xffff;
	v20 =	vsub.f32 v20, v18  }
0x1e8: {  	v56 =	vand.u32 $0xFFFF0000, v9;
	v57 =	vld.idx.msk [tilespmem:v12+s4+$0x0], $0xffff;
	v9 =	vand.u32 $0xFFFF, v6;
	v7 =	vmul.f32 v29, v19  }
0x1e9: {  	v10 =	vand.u32 $0xFFFF, v5;
	v8 =	vmul.f32 v30, v20;
	v20 =	vld.idx.msk [tilespmem:v14+s13+$0x0], $0xffff;
	v14 =	vand.u32 $0xFFFF, v28  }
0x1ea: {  	v16 =	vld.idx.msk [tilespmem:v16+s4+$0x0], $0xffff;
	v19 =	vsub.f32 v22, v26;
	v12 =	vadd.f32 v7, v15;
	v7 =	vadd.s32 $0x1, v10  }
0x1eb: {  	v17 =	vld.idx.msk [tilespmem:v17+s4+$0x0], $0xffff;
	v58 =	vadd.f32 v8, v18;
	v18 =	vsub.f32 v21, v25;
	v8 =	vadd.s32 $0x1, v9  }
0x1ec: {  	v11 =	vand.u32 $0xFFFF0000, v11;
	v23 =	vsub.f32 v23, v31;
	v15 =	vld.idx.msk [tilespmem:v13+s4+$0x0], $0xffff;
	v21 =	vadd.s32 $0x1, v14  }
0x1ed: {  	v60 =	vmul.f32 v11, v19;
	v19 =	vld.idx.msk [tilespmem:v9+s13+$0x0], $0xffff;
	v12 =	vsub.f32 $1.000000000e+00, v12;
	v22 =	vmul.f32 v56, v18  }
0x1ee: {  	v13 =	vand.u32 $0xFFFF, v27;
	v18 =	vld.idx.msk [tilespmem:v10+s13+$0x0], $0xffff;
	v34 =	vsub.f32 $1.000000000e+00, v58;
	v24 =	vsub.f32 v24, v20  }
0x1ef: {  	v59 =	vadd.s32 $0x1, v13;
	v26 =	vadd.f32 v60, v26;
	v22 =	vadd.f32 v22, v25;
	v25 =	vld.idx.msk [tilespmem:v7+s13+$0x0], $0xffff  }
0x1f0: {  	s28 =	simm.s32 $0x10;
	s29 =	simm.s32 $0x20;
	v32 =	vmul.f32 v56, v23;
	v61 =	vld.idx.msk [tilespmem:v8+s13+$0x0], $0xffff;
	v24 =	vmul.f32 v11, v24  }
0x1f1: {  	s11 =	sand.u32 $0xFFFFFF00, s29;
	s1 =	sand.u32 $0x70, s28;
	v34 =	vmul.f32 v34, v12;
	v12 =	vsub.f32 v16, v57;
	v26 =	vsub.f32 $1.000000000e+00, v26;
	v23 =	vld.idx.msk [tilespmem:v21+s4+$0x0], $0xffff  }
0x1f2: {  	s11 =	sor.u32 s1, s11;
	v11 =	vand.u32 $0xFFFF0000, v28;
	v28 =	vadd.f32 v32, v31;
	v16 =	vld.idx.msk [tilespmem:v21+s13+$0x0], $0xffff;
	v20 =	vadd.f32 v24, v20  }
0x1f3: {  	s30 =	sadd.s32 $0x12000, s11;
	v21 =	vld.idx.msk [tilespmem:v14+s4+$0x0], $0xffff;
	v62 =	vsub.f32 $1.000000000e+00, v22;
	v29 =	vmul.f32 v29, v12;
	v24 =	vsub.f32 v17, v15  }
0x1f4: {  	s12 =	simm.s32 $0x1000;
	s1 =	simm.s32 $0x2000;
	v22 =	vld.idx.msk [tilespmem:v59+s4+$0x0], $0xffff;
	v12 =	vand.u32 $0xFFFF0000, v27;
	[tilespmem:s30+$0x80] =	vst v34;
	v31 =	vsub.f32 $1.000000000e+00, v28;
	v63 =	vsub.f32 $1.000000000e+00, v20  }
0x1f5: {  	s31 =	sand.u32 $0x60, s12;
	s15 =	sand.u32 $0x3F00, s1;
	v17 =	vld.idx.msk [tilespmem:v59+s13+$0x0], $0xffff;
	v27 =	vmul.f32 v30, v24;
	v24 =	vmul.f32 v26, v62;
	v26 =	vadd.f32 v29, v57  }
0x1f6: {  	s22 =	simm.s32 $0x102;
	s23 =	simm.s32 $0x17050;
	s16 =	sor.u32 s31, s15;
	v20 =	vld.idx.msk [tilespmem:v13+s4+$0x0], $0xffff;
	v29 =	vsub.f32 v25, v18;
	v28 =	vsub.f32 v61, v19;
	v25 =	vmul.f32 v63, v31  }
.LBB2_9:
0x1f7: {  	v30 =	vand.u32 $0xFFFF0000, v5;
	v5 =	vld [tilespmem:s23+$0x0];
	v31 =	vand.u32 $0xFFFF0000, v6;
	s9 =	sadd.s32 $0x20, s9;
	[tilespmem:s16+$0x10000] =	vst v24;
	v15 =	vadd.f32 v27, v15  }
0x1f8: {  	v6 =	vld [tilespmem:s9+$0x0];
	v24 =	vmul.f32 v30, v29;
	v27 =	vmul.f32 v31, v28;
	[tilespmem:s16+$0x10080] =	vst v25;
	v25 =	vsub.f32 $1.000000000e+00, v26  }
0x1f9: {  	s22 =	sadd.s32 $0x2, s22;
	v26 =	vld [tilespmem:s9+$0xFFFFFFF0];
	v15 =	vsub.f32 $1.000000000e+00, v15  }
0x1fa: {  	p1 =	slt.u32 s22, $0x1FE;
	v28 =	vld [tilespmem:s23+$0xFFFFFFF0];
	v18 =	vadd.f32 v24, v18;
	v19 =	vadd.f32 v27, v19  }
0x1fb: {  	s1 =	sadd.s32 $0x40, s1;
	s12 =	sadd.s32 $0x20, s12;
	v24 =	vld.idx.msk [tilespmem:v14+s13+$0x0], $0xffff;
	v14 =	vsub.f32 v23, v21;
	v15 =	vmul.f32 v15, v25  }
0x1fc: {  	s14 =	sand.u32 $0x60, s12;
	s15 =	sadd.s32 $0xFFFFF010, s12;
	s16 =	sadd.s32 $0xFFFFE020, s1;
	v23 =	vand.u32 $0xFFFF, v5;
	v25 =	vld.idx.msk [tilespmem:v13+s13+$0x0], $0xffff;
	v18 =	vsub.f32 $1.000000000e+00, v18;
	v19 =	vsub.f32 $1.000000000e+00, v19  }
0x1fd: {  	s25 =	sand.u32 $0x3F00, s1;
	s15 =	sand.u32 $0x70, s15;
	s26 =	sand.u32 $0xFFFFFF00, s16;
	v22 =	vsub.f32 v22, v20;
	v27 =	vand.u32 $0xFFFF, v6;
	v29 =	vmul.f32 v11, v14;
	v32 =	vld.idx.msk [tilespmem:v10+s4+$0x0], $0xffff;
	[tilespmem:s11+$0x12000] =	vst v15  }
0x1fe: {  	s16 =	sor.u32 s14, s25;
	v33 =	vadd.s32 $0x1, v23;
	s11 =	sor.u32 s15, s26;
	v10 =	vmovc v23;
	v13 =	vand.u32 $0xFFFF, v26;
	v15 =	vld.idx.msk [tilespmem:v9+s4+$0x0], $0xffff;
	v18 =	vmul.f32 v19, v18;
	v9 =	vmovc v27  }
0x1ff: {  	s14 =	sadd.s32 $0x12000, s11;
	v14 =	vand.u32 $0xFFFF, v28;
	v34 =	vadd.s32 $0x1, v13;
	v35 =	vadd.s32 $0x1, v9;
	v36 =	vld.idx.msk [tilespmem:v7+s4+$0x0], $0xffff;
	v7 =	vmovc v33  }
0x200: {  	v26 =	vand.u32 $0xFFFF0000, v26;
	v28 =	vand.u32 $0xFFFF0000, v28;
	v37 =	vadd.s32 $0x1, v14;
	v38 =	vld.idx.msk [tilespmem:v8+s4+$0x0], $0xffff;
	[tilespmem:s14+$0x80] =	vst v18;
	v8 =	vmovc v35  }
0x201: {  	v22 =	vmul.f32 v12, v22;
	v21 =	vadd.f32 v29, v21;
	v16 =	vsub.f32 v16, v24;
	v18 =	vld.idx.msk [tilespmem:v23+s13+$0x0], $0xffff  }
0x202: {  	v17 =	vsub.f32 v17, v25;
	v19 =	vld.idx.msk [tilespmem:v27+s13+$0x0], $0xffff  }
0x203: {  	v20 =	vadd.f32 v22, v20;
	v16 =	vmul.f32 v11, v16;
	v11 =	vmovc v28;
	v29 =	vld.idx.msk [tilespmem:v33+s13+$0x0], $0xffff;
	v33 =	vsub.f32 $1.000000000e+00, v21  }
0x204: {  	v17 =	vmul.f32 v12, v17;
	v12 =	vmov v26;
	v28 =	vld.idx.msk [tilespmem:v35+s13+$0x0], $0xffff  }
0x205: {  	v21 =	vadd.f32 v16, v24;
	v24 =	vsub.f32 v36, v32;
	v23 =	vld.idx.msk [tilespmem:v37+s4+$0x0], $0xffff  }
.Ltmp3:
0x206: {  	v25 =	vadd.f32 v17, v25;
	v26 =	vsub.f32 v38, v15;
	v22 =	vld.idx.msk [tilespmem:v34+s4+$0x0], $0xffff;
	(pc) =	sbr.rel @p1 .LBB2_9-.Ltmp3, $4  }
0x207: {  	v20 =	vsub.f32 $1.000000000e+00, v20;
	v35 =	vsub.f32 $1.000000000e+00, v21;
	v30 =	vmul.f32 v30, v24;
	v16 =	vld.idx.msk [tilespmem:v37+s13+$0x0], $0xffff  }
0x208: {  	v25 =	vsub.f32 $1.000000000e+00, v25;
	v27 =	vmul.f32 v31, v26;
	v17 =	vld.idx.msk [tilespmem:v34+s13+$0x0], $0xffff  }
0x209: {  	v24 =	vmul.f32 v20, v33;
	v26 =	vadd.f32 v30, v32;
	v21 =	vld.idx.msk [tilespmem:v14+s4+$0x0], $0xffff  }
0x20a: {  	s23 =	sadd.s32 $0x20, s23;
	v29 =	vsub.f32 v29, v18;
	v28 =	vsub.f32 v28, v19;
	v25 =	vmul.f32 v25, v35;
	v20 =	vld.idx.msk [tilespmem:v13+s4+$0x0], $0xffff  }
0x20b: {  	_ =	sdelay $0x3  }
0x20c: {  	v14 =	vld.idx.msk [tilespmem:v14+s13+$0x0], $0xffff  }
0x20d: {  	v13 =	vld.idx.msk [tilespmem:v13+s13+$0x0], $0xffff  }
0x20e: {  	v5 =	vand.u32 $0xFFFF0000, v5;
	v10 =	vld.idx.msk [tilespmem:v10+s4+$0x0], $0xffff  }
0x20f: {  	v6 =	vand.u32 $0xFFFF0000, v6;
	v9 =	vld.idx.msk [tilespmem:v9+s4+$0x0], $0xffff;
	v15 =	vadd.f32 v27, v15;
	v29 =	vmul.f32 v5, v29  }
0x210: {  	v26 =	vsub.f32 $1.000000000e+00, v26;
	v7 =	vld.idx.msk [tilespmem:v7+s4+$0x0], $0xffff;
	v27 =	vmul.f32 v6, v28  }
0x211: {  	v8 =	vld.idx.msk [tilespmem:v8+s4+$0x0], $0xffff;
	v15 =	vsub.f32 $1.000000000e+00, v15;
	v18 =	vadd.f32 v29, v18  }
0x212: {  	v23 =	vsub.f32 v23, v21;
	v19 =	vadd.f32 v27, v19  }
0x213: {  	v22 =	vsub.f32 v22, v20;
	v18 =	vsub.f32 $1.000000000e+00, v18  }
0x214: {  	v23 =	vmul.f32 v11, v23;
	v19 =	vsub.f32 $1.000000000e+00, v19;
	v16 =	vsub.f32 v16, v14  }
0x215: {  	v17 =	vsub.f32 v17, v13;
	v7 =	vsub.f32 v7, v10;
	v22 =	vmul.f32 v12, v22  }
0x216: {  	v8 =	vsub.f32 v8, v9;
	v21 =	vadd.f32 v23, v21;
	v11 =	vmul.f32 v11, v16  }
0x217: {  	v12 =	vmul.f32 v12, v17;
	v5 =	vmul.f32 v5, v7;
	v16 =	vadd.f32 v22, v20  }
0x218: {  	s1 =	sadd.s32 $0x40, s1;
	s9 =	sadd.s32 $0x20, s12;
	v6 =	vmul.f32 v6, v8;
	v20 =	vsub.f32 $1.000000000e+00, v21;
	v11 =	vadd.f32 v11, v14  }
0x219: {  	s12 =	sadd.s32 $0xFFFFF010, s9;
	s14 =	sadd.s32 $0xFFFFE020, s1;
	v7 =	vadd.f32 v12, v13;
	v5 =	vadd.f32 v5, v10  }
0x21a: {  	[tilespmem:s16+$0x10000] =	vst v24;
	s12 =	sand.u32 $0x70, s12;
	s14 =	sand.u32 $0xFFFFFF00, s14;
	v12 =	vmul.f32 v15, v26;
	v6 =	vadd.f32 v6, v9;
	v8 =	vsub.f32 $1.000000000e+00, v16  }
0x21b: {  	[tilespmem:s16+$0x10080] =	vst v25;
	s12 =	sor.u32 s12, s14;
	v9 =	vmul.f32 v19, v18;
	v10 =	vsub.f32 $1.000000000e+00, v11;
	v7 =	vsub.f32 $1.000000000e+00, v7  }
0x21c: {  	s9 =	sand.u32 $0x60, s9;
	s1 =	sand.u32 $0x3F00, s1;
	s14 =	sadd.s32 $0x12000, s12;
	[tilespmem:s11+$0x12000] =	vst v12;
	v5 =	vsub.f32 $1.000000000e+00, v5;
	v6 =	vsub.f32 $1.000000000e+00, v6;
	v8 =	vmul.f32 v8, v20  }
0x21d: {  	s1 =	sor.u32 s9, s1;
	[tilespmem:s14+$0x80] =	vst v9;
	v7 =	vmul.f32 v7, v10  }
0x21e: {  	v5 =	vmul.f32 v6, v5;
	[tilespmem:s1+$0x10000] =	vst v8  }
0x21f: {  	[tilespmem:s1+$0x10080] =	vst v7  }
0x220: {  	s15 =	sadd.s32 s8, s10;
	s16 =	simm.s32 $0x12000;
	[tilespmem:s12+$0x12000] =	vst v5;
	s1 =	simm.s32 @!p0 $0x7  }
0x221: {  	[hbm4b:s15+s20] =	stream.strided.scatter [tilespmem:s16], [sflag:$0x6], $0x2000, s17, s20, $0x38;
	[tilespmem:$0x1E000] =	vst v63  }
0x222: {  	_ =	swait.ge @!p0 [sflag:s1], $0x2000  }
0x223: {  	[sflag:s1] =	ssyncset.done @!p0 $0x0  }
0x224: {  	s22 =	simm.s32 $0x18010;
	[sflag:s1] =	ssyncadd.s32 @!p0 $0xFFFFE000  }
0x225: {  	s23 =	simm.s32 $0x1C010;
	v7 =	vld [tilespmem:s22+$0x0]  }
0x226: {  	v8 =	vld [tilespmem:s23+$0x0];
	_ =	sdelay $0x1  }
0x227: {  	v9 =	vld [tilespmem:s22+$0xFFFFFFF0]  }
0x228: {  	v11 =	vld [tilespmem:s23+$0xFFFFFFF0]  }
0x229: {  	v12 =	vand.u32 $0xFFFF, v7  }
0x22a: {  	v13 =	vand.u32 $0xFFFF, v8  }
0x22b: {  	s8 =	simm.s32 $0x1C030;
	v16 =	vadd.s32 $0x1, v12  }
0x22c: {  	s25 =	simm.s32 $0x18030;
	v27 =	vld [tilespmem:s8+$0xFFFFFFF0];
	v10 =	vand.u32 $0xFFFF, v9;
	v17 =	vadd.s32 $0x1, v13  }
0x22d: {  	v28 =	vld [tilespmem:s25+$0xFFFFFFF0];
	v14 =	vand.u32 $0xFFFF, v11;
	v5 =	vadd.s32 $0x1, v10  }
0x22e: {  	v6 =	vadd.s32 $0x1, v14;
	v15 =	vld.idx.msk [tilespmem:v12+s13+$0x0], $0xffff  }
0x22f: {  	v18 =	vld.idx.msk [tilespmem:v13+s13+$0x0], $0xffff  }
0x230: {  	v19 =	vld.idx.msk [tilespmem:v16+s13+$0x0], $0xffff  }
0x231: {  	v20 =	vld.idx.msk [tilespmem:v17+s13+$0x0], $0xffff  }
0x232: {  	v21 =	vld.idx.msk [tilespmem:v5+s4+$0x0], $0xffff  }
0x233: {  	v22 =	vld.idx.msk [tilespmem:v6+s4+$0x0], $0xffff  }
0x234: {  	v23 =	vld.idx.msk [tilespmem:v5+s13+$0x0], $0xffff  }
0x235: {  	v24 =	vld.idx.msk [tilespmem:v6+s13+$0x0], $0xffff  }
0x236: {  	v6 =	vld [tilespmem:s8+$0x0]  }
0x237: {  	v5 =	vld [tilespmem:s25+$0x0]  }
0x238: {  	v26 =	vld.idx.msk [tilespmem:v14+s4+$0x0], $0xffff  }
0x239: {  	v25 =	vld.idx.msk [tilespmem:v10+s4+$0x0], $0xffff;
	v19 =	vsub.f32 v19, v15  }
0x23a: {  	v29 =	vand.u32 $0xFFFF0000, v7;
	v30 =	vand.u32 $0xFFFF0000, v8;
	v31 =	vld.idx.msk [tilespmem:v10+s13+$0x0], $0xffff;
	v20 =	vsub.f32 v20, v18  }
0x23b: {  	v32 =	vand.u32 $0xFFFF0000, v9;
	v33 =	vld.idx.msk [tilespmem:v12+s4+$0x0], $0xffff;
	v9 =	vand.u32 $0xFFFF, v6;
	v7 =	vmul.f32 v29, v19  }
0x23c: {  	v10 =	vand.u32 $0xFFFF, v5;
	v8 =	vmul.f32 v30, v20;
	v20 =	vld.idx.msk [tilespmem:v14+s13+$0x0], $0xffff;
	v14 =	vand.u32 $0xFFFF, v28  }
0x23d: {  	v16 =	vld.idx.msk [tilespmem:v16+s4+$0x0], $0xffff;
	v19 =	vsub.f32 v22, v26;
	v12 =	vadd.f32 v7, v15;
	v7 =	vadd.s32 $0x1, v10  }
0x23e: {  	v17 =	vld.idx.msk [tilespmem:v17+s4+$0x0], $0xffff;
	v34 =	vadd.f32 v8, v18;
	v18 =	vsub.f32 v21, v25;
	v8 =	vadd.s32 $0x1, v9  }
0x23f: {  	v11 =	vand.u32 $0xFFFF0000, v11;
	v23 =	vsub.f32 v23, v31;
	v15 =	vld.idx.msk [tilespmem:v13+s4+$0x0], $0xffff;
	v21 =	vadd.s32 $0x1, v14  }
0x240: {  	v36 =	vmul.f32 v11, v19;
	v19 =	vld.idx.msk [tilespmem:v9+s13+$0x0], $0xffff;
	v12 =	vsub.f32 $1.000000000e+00, v12;
	v22 =	vmul.f32 v32, v18  }
0x241: {  	v13 =	vand.u32 $0xFFFF, v27;
	v18 =	vld.idx.msk [tilespmem:v10+s13+$0x0], $0xffff;
	v34 =	vsub.f32 $1.000000000e+00, v34;
	v24 =	vsub.f32 v24, v20  }
0x242: {  	v35 =	vadd.s32 $0x1, v13;
	v26 =	vadd.f32 v36, v26;
	v22 =	vadd.f32 v22, v25;
	v25 =	vld.idx.msk [tilespmem:v7+s13+$0x0], $0xffff  }
0x243: {  	s26 =	simm.s32 $0x10;
	s28 =	simm.s32 $0x20;
	v32 =	vmul.f32 v32, v23;
	v24 =	vmul.f32 v11, v24;
	v62 =	vld.idx.msk [tilespmem:v8+s13+$0x0], $0xffff  }
0x244: {  	s9 =	sand.u32 $0xFFFFFF00, s28;
	s1 =	sand.u32 $0x70, s26;
	v34 =	vmul.f32 v34, v12;
	v12 =	vsub.f32 v16, v33;
	v26 =	vsub.f32 $1.000000000e+00, v26;
	v23 =	vld.idx.msk [tilespmem:v21+s4+$0x0], $0xffff  }
0x245: {  	s9 =	sor.u32 s1, s9;
	v11 =	vand.u32 $0xFFFF0000, v28;
	v28 =	vadd.f32 v32, v31;
	v16 =	vld.idx.msk [tilespmem:v21+s13+$0x0], $0xffff;
	v20 =	vadd.f32 v24, v20  }
0x246: {  	s29 =	sadd.s32 $0x14000, s9;
	v21 =	vld.idx.msk [tilespmem:v14+s4+$0x0], $0xffff;
	v37 =	vsub.f32 $1.000000000e+00, v22;
	v29 =	vmul.f32 v29, v12;
	v24 =	vsub.f32 v17, v15  }
0x247: {  	s11 =	simm.s32 $0x2000;
	s1 =	simm.s32 $0x4000;
	v22 =	vld.idx.msk [tilespmem:v35+s4+$0x0], $0xffff;
	v12 =	vand.u32 $0xFFFF0000, v27;
	[tilespmem:s29+$0x80] =	vst v34;
	v31 =	vsub.f32 $1.000000000e+00, v28;
	v63 =	vsub.f32 $1.000000000e+00, v20  }
0x248: {  	s30 =	sand.u32 $0x60, s11;
	s31 =	sand.u32 $0x7F00, s1;
	v17 =	vld.idx.msk [tilespmem:v35+s13+$0x0], $0xffff;
	v27 =	vmul.f32 v30, v24;
	v24 =	vmul.f32 v26, v37;
	v26 =	vadd.f32 v29, v33  }
0x249: {  	s16 =	simm.s32 $0x202;
	s22 =	simm.s32 $0x18050;
	s12 =	sor.u32 s30, s31;
	v20 =	vld.idx.msk [tilespmem:v13+s4+$0x0], $0xffff;
	v29 =	vsub.f32 v25, v18;
	v28 =	vsub.f32 v62, v19;
	v25 =	vmul.f32 v63, v31  }
.LBB2_11:
0x24a: {  	v30 =	vand.u32 $0xFFFF0000, v5;
	v5 =	vld [tilespmem:s22+$0x0];
	v31 =	vand.u32 $0xFFFF0000, v6;
	s8 =	sadd.s32 $0x20, s8;
	[tilespmem:s12+$0x10000] =	vst v24;
	v15 =	vadd.f32 v27, v15  }
0x24b: {  	v6 =	vld [tilespmem:s8+$0x0];
	v24 =	vmul.f32 v30, v29;
	v27 =	vmul.f32 v31, v28;
	[tilespmem:s12+$0x10080] =	vst v25;
	v25 =	vsub.f32 $1.000000000e+00, v26  }
0x24c: {  	s16 =	sadd.s32 $0x2, s16;
	v26 =	vld [tilespmem:s8+$0xFFFFFFF0];
	v15 =	vsub.f32 $1.000000000e+00, v15  }
0x24d: {  	p0 =	slt.u32 s16, $0x2FE;
	v28 =	vld [tilespmem:s22+$0xFFFFFFF0];
	v18 =	vadd.f32 v24, v18;
	v19 =	vadd.f32 v27, v19  }
0x24e: {  	s1 =	sadd.s32 $0x40, s1;
	s11 =	sadd.s32 $0x20, s11;
	v24 =	vld.idx.msk [tilespmem:v14+s13+$0x0], $0xffff;
	v14 =	vsub.f32 v23, v21;
	v15 =	vmul.f32 v15, v25  }
0x24f: {  	s12 =	sand.u32 $0x60, s11;
	s14 =	sadd.s32 $0xFFFFE010, s11;
	s15 =	sadd.s32 $0xFFFFC020, s1;
	v23 =	vand.u32 $0xFFFF, v5;
	v25 =	vld.idx.msk [tilespmem:v13+s13+$0x0], $0xffff;
	v18 =	vsub.f32 $1.000000000e+00, v18;
	v19 =	vsub.f32 $1.000000000e+00, v19  }
0x250: {  	s23 =	sand.u32 $0x7F00, s1;
	s14 =	sand.u32 $0x70, s14;
	s15 =	sand.u32 $0xFFFFFF00, s15;
	v22 =	vsub.f32 v22, v20;
	v27 =	vand.u32 $0xFFFF, v6;
	v29 =	vmul.f32 v11, v14;
	v32 =	vld.idx.msk [tilespmem:v10+s4+$0x0], $0xffff;
	[tilespmem:s9+$0x14000] =	vst v15  }
0x251: {  	s12 =	sor.u32 s12, s23;
	v33 =	vadd.s32 $0x1, v23;
	s9 =	sor.u32 s14, s15;
	v10 =	vmovc v23;
	v13 =	vand.u32 $0xFFFF, v26;
	v15 =	vld.idx.msk [tilespmem:v9+s4+$0x0], $0xffff;
	v18 =	vmul.f32 v19, v18;
	v9 =	vmovc v27  }
0x252: {  	s14 =	sadd.s32 $0x14000, s9;
	v14 =	vand.u32 $0xFFFF, v28;
	v34 =	vadd.s32 $0x1, v13;
	v35 =	vadd.s32 $0x1, v9;
	v36 =	vld.idx.msk [tilespmem:v7+s4+$0x0], $0xffff;
	v7 =	vmovc v33  }
0x253: {  	v26 =	vand.u32 $0xFFFF0000, v26;
	v28 =	vand.u32 $0xFFFF0000, v28;
	v37 =	vadd.s32 $0x1, v14;
	v38 =	vld.idx.msk [tilespmem:v8+s4+$0x0], $0xffff;
	[tilespmem:s14+$0x80] =	vst v18;
	v8 =	vmovc v35  }
0x254: {  	v22 =	vmul.f32 v12, v22;
	v21 =	vadd.f32 v29, v21;
	v16 =	vsub.f32 v16, v24;
	v18 =	vld.idx.msk [tilespmem:v23+s13+$0x0], $0xffff  }
0x255: {  	v17 =	vsub.f32 v17, v25;
	v19 =	vld.idx.msk [tilespmem:v27+s13+$0x0], $0xffff  }
0x256: {  	v20 =	vadd.f32 v22, v20;
	v16 =	vmul.f32 v11, v16;
	v11 =	vmovc v28;
	v29 =	vld.idx.msk [tilespmem:v33+s13+$0x0], $0xffff;
	v33 =	vsub.f32 $1.000000000e+00, v21  }
0x257: {  	v17 =	vmul.f32 v12, v17;
	v12 =	vmov v26;
	v28 =	vld.idx.msk [tilespmem:v35+s13+$0x0], $0xffff  }
0x258: {  	v21 =	vadd.f32 v16, v24;
	v24 =	vsub.f32 v36, v32;
	v23 =	vld.idx.msk [tilespmem:v37+s4+$0x0], $0xffff  }
.Ltmp4:
0x259: {  	v25 =	vadd.f32 v17, v25;
	v26 =	vsub.f32 v38, v15;
	v22 =	vld.idx.msk [tilespmem:v34+s4+$0x0], $0xffff;
	(pc) =	sbr.rel @p0 .LBB2_11-.Ltmp4, $4  }
0x25a: {  	v20 =	vsub.f32 $1.000000000e+00, v20;
	v35 =	vsub.f32 $1.000000000e+00, v21;
	v30 =	vmul.f32 v30, v24;
	v16 =	vld.idx.msk [tilespmem:v37+s13+$0x0], $0xffff  }
0x25b: {  	v25 =	vsub.f32 $1.000000000e+00, v25;
	v27 =	vmul.f32 v31, v26;
	v17 =	vld.idx.msk [tilespmem:v34+s13+$0x0], $0xffff  }
0x25c: {  	v24 =	vmul.f32 v20, v33;
	v26 =	vadd.f32 v30, v32;
	v21 =	vld.idx.msk [tilespmem:v14+s4+$0x0], $0xffff  }
0x25d: {  	s22 =	sadd.s32 $0x20, s22;
	v29 =	vsub.f32 v29, v18;
	v28 =	vsub.f32 v28, v19;
	v25 =	vmul.f32 v25, v35;
	v20 =	vld.idx.msk [tilespmem:v13+s4+$0x0], $0xffff  }
0x25e: {  	_ =	sdelay $0x3  }
0x25f: {  	v14 =	vld.idx.msk [tilespmem:v14+s13+$0x0], $0xffff  }
0x260: {  	v13 =	vld.idx.msk [tilespmem:v13+s13+$0x0], $0xffff  }
0x261: {  	v5 =	vand.u32 $0xFFFF0000, v5;
	v10 =	vld.idx.msk [tilespmem:v10+s4+$0x0], $0xffff  }
0x262: {  	v6 =	vand.u32 $0xFFFF0000, v6;
	v9 =	vld.idx.msk [tilespmem:v9+s4+$0x0], $0xffff;
	v15 =	vadd.f32 v27, v15;
	v29 =	vmul.f32 v5, v29  }
0x263: {  	v26 =	vsub.f32 $1.000000000e+00, v26;
	v7 =	vld.idx.msk [tilespmem:v7+s4+$0x0], $0xffff;
	v27 =	vmul.f32 v6, v28  }
0x264: {  	v8 =	vld.idx.msk [tilespmem:v8+s4+$0x0], $0xffff;
	v15 =	vsub.f32 $1.000000000e+00, v15;
	v18 =	vadd.f32 v29, v18  }
0x265: {  	v23 =	vsub.f32 v23, v21;
	v19 =	vadd.f32 v27, v19  }
0x266: {  	v22 =	vsub.f32 v22, v20;
	v18 =	vsub.f32 $1.000000000e+00, v18  }
0x267: {  	v23 =	vmul.f32 v11, v23;
	v19 =	vsub.f32 $1.000000000e+00, v19;
	v16 =	vsub.f32 v16, v14  }
0x268: {  	v17 =	vsub.f32 v17, v13;
	v7 =	vsub.f32 v7, v10;
	v22 =	vmul.f32 v12, v22  }
0x269: {  	v8 =	vsub.f32 v8, v9;
	v21 =	vadd.f32 v23, v21;
	v11 =	vmul.f32 v11, v16  }
0x26a: {  	v12 =	vmul.f32 v12, v17;
	v5 =	vmul.f32 v5, v7;
	v16 =	vadd.f32 v22, v20  }
0x26b: {  	s1 =	sadd.s32 $0x40, s1;
	s8 =	sadd.s32 $0x20, s11;
	v6 =	vmul.f32 v6, v8;
	v20 =	vsub.f32 $1.000000000e+00, v21;
	v11 =	vadd.f32 v11, v14  }
0x26c: {  	s11 =	sadd.s32 $0xFFFFE010, s8;
	s14 =	sadd.s32 $0xFFFFC020, s1;
	v7 =	vadd.f32 v12, v13;
	v5 =	vadd.f32 v5, v10  }
0x26d: {  	[tilespmem:s12+$0x10000] =	vst v24;
	s11 =	sand.u32 $0x70, s11;
	s14 =	sand.u32 $0xFFFFFF00, s14;
	v12 =	vmul.f32 v15, v26;
	v6 =	vadd.f32 v6, v9;
	v8 =	vsub.f32 $1.000000000e+00, v16  }
0x26e: {  	[tilespmem:s12+$0x10080] =	vst v25;
	s11 =	sor.u32 s11, s14;
	v9 =	vmul.f32 v19, v18;
	v10 =	vsub.f32 $1.000000000e+00, v11;
	v7 =	vsub.f32 $1.000000000e+00, v7  }
0x26f: {  	s8 =	sand.u32 $0x60, s8;
	s1 =	sand.u32 $0x7F00, s1;
	s14 =	sadd.s32 $0x14000, s11;
	[tilespmem:s9+$0x14000] =	vst v12;
	v5 =	vsub.f32 $1.000000000e+00, v5;
	v6 =	vsub.f32 $1.000000000e+00, v6;
	v8 =	vmul.f32 v8, v20  }
0x270: {  	s6 =	sor.u32 s7, s6;
	s1 =	sor.u32 s8, s1;
	[tilespmem:s14+$0x80] =	vst v9;
	v7 =	vmul.f32 v7, v10  }
0x271: {  	s6 =	sshrl.u32 s6, $0x3;
	v5 =	vmul.f32 v6, v5;
	[tilespmem:s1+$0x10000] =	vst v8  }
0x272: {  	s15 =	sor.u32 $0x2000, s6;
	[tilespmem:s1+$0x10080] =	vst v7  }
0x273: {  	s16 =	simm.s32 $0x14000;
	[tilespmem:s11+$0x14000] =	vst v5;
	s1 =	sadd.s32 s3, s15  }
0x274: {  	[hbm4b:s1+s20] =	stream.strided.scatter [tilespmem:s16], [sflag:$0x7], $0x2000, s17, s20, $0x38;
	[tilespmem:$0x1E000] =	vst v63  }
0x275: {  	_ =	swait.ge [sflag:s24], $0x2000  }
0x276: {  	[sflag:s24] =	ssyncset.done $0x0  }
0x277: {  	s22 =	simm.s32 $0x19010;
	[sflag:s24] =	ssyncadd.s32 $0xFFFFE000  }
0x278: {  	s23 =	simm.s32 $0x1D010;
	v7 =	vld [tilespmem:s22+$0x0]  }
0x279: {  	v8 =	vld [tilespmem:s23+$0x0];
	_ =	sdelay $0x1  }
0x27a: {  	v9 =	vld [tilespmem:s22+$0xFFFFFFF0]  }
0x27b: {  	v11 =	vld [tilespmem:s23+$0xFFFFFFF0]  }
0x27c: {  	v12 =	vand.u32 $0xFFFF, v7  }
0x27d: {  	v13 =	vand.u32 $0xFFFF, v8  }
0x27e: {  	s7 =	simm.s32 $0x1D030;
	v16 =	vadd.s32 $0x1, v12  }
0x27f: {  	s25 =	simm.s32 $0x19030;
	v27 =	vld [tilespmem:s7+$0xFFFFFFF0];
	v10 =	vand.u32 $0xFFFF, v9;
	v17 =	vadd.s32 $0x1, v13  }
0x280: {  	v28 =	vld [tilespmem:s25+$0xFFFFFFF0];
	v14 =	vand.u32 $0xFFFF, v11;
	v5 =	vadd.s32 $0x1, v10  }
0x281: {  	v6 =	vadd.s32 $0x1, v14;
	v15 =	vld.idx.msk [tilespmem:v12+s13+$0x0], $0xffff  }
0x282: {  	v18 =	vld.idx.msk [tilespmem:v13+s13+$0x0], $0xffff  }
0x283: {  	v19 =	vld.idx.msk [tilespmem:v16+s13+$0x0], $0xffff  }
0x284: {  	v20 =	vld.idx.msk [tilespmem:v17+s13+$0x0], $0xffff  }
0x285: {  	v21 =	vld.idx.msk [tilespmem:v5+s4+$0x0], $0xffff  }
0x286: {  	v22 =	vld.idx.msk [tilespmem:v6+s4+$0x0], $0xffff  }
0x287: {  	v23 =	vld.idx.msk [tilespmem:v5+s13+$0x0], $0xffff  }
0x288: {  	v24 =	vld.idx.msk [tilespmem:v6+s13+$0x0], $0xffff  }
0x289: {  	v6 =	vld [tilespmem:s7+$0x0]  }
0x28a: {  	v5 =	vld [tilespmem:s25+$0x0]  }
0x28b: {  	v26 =	vld.idx.msk [tilespmem:v14+s4+$0x0], $0xffff  }
0x28c: {  	v25 =	vld.idx.msk [tilespmem:v10+s4+$0x0], $0xffff;
	v19 =	vsub.f32 v19, v15  }
0x28d: {  	v29 =	vand.u32 $0xFFFF0000, v7;
	v30 =	vand.u32 $0xFFFF0000, v8;
	v31 =	vld.idx.msk [tilespmem:v10+s13+$0x0], $0xffff;
	v20 =	vsub.f32 v20, v18  }
0x28e: {  	v32 =	vand.u32 $0xFFFF0000, v9;
	v33 =	vld.idx.msk [tilespmem:v12+s4+$0x0], $0xffff;
	v9 =	vand.u32 $0xFFFF, v6;
	v7 =	vmul.f32 v29, v19  }
0x28f: {  	v10 =	vand.u32 $0xFFFF, v5;
	v8 =	vmul.f32 v30, v20;
	v20 =	vld.idx.msk [tilespmem:v14+s13+$0x0], $0xffff;
	v14 =	vand.u32 $0xFFFF, v28  }
0x290: {  	v16 =	vld.idx.msk [tilespmem:v16+s4+$0x0], $0xffff;
	v19 =	vsub.f32 v22, v26;
	v12 =	vadd.f32 v7, v15;
	v7 =	vadd.s32 $0x1, v10  }
0x291: {  	v17 =	vld.idx.msk [tilespmem:v17+s4+$0x0], $0xffff;
	v34 =	vadd.f32 v8, v18;
	v18 =	vsub.f32 v21, v25;
	v8 =	vadd.s32 $0x1, v9  }
0x292: {  	v11 =	vand.u32 $0xFFFF0000, v11;
	v23 =	vsub.f32 v23, v31;
	v15 =	vld.idx.msk [tilespmem:v13+s4+$0x0], $0xffff;
	v21 =	vadd.s32 $0x1, v14  }
0x293: {  	v36 =	vmul.f32 v11, v19;
	v19 =	vld.idx.msk [tilespmem:v9+s13+$0x0], $0xffff;
	v12 =	vsub.f32 $1.000000000e+00, v12;
	v22 =	vmul.f32 v32, v18  }
0x294: {  	v13 =	vand.u32 $0xFFFF, v27;
	v18 =	vld.idx.msk [tilespmem:v10+s13+$0x0], $0xffff;
	v34 =	vsub.f32 $1.000000000e+00, v34;
	v24 =	vsub.f32 v24, v20  }
0x295: {  	v35 =	vadd.s32 $0x1, v13;
	v26 =	vadd.f32 v36, v26;
	v22 =	vadd.f32 v22, v25;
	v25 =	vld.idx.msk [tilespmem:v7+s13+$0x0], $0xffff  }
0x296: {  	s26 =	simm.s32 $0x10;
	s28 =	simm.s32 $0x20;
	v32 =	vmul.f32 v32, v23;
	v24 =	vmul.f32 v11, v24;
	v62 =	vld.idx.msk [tilespmem:v8+s13+$0x0], $0xffff  }
0x297: {  	s8 =	sand.u32 $0xFFFFFF00, s28;
	s1 =	sand.u32 $0x70, s26;
	v34 =	vmul.f32 v34, v12;
	v12 =	vsub.f32 v16, v33;
	v26 =	vsub.f32 $1.000000000e+00, v26;
	v23 =	vld.idx.msk [tilespmem:v21+s4+$0x0], $0xffff  }
0x298: {  	s8 =	sor.u32 s1, s8;
	v11 =	vand.u32 $0xFFFF0000, v28;
	v28 =	vadd.f32 v32, v31;
	v16 =	vld.idx.msk [tilespmem:v21+s13+$0x0], $0xffff;
	v20 =	vadd.f32 v24, v20  }
0x299: {  	s29 =	sadd.s32 $0x10000, s8;
	v21 =	vld.idx.msk [tilespmem:v14+s4+$0x0], $0xffff;
	v37 =	vsub.f32 $1.000000000e+00, v22;
	v29 =	vmul.f32 v29, v12;
	v24 =	vsub.f32 v17, v15  }
0x29a: {  	s9 =	simm.s32 $0x3000;
	s1 =	simm.s32 $0x6000;
	v22 =	vld.idx.msk [tilespmem:v35+s4+$0x0], $0xffff;
	v12 =	vand.u32 $0xFFFF0000, v27;
	[tilespmem:s29+$0x80] =	vst v34;
	v31 =	vsub.f32 $1.000000000e+00, v28;
	v63 =	vsub.f32 $1.000000000e+00, v20  }
0x29b: {  	s30 =	sand.u32 $0x60, s9;
	s31 =	sand.u32 $0x7F00, s1;
	v17 =	vld.idx.msk [tilespmem:v35+s13+$0x0], $0xffff;
	v27 =	vmul.f32 v30, v24;
	v24 =	vmul.f32 v26, v37;
	v26 =	vadd.f32 v29, v33  }
0x29c: {  	s12 =	simm.s32 $0x302;
	s16 =	simm.s32 $0x19050;
	s11 =	sor.u32 s30, s31;
	v20 =	vld.idx.msk [tilespmem:v13+s4+$0x0], $0xffff;
	v29 =	vsub.f32 v25, v18;
	v28 =	vsub.f32 v62, v19;
	v25 =	vmul.f32 v63, v31  }
.LBB2_13:
0x29d: {  	v30 =	vand.u32 $0xFFFF0000, v5;
	v5 =	vld [tilespmem:s16+$0x0];
	v31 =	vand.u32 $0xFFFF0000, v6;
	s7 =	sadd.s32 $0x20, s7;
	[tilespmem:s11+$0xA000] =	vst v24;
	v15 =	vadd.f32 v27, v15  }
0x29e: {  	v6 =	vld [tilespmem:s7+$0x0];
	v24 =	vmul.f32 v30, v29;
	v27 =	vmul.f32 v31, v28;
	[tilespmem:s11+$0xA080] =	vst v25;
	v25 =	vsub.f32 $1.000000000e+00, v26  }
0x29f: {  	s12 =	sadd.s32 $0x2, s12;
	v26 =	vld [tilespmem:s7+$0xFFFFFFF0];
	v15 =	vsub.f32 $1.000000000e+00, v15  }
0x2a0: {  	p0 =	slt.u32 s12, $0x3FE;
	v28 =	vld [tilespmem:s16+$0xFFFFFFF0];
	v18 =	vadd.f32 v24, v18;
	v19 =	vadd.f32 v27, v19  }
0x2a1: {  	s1 =	sadd.s32 $0x40, s1;
	s9 =	sadd.s32 $0x20, s9;
	v24 =	vld.idx.msk [tilespmem:v14+s13+$0x0], $0xffff;
	v14 =	vsub.f32 v23, v21;
	v15 =	vmul.f32 v15, v25  }
0x2a2: {  	s11 =	sand.u32 $0x60, s9;
	s14 =	sadd.s32 $0xFFFFD010, s9;
	s15 =	sadd.s32 $0xFFFFA020, s1;
	v23 =	vand.u32 $0xFFFF, v5;
	v25 =	vld.idx.msk [tilespmem:v13+s13+$0x0], $0xffff;
	v18 =	vsub.f32 $1.000000000e+00, v18;
	v19 =	vsub.f32 $1.000000000e+00, v19  }
0x2a3: {  	s22 =	sand.u32 $0x7F00, s1;
	s14 =	sand.u32 $0x70, s14;
	s15 =	sand.u32 $0xFFFFFF00, s15;
	v22 =	vsub.f32 v22, v20;
	v27 =	vand.u32 $0xFFFF, v6;
	v29 =	vmul.f32 v11, v14;
	v32 =	vld.idx.msk [tilespmem:v10+s4+$0x0], $0xffff;
	[tilespmem:s8+$0x10000] =	vst v15  }
0x2a4: {  	s11 =	sor.u32 s11, s22;
	v33 =	vadd.s32 $0x1, v23;
	s8 =	sor.u32 s14, s15;
	v10 =	vmovc v23;
	v13 =	vand.u32 $0xFFFF, v26;
	v15 =	vld.idx.msk [tilespmem:v9+s4+$0x0], $0xffff;
	v18 =	vmul.f32 v19, v18;
	v9 =	vmovc v27  }
0x2a5: {  	s14 =	sadd.s32 $0x10000, s8;
	v14 =	vand.u32 $0xFFFF, v28;
	v34 =	vadd.s32 $0x1, v13;
	v35 =	vadd.s32 $0x1, v9;
	v36 =	vld.idx.msk [tilespmem:v7+s4+$0x0], $0xffff;
	v7 =	vmovc v33  }
0x2a6: {  	v26 =	vand.u32 $0xFFFF0000, v26;
	v28 =	vand.u32 $0xFFFF0000, v28;
	v37 =	vadd.s32 $0x1, v14;
	v38 =	vld.idx.msk [tilespmem:v8+s4+$0x0], $0xffff;
	[tilespmem:s14+$0x80] =	vst v18;
	v8 =	vmovc v35  }
0x2a7: {  	v22 =	vmul.f32 v12, v22;
	v21 =	vadd.f32 v29, v21;
	v16 =	vsub.f32 v16, v24;
	v18 =	vld.idx.msk [tilespmem:v23+s13+$0x0], $0xffff  }
0x2a8: {  	v17 =	vsub.f32 v17, v25;
	v19 =	vld.idx.msk [tilespmem:v27+s13+$0x0], $0xffff  }
0x2a9: {  	v20 =	vadd.f32 v22, v20;
	v16 =	vmul.f32 v11, v16;
	v11 =	vmovc v28;
	v29 =	vld.idx.msk [tilespmem:v33+s13+$0x0], $0xffff;
	v33 =	vsub.f32 $1.000000000e+00, v21  }
0x2aa: {  	v17 =	vmul.f32 v12, v17;
	v12 =	vmov v26;
	v28 =	vld.idx.msk [tilespmem:v35+s13+$0x0], $0xffff  }
0x2ab: {  	v21 =	vadd.f32 v16, v24;
	v24 =	vsub.f32 v36, v32;
	v23 =	vld.idx.msk [tilespmem:v37+s4+$0x0], $0xffff  }
.Ltmp5:
0x2ac: {  	v25 =	vadd.f32 v17, v25;
	v26 =	vsub.f32 v38, v15;
	v22 =	vld.idx.msk [tilespmem:v34+s4+$0x0], $0xffff;
	(pc) =	sbr.rel @p0 .LBB2_13-.Ltmp5, $4  }
0x2ad: {  	v20 =	vsub.f32 $1.000000000e+00, v20;
	v35 =	vsub.f32 $1.000000000e+00, v21;
	v30 =	vmul.f32 v30, v24;
	v16 =	vld.idx.msk [tilespmem:v37+s13+$0x0], $0xffff  }
0x2ae: {  	v25 =	vsub.f32 $1.000000000e+00, v25;
	v27 =	vmul.f32 v31, v26;
	v17 =	vld.idx.msk [tilespmem:v34+s13+$0x0], $0xffff  }
0x2af: {  	v24 =	vmul.f32 v20, v33;
	v26 =	vadd.f32 v30, v32;
	v21 =	vld.idx.msk [tilespmem:v14+s4+$0x0], $0xffff  }
0x2b0: {  	s16 =	sadd.s32 $0x20, s16;
	v29 =	vsub.f32 v29, v18;
	v28 =	vsub.f32 v28, v19;
	v25 =	vmul.f32 v25, v35;
	v20 =	vld.idx.msk [tilespmem:v13+s4+$0x0], $0xffff  }
0x2b1: {  	_ =	sdelay $0x3  }
0x2b2: {  	v14 =	vld.idx.msk [tilespmem:v14+s13+$0x0], $0xffff  }
0x2b3: {  	v13 =	vld.idx.msk [tilespmem:v13+s13+$0x0], $0xffff  }
0x2b4: {  	v5 =	vand.u32 $0xFFFF0000, v5;
	v10 =	vld.idx.msk [tilespmem:v10+s4+$0x0], $0xffff  }
0x2b5: {  	v6 =	vand.u32 $0xFFFF0000, v6;
	v9 =	vld.idx.msk [tilespmem:v9+s4+$0x0], $0xffff;
	v15 =	vadd.f32 v27, v15;
	v29 =	vmul.f32 v5, v29  }
0x2b6: {  	v26 =	vsub.f32 $1.000000000e+00, v26;
	v7 =	vld.idx.msk [tilespmem:v7+s4+$0x0], $0xffff;
	v27 =	vmul.f32 v6, v28  }
0x2b7: {  	v8 =	vld.idx.msk [tilespmem:v8+s4+$0x0], $0xffff;
	v15 =	vsub.f32 $1.000000000e+00, v15;
	v18 =	vadd.f32 v29, v18  }
0x2b8: {  	v23 =	vsub.f32 v23, v21;
	v19 =	vadd.f32 v27, v19  }
0x2b9: {  	v22 =	vsub.f32 v22, v20;
	v18 =	vsub.f32 $1.000000000e+00, v18  }
0x2ba: {  	v23 =	vmul.f32 v11, v23;
	v19 =	vsub.f32 $1.000000000e+00, v19;
	v16 =	vsub.f32 v16, v14  }
0x2bb: {  	v17 =	vsub.f32 v17, v13;
	v7 =	vsub.f32 v7, v10;
	v22 =	vmul.f32 v12, v22  }
0x2bc: {  	v8 =	vsub.f32 v8, v9;
	v21 =	vadd.f32 v23, v21;
	v11 =	vmul.f32 v11, v16  }
0x2bd: {  	v12 =	vmul.f32 v12, v17;
	v5 =	vmul.f32 v5, v7;
	v16 =	vadd.f32 v22, v20  }
0x2be: {  	s1 =	sadd.s32 $0x40, s1;
	s7 =	sadd.s32 $0x20, s9;
	v6 =	vmul.f32 v6, v8;
	v20 =	vsub.f32 $1.000000000e+00, v21;
	v11 =	vadd.f32 v11, v14  }
0x2bf: {  	s9 =	sadd.s32 $0xFFFFD010, s7;
	s12 =	sadd.s32 $0xFFFFA020, s1;
	v7 =	vadd.f32 v12, v13;
	v5 =	vadd.f32 v5, v10  }
0x2c0: {  	[tilespmem:s11+$0xA000] =	vst v24;
	s9 =	sand.u32 $0x70, s9;
	s12 =	sand.u32 $0xFFFFFF00, s12;
	v12 =	vmul.f32 v15, v26;
	v6 =	vadd.f32 v6, v9;
	v8 =	vsub.f32 $1.000000000e+00, v16  }
0x2c1: {  	[tilespmem:s11+$0xA080] =	vst v25;
	s9 =	sor.u32 s9, s12;
	v9 =	vmul.f32 v19, v18;
	v10 =	vsub.f32 $1.000000000e+00, v11;
	v7 =	vsub.f32 $1.000000000e+00, v7  }
0x2c2: {  	s7 =	sand.u32 $0x60, s7;
	s1 =	sand.u32 $0x7F00, s1;
	s12 =	sadd.s32 $0x10000, s9;
	[tilespmem:s8+$0x10000] =	vst v12;
	v5 =	vsub.f32 $1.000000000e+00, v5;
	v6 =	vsub.f32 $1.000000000e+00, v6;
	v8 =	vmul.f32 v8, v20  }
0x2c3: {  	s1 =	sor.u32 s7, s1;
	[tilespmem:s12+$0x80] =	vst v9;
	v7 =	vmul.f32 v7, v10  }
0x2c4: {  	v5 =	vmul.f32 v6, v5;
	[tilespmem:s1+$0xA000] =	vst v8  }
0x2c5: {  	s14 =	sor.u32 $0x3000, s6;
	[tilespmem:s1+$0xA080] =	vst v7  }
0x2c6: {  	s22 =	simm.s32 $0x3;
	[tilespmem:s9+$0x10000] =	vst v5;
	s1 =	sadd.s32 s3, s14  }
0x2c7: {  	[hbm4b:s1+s20] =	stream.strided.scatter [tilespmem:s21], [sflag:$0x5], $0x2000, s17, s20, $0x38;
	[tilespmem:$0x1E000] =	vst v63  }
0x2c8: {  	s15 =	sor.u32 $0x1, s2;
	_ =	swait.ge [sflag:s22], $0x4000  }
0x2c9: {  	s23 =	simm.s32 $0x4;
	s16 =	sshll.u32 s15, $0x1;
	[sflag:s22] =	ssyncset.done $0x0  }
0x2ca: {  	p0 =	sgt.u32 s15, $0xE;
	s2 =	sadd.s32 s5, s16;
	[sflag:s22] =	ssyncadd.s32 $0xFFFFC000  }
0x2cb: {  	s1 =	sadd.s32 @!p0 $0x2, s2;
	_ =	swait.ge [sflag:s23], $0x4000  }
0x2cc: {  	s8 =	simm.s32 @!p0 $0x400;
	s7 =	sshll.u32 @!p0 s1, $0x4;
	[sflag:s23] =	ssyncset.done $0x0  }
0x2cd: {  	s1 =	sshll.u32 @!p0 s1, $0xB;
	s7 =	sand.u32 @!p0 $0x40, s7;
	s11 =	rddreg [dreg:$0x0]  }
0x2ce: {  	s9 =	simm.s32 @!p0 $0x0;
	s1 =	sand.u32 @!p0 $0xFFFC000, s1;
	s7 =	sadd.s32 @!p0 s11, s7  }
0x2cf: {  	[sflag:s23] =	ssyncadd.s32 $0xFFFFC000;
	s1 =	sadd.s32 @!p0 s1, s7;
	s7 =	simm.s32 @!p0 $0x80  }
0x2d0: {  	[tilespmem:s9], [sflag:$0x1] =	stream.strided.gather @!p0 [hbm4b:s1+s7], $0x4000, s8, s7, $0x38;
	[tilespmem:$0x1E000] =	vst v63  }
0x2d1: {  	s1 =	sadd.s32 @!p0 $0x3, s2  }
0x2d2: {  	s9 =	sshll.u32 @!p0 s1, $0x4  }
0x2d3: {  	s1 =	sshll.u32 @!p0 s1, $0xB;
	s9 =	sand.u32 @!p0 $0x50, s9  }
0x2d4: {  	s1 =	sand.u32 @!p0 $0xFFFC000, s1;
	s9 =	sadd.s32 @!p0 s11, s9  }
0x2d5: {  	s30 =	simm.s32 $0x0;
	s1 =	sadd.s32 @!p0 s1, s9;
	s9 =	simm.s32 @!p0 $0x4000  }
0x2d6: {  	[tilespmem:s9], [sflag:$0x2] =	stream.strided.gather @!p0 [hbm4b:s1+s7], $0x4000, s8, s7, $0x38;
	[tilespmem:$0x1E000] =	vst v63  }
0x2d7: {  	s12 =	sand.u32 $0x60, s30;
	_ =	swait.ge [sflag:s24], $0x2000  }
0x2d8: {  	s25 =	sand.u32 $0xF80, s30;
	s7 =	sor.u32 $0x10, s12;
	[sflag:s24] =	ssyncset.done $0x0  }
0x2d9: {  	s1 =	sor.u32 s25, s7;
	[sflag:s24] =	ssyncadd.s32 $0xFFFFE000  }
0x2da: {  	s26 =	simm.s32 $0x16000;
	v13 =	vld [tilespmem:s1+$0x16000]  }
0x2db: {  	v9 =	vld [tilespmem:s26+$0x0];
	_ =	sdelay $0x2  }
0x2dc: {  	s29 =	simm.s32 $0x20;
	v17 =	vld [tilespmem:s1+$0x1A000]  }
0x2dd: {  	s28 =	simm.s32 $0x1A000;
	s9 =	sand.u32 $0x60, s29;
	v12 =	vand.u32 $0xFFFF, v13  }
0x2de: {  	s16 =	simm.s32 $0x16020;
	s11 =	sand.u32 $0xF80, s29;
	s8 =	sor.u32 $0x10, s9;
	v7 =	vld [tilespmem:s28+$0x0];
	v10 =	vand.u32 $0xFFFF, v9  }
0x2df: {  	s14 =	sor.u32 s11, s8;
	v5 =	vld [tilespmem:s16+$0x0]  }
0x2e0: {  	s1 =	simm.s32 $0x1A020;
	v8 =	vld [tilespmem:s14+$0x16000]  }
0x2e1: {  	v6 =	vld [tilespmem:s1+$0x0];
	v29 =	vand.u32 $0xFFFF, v17  }
0x2e2: {  	v14 =	vadd.s32 $0x1, v12;
	v22 =	vld.idx.msk [tilespmem:v12+s18+$0x0], $0xffff  }
0x2e3: {  	v11 =	vld.idx.msk [tilespmem:v10+s19+$0x0], $0xffff  }
0x2e4: {  	v21 =	vand.u32 $0xFFFF, v7;
	v23 =	vadd.s32 $0x1, v10;
	v18 =	vadd.s32 $0x1, v29;
	v10 =	vld.idx.msk [tilespmem:v10+s18+$0x0], $0xffff  }
0x2e5: {  	v24 =	vadd.s32 $0x1, v21;
	v30 =	vld.idx.msk [tilespmem:v12+s19+$0x0], $0xffff  }
0x2e6: {  	v12 =	vld.idx.msk [tilespmem:v29+s18+$0x0], $0xffff  }
0x2e7: {  	v20 =	vld.idx.msk [tilespmem:v14+s19+$0x0], $0xffff  }
0x2e8: {  	v14 =	vld.idx.msk [tilespmem:v14+s18+$0x0], $0xffff  }
0x2e9: {  	v15 =	vld.idx.msk [tilespmem:v18+s19+$0x0], $0xffff  }
0x2ea: {  	v19 =	vld.idx.msk [tilespmem:v24+s19+$0x0], $0xffff  }
0x2eb: {  	v31 =	vld.idx.msk [tilespmem:v18+s18+$0x0], $0xffff  }
0x2ec: {  	v18 =	vld.idx.msk [tilespmem:v21+s18+$0x0], $0xffff  }
0x2ed: {  	v27 =	vld.idx.msk [tilespmem:v24+s18+$0x0], $0xffff;
	v14 =	vsub.f32 v14, v22  }
0x2ee: {  	v13 =	vand.u32 $0xFFFF0000, v13;
	v24 =	vsub.f32 v20, v30;
	v20 =	vld.idx.msk [tilespmem:v21+s19+$0x0], $0xffff;
	v21 =	vand.u32 $0xFFFF, v8  }
0x2ef: {  	v16 =	vld.idx.msk [tilespmem:v23+s19+$0x0], $0xffff;
	v28 =	vmul.f32 v13, v14  }
0x2f0: {  	s6 =	sshll.u32 s15, $0x8;
	s2 =	sshll.u32 s2, $0xE;
	v26 =	vld.idx.msk [tilespmem:v23+s18+$0x0], $0xffff;
	v14 =	vand.u32 $0xFFFF0000, v17;
	v17 =	vmul.f32 v13, v24  }
0x2f1: {  	s6 =	sand.u32 $0x300, s6;
	s22 =	simm.s32 $0x40;
	s31 =	sand.u32 $0x7FFE0000, s2;
	v25 =	vand.u32 $0xFFFF, v5;
	v23 =	vld [tilespmem:s14+$0x1A000];
	v24 =	vadd.s32 $0x1, v21;
	v28 =	vadd.f32 v28, v22  }
0x2f2: {  	s23 =	simm.s32 $0x2;
	s25 =	simm.s32 $0x40;
	s11 =	sor.u32 s6, s31;
	v13 =	vadd.s32 $0x1, v25;
	v22 =	vld.idx.msk [tilespmem:v29+s19+$0x0], $0xffff;
	v29 =	vsub.f32 v31, v12;
	v17 =	vadd.f32 v17, v30  }
.LBB2_15:
0x2f3: {  	s26 =	sand.u32 $0x60, s25;
	v30 =	vld.idx.msk [tilespmem:v21+s18+$0x0], $0xffff;
	s16 =	sadd.s32 $0x20, s16;
	s1 =	sadd.s32 $0x20, s1;
	v28 =	vsub.f32 $1.000000000e+00, v28  }
0x2f4: {  	s14 =	sand.u32 $0xF80, s25;
	s23 =	sadd.s32 $0x2, s23;
	v27 =	vsub.f32 v27, v18;
	v31 =	vld [tilespmem:s1+$0x0];
	s15 =	sor.u32 $0x10, s26;
	v29 =	vmul.f32 v14, v29  }
0x2f5: {  	v32 =	vand.u32 $0xFFFF0000, v9;
	v33 =	vand.u32 $0xFFFF0000, v7;
	v7 =	vmovc v6;
	v9 =	vmov v5;
	p0 =	slt.u32 s23, $0xFE;
	s14 =	sor.u32 s14, s15;
	v5 =	vld [tilespmem:s16+$0x0]  }
0x2f6: {  	v41 =	vsub.f32 v16, v11;
	v34 =	vand.u32 $0xFFFF, v7;
	v26 =	vsub.f32 v26, v10;
	v35 =	vld.idx.msk [tilespmem:v25+s19+$0x0], $0xffff  }
0x2f7: {  	v19 =	vsub.f32 v19, v20;
	v36 =	vadd.s32 $0x1, v34;
	v16 =	vmul.f32 v33, v27;
	v37 =	vld.idx.msk [tilespmem:v24+s19+$0x0], $0xffff  }
0x2f8: {  	v27 =	vmul.f32 v32, v41;
	v39 =	vand.u32 $0xFFFF, v23;
	v15 =	vsub.f32 v15, v22;
	v38 =	vld [tilespmem:s14+$0x16000]  }
0x2f9: {  	v19 =	vmul.f32 v33, v19;
	v40 =	vadd.s32 $0x1, v39;
	v18 =	vadd.f32 v16, v18;
	v25 =	vld.idx.msk [tilespmem:v25+s18+$0x0], $0xffff;
	v6 =	vmovc v31  }
0x2fa: {  	v26 =	vmul.f32 v32, v26;
	v32 =	vadd.f32 v27, v11;
	v27 =	vmul.f32 v14, v15;
	v16 =	vld.idx.msk [tilespmem:v13+s19+$0x0], $0xffff  }
0x2fb: {  	v14 =	vand.u32 $0xFFFF0000, v23;
	v15 =	vadd.f32 v19, v20;
	v19 =	vadd.f32 v29, v12;
	v23 =	vld.idx.msk [tilespmem:v24+s18+$0x0], $0xffff  }
0x2fc: {  	v20 =	vsub.f32 $1.000000000e+00, v32;
	v11 =	vmov v35;
	v31 =	vld.idx.msk [tilespmem:v21+s19+$0x0], $0xffff  }
0x2fd: {  	v29 =	vadd.f32 v26, v10;
	v21 =	vsub.f32 $1.000000000e+00, v15;
	v12 =	vld.idx.msk [tilespmem:v39+s18+$0x0], $0xffff  }
0x2fe: {  	s28 =	sand.u32 $0x1F00, s30;
	s30 =	smov.u32 s22;
	v22 =	vadd.f32 v27, v22;
	v24 =	vsub.f32 $1.000000000e+00, v19;
	v15 =	vld.idx.msk [tilespmem:v40+s19+$0x0], $0xffff  }
0x2ff: {  	s28 =	sor.u32 $0x10000, s28;
	v26 =	vsub.f32 $1.000000000e+00, v29;
	v27 =	vsub.f32 $1.000000000e+00, v18;
	v20 =	vmul.f32 v21, v20;
	v10 =	vmovc v25;
	v19 =	vld.idx.msk [tilespmem:v36+s19+$0x0], $0xffff  }
0x300: {  	v17 =	vsub.f32 $1.000000000e+00, v17;
	s29 =	sor.u32 s12, s28;
	s12 =	smov.u32 s9;
	s9 =	smov.u32 s26;
	v24 =	vmul.f32 v24, v28;
	v22 =	vsub.f32 $1.000000000e+00, v22;
	v29 =	vld.idx.msk [tilespmem:v40+s18+$0x0], $0xffff  }
0x301: {  	s26 =	sor.u32 s7, s28;
	s7 =	smov.u32 s8;
	s8 =	smov.u32 s15;
	v28 =	vand.u32 $0xFFFF0000, v8;
	v25 =	vsub.f32 v23, v30;
	v23 =	vmul.f32 v27, v26;
	v18 =	vld.idx.msk [tilespmem:v34+s18+$0x0], $0xffff;
	[tilespmem:s29+$0x80] =	vst v20  }
.Ltmp6:
0x302: {  	v21 =	vand.u32 $0xFFFF, v38;
	v17 =	vmul.f32 v22, v17;
	v32 =	vsub.f32 v37, v31;
	v27 =	vld.idx.msk [tilespmem:v36+s18+$0x0], $0xffff;
	[tilespmem:s26+$0x0] =	vst v24;
	(pc) =	sbr.rel @p0 .LBB2_15-.Ltmp6, $4  }
0x303: {  	v8 =	vmov v38;
	v22 =	vmul.f32 v28, v25;
	v20 =	vld.idx.msk [tilespmem:v34+s19+$0x0], $0xffff;
	[tilespmem:s29+$0x0] =	vst v23  }
0x304: {  	v25 =	vand.u32 $0xFFFF, v5;
	v24 =	vadd.s32 $0x1, v21;
	v32 =	vmul.f32 v28, v32;
	v26 =	vld.idx.msk [tilespmem:v13+s18+$0x0], $0xffff  }
0x305: {  	v13 =	vadd.s32 $0x1, v25;
	v28 =	vadd.f32 v22, v30;
	v23 =	vld [tilespmem:s14+$0x1A000];
	[tilespmem:s26+$0x80] =	vst v17  }
0x306: {  	s25 =	sadd.s32 $0x20, s25;
	s22 =	sadd.s32 $0x40, s22;
	v29 =	vsub.f32 v29, v12;
	v17 =	vadd.f32 v32, v31;
	v22 =	vld.idx.msk [tilespmem:v39+s19+$0x0], $0xffff  }
0x307: {  	_ =	sdelay $0x3  }
0x308: {  	v30 =	vld.idx.msk [tilespmem:v21+s18+$0x0], $0xffff  }
0x309: {  	v31 =	vld.idx.msk [tilespmem:v25+s19+$0x0], $0xffff  }
0x30a: {  	v27 =	vsub.f32 v27, v18;
	v32 =	vand.u32 $0xFFFF, v6;
	v33 =	vld.idx.msk [tilespmem:v24+s19+$0x0], $0xffff  }
0x30b: {  	v9 =	vand.u32 $0xFFFF0000, v9;
	v16 =	vsub.f32 v16, v11;
	v25 =	vld.idx.msk [tilespmem:v25+s18+$0x0], $0xffff;
	v7 =	vand.u32 $0xFFFF0000, v7  }
0x30c: {  	v37 =	vld.idx.msk [tilespmem:v13+s19+$0x0], $0xffff;
	v35 =	vadd.s32 $0x1, v32;
	v19 =	vsub.f32 v19, v20;
	v17 =	vsub.f32 $1.000000000e+00, v17  }
0x30d: {  	v21 =	vld.idx.msk [tilespmem:v21+s19+$0x0], $0xffff;
	v27 =	vmul.f32 v7, v27;
	v16 =	vmul.f32 v9, v16;
	v26 =	vsub.f32 v26, v10  }
0x30e: {  	v24 =	vld.idx.msk [tilespmem:v24+s18+$0x0], $0xffff;
	v34 =	vand.u32 $0xFFFF, v23;
	v7 =	vmul.f32 v7, v19;
	v19 =	vsub.f32 $1.000000000e+00, v28  }
0x30f: {  	v13 =	vld.idx.msk [tilespmem:v13+s18+$0x0], $0xffff;
	v28 =	vmul.f32 v14, v29;
	v36 =	vadd.s32 $0x1, v34;
	v15 =	vsub.f32 v15, v22  }
0x310: {  	v11 =	vadd.f32 v16, v11;
	v18 =	vadd.f32 v27, v18;
	v9 =	vmul.f32 v9, v26;
	v27 =	vld.idx.msk [tilespmem:v32+s19+$0x0], $0xffff  }
0x311: {  	v7 =	vadd.f32 v7, v20;
	v12 =	vadd.f32 v28, v12;
	v20 =	vld.idx.msk [tilespmem:v35+s19+$0x0], $0xffff;
	v14 =	vmul.f32 v14, v15  }
0x312: {  	v8 =	vand.u32 $0xFFFF0000, v8;
	v26 =	vsub.f32 v33, v21;
	v9 =	vadd.f32 v9, v10;
	v10 =	vld.idx.msk [tilespmem:v32+s18+$0x0], $0xffff  }
0x313: {  	v5 =	vand.u32 $0xFFFF0000, v5;
	v16 =	vld.idx.msk [tilespmem:v34+s18+$0x0], $0xffff;
	v14 =	vadd.f32 v14, v22;
	v22 =	vsub.f32 v24, v30  }
0x314: {  	v6 =	vand.u32 $0xFFFF0000, v6;
	v13 =	vsub.f32 v13, v25;
	v12 =	vsub.f32 $1.000000000e+00, v12;
	v24 =	vld.idx.msk [tilespmem:v35+s18+$0x0], $0xffff  }
0x315: {  	v11 =	vsub.f32 $1.000000000e+00, v11;
	v7 =	vsub.f32 $1.000000000e+00, v7;
	v15 =	vld.idx.msk [tilespmem:v36+s18+$0x0], $0xffff;
	v22 =	vmul.f32 v8, v22  }
0x316: {  	v18 =	vsub.f32 $1.000000000e+00, v18;
	v28 =	vld.idx.msk [tilespmem:v36+s19+$0x0], $0xffff;
	v12 =	vmul.f32 v12, v19;
	v19 =	vsub.f32 v37, v31  }
0x317: {  	v7 =	vmul.f32 v7, v11;
	v8 =	vmul.f32 v8, v26;
	v11 =	vadd.f32 v22, v30;
	v22 =	vld.idx.msk [tilespmem:v34+s19+$0x0], $0xffff  }
0x318: {  	v9 =	vsub.f32 $1.000000000e+00, v9;
	v20 =	vsub.f32 v20, v27;
	v19 =	vmul.f32 v5, v19  }
0x319: {  	v5 =	vmul.f32 v5, v13;
	v8 =	vadd.f32 v8, v21;
	v21 =	vsub.f32 v24, v10  }
0x31a: {  	v23 =	vand.u32 $0xFFFF0000, v23;
	v14 =	vsub.f32 $1.000000000e+00, v14;
	v15 =	vsub.f32 v15, v16  }
0x31b: {  	s1 =	sand.u32 $0x1F00, s30;
	v5 =	vadd.f32 v5, v25;
	v21 =	vmul.f32 v6, v21;
	v6 =	vmul.f32 v6, v20  }
0x31c: {  	s1 =	sor.u32 $0x10000, s1;
	v19 =	vadd.f32 v19, v31;
	v15 =	vmul.f32 v23, v15;
	v20 =	vsub.f32 v28, v22  }
0x31d: {  	s12 =	sor.u32 s12, s1;
	v9 =	vmul.f32 v18, v9;
	v5 =	vsub.f32 $1.000000000e+00, v5;
	v6 =	vadd.f32 v6, v27  }
0x31e: {  	s1 =	sor.u32 s7, s1;
	[tilespmem:s12+$0x80] =	vst v7;
	v10 =	vadd.f32 v21, v10;
	v15 =	vadd.f32 v15, v16;
	v13 =	vmul.f32 v23, v20  }
0x31f: {  	[tilespmem:s1+$0x0] =	vst v12;
	v16 =	vsub.f32 $1.000000000e+00, v19;
	v6 =	vsub.f32 $1.000000000e+00, v6  }
0x320: {  	s14 =	sand.u32 $0x1F00, s22;
	v7 =	vmul.f32 v14, v17;
	[tilespmem:s12+$0x0] =	vst v9;
	v9 =	vsub.f32 $1.000000000e+00, v10;
	v12 =	vadd.f32 v13, v22  }
0x321: {  	s7 =	sor.u32 $0x10000, s14;
	v11 =	vsub.f32 $1.000000000e+00, v11;
	v13 =	vsub.f32 $1.000000000e+00, v15;
	v6 =	vmul.f32 v6, v16  }
0x322: {  	s15 =	sor.u32 s9, s7;
	[tilespmem:s1+$0x80] =	vst v7;
	v8 =	vsub.f32 $1.000000000e+00, v8;
	v5 =	vmul.f32 v9, v5;
	v10 =	vsub.f32 $1.000000000e+00, v12  }
0x323: {  	v7 =	vmul.f32 v13, v11;
	[tilespmem:s15+$0x80] =	vst v6  }
0x324: {  	s8 =	sor.u32 s8, s7;
	[tilespmem:s15+$0x0] =	vst v5;
	v6 =	vmul.f32 v10, v8  }
0x325: {  	s7 =	sshrl.u32 s11, $0x3;
	[tilespmem:s8+$0x0] =	vst v7  }
0x326: {  	s22 =	simm.s32 $0x6;
	s16 =	sadd.s32 s3, s7;
	[tilespmem:s8+$0x80] =	vst v6  }
0x327: {  	[hbm4b:s16+s20] =	stream.strided.scatter [tilespmem:s21], [sflag:$0x5], $0x2000, s17, s20, $0x38;
	[tilespmem:$0x1E000] =	vst v63  }
0x328: {  	_ =	swait.ge [sflag:s22], $0x2000  }
0x329: {  	[sflag:s22] =	ssyncset.done $0x0  }
0x32a: {  	s23 =	simm.s32 $0x17010;
	[sflag:s22] =	ssyncadd.s32 $0xFFFFE000  }
0x32b: {  	s25 =	simm.s32 $0x1B010;
	v7 =	vld [tilespmem:s23+$0x0]  }
0x32c: {  	v8 =	vld [tilespmem:s25+$0x0];
	_ =	sdelay $0x1  }
0x32d: {  	v9 =	vld [tilespmem:s23+$0xFFFFFFF0]  }
0x32e: {  	v11 =	vld [tilespmem:s25+$0xFFFFFFF0]  }
0x32f: {  	v12 =	vand.u32 $0xFFFF, v7  }
0x330: {  	v13 =	vand.u32 $0xFFFF, v8  }
0x331: {  	s8 =	simm.s32 $0x1B030;
	v16 =	vadd.s32 $0x1, v12  }
0x332: {  	s26 =	simm.s32 $0x17030;
	v27 =	vld [tilespmem:s8+$0xFFFFFFF0];
	v10 =	vand.u32 $0xFFFF, v9;
	v17 =	vadd.s32 $0x1, v13  }
0x333: {  	v28 =	vld [tilespmem:s26+$0xFFFFFFF0];
	v14 =	vand.u32 $0xFFFF, v11;
	v5 =	vadd.s32 $0x1, v10  }
0x334: {  	v6 =	vadd.s32 $0x1, v14;
	v15 =	vld.idx.msk [tilespmem:v12+s19+$0x0], $0xffff  }
0x335: {  	v18 =	vld.idx.msk [tilespmem:v13+s19+$0x0], $0xffff  }
0x336: {  	v19 =	vld.idx.msk [tilespmem:v16+s19+$0x0], $0xffff  }
0x337: {  	v20 =	vld.idx.msk [tilespmem:v17+s19+$0x0], $0xffff  }
0x338: {  	v21 =	vld.idx.msk [tilespmem:v5+s18+$0x0], $0xffff  }
0x339: {  	v22 =	vld.idx.msk [tilespmem:v6+s18+$0x0], $0xffff  }
0x33a: {  	v23 =	vld.idx.msk [tilespmem:v5+s19+$0x0], $0xffff  }
0x33b: {  	v24 =	vld.idx.msk [tilespmem:v6+s19+$0x0], $0xffff  }
0x33c: {  	v6 =	vld [tilespmem:s8+$0x0]  }
0x33d: {  	v5 =	vld [tilespmem:s26+$0x0]  }
0x33e: {  	v26 =	vld.idx.msk [tilespmem:v14+s18+$0x0], $0xffff  }
0x33f: {  	v25 =	vld.idx.msk [tilespmem:v10+s18+$0x0], $0xffff;
	v19 =	vsub.f32 v19, v15  }
0x340: {  	v29 =	vand.u32 $0xFFFF0000, v7;
	v30 =	vand.u32 $0xFFFF0000, v8;
	v31 =	vld.idx.msk [tilespmem:v10+s19+$0x0], $0xffff;
	v20 =	vsub.f32 v20, v18  }
0x341: {  	v56 =	vand.u32 $0xFFFF0000, v9;
	v57 =	vld.idx.msk [tilespmem:v12+s18+$0x0], $0xffff;
	v9 =	vand.u32 $0xFFFF, v6;
	v7 =	vmul.f32 v29, v19  }
0x342: {  	v10 =	vand.u32 $0xFFFF, v5;
	v8 =	vmul.f32 v30, v20;
	v20 =	vld.idx.msk [tilespmem:v14+s19+$0x0], $0xffff;
	v14 =	vand.u32 $0xFFFF, v28  }
0x343: {  	v16 =	vld.idx.msk [tilespmem:v16+s18+$0x0], $0xffff;
	v19 =	vsub.f32 v22, v26;
	v12 =	vadd.f32 v7, v15;
	v7 =	vadd.s32 $0x1, v10  }
0x344: {  	v17 =	vld.idx.msk [tilespmem:v17+s18+$0x0], $0xffff;
	v58 =	vadd.f32 v8, v18;
	v18 =	vsub.f32 v21, v25;
	v8 =	vadd.s32 $0x1, v9  }
0x345: {  	v11 =	vand.u32 $0xFFFF0000, v11;
	v23 =	vsub.f32 v23, v31;
	v15 =	vld.idx.msk [tilespmem:v13+s18+$0x0], $0xffff;
	v21 =	vadd.s32 $0x1, v14  }
0x346: {  	v60 =	vmul.f32 v11, v19;
	v19 =	vld.idx.msk [tilespmem:v9+s19+$0x0], $0xffff;
	v12 =	vsub.f32 $1.000000000e+00, v12;
	v22 =	vmul.f32 v56, v18  }
0x347: {  	v13 =	vand.u32 $0xFFFF, v27;
	v18 =	vld.idx.msk [tilespmem:v10+s19+$0x0], $0xffff;
	v34 =	vsub.f32 $1.000000000e+00, v58;
	v24 =	vsub.f32 v24, v20  }
0x348: {  	v59 =	vadd.s32 $0x1, v13;
	v26 =	vadd.f32 v60, v26;
	v22 =	vadd.f32 v22, v25;
	v25 =	vld.idx.msk [tilespmem:v7+s19+$0x0], $0xffff  }
0x349: {  	s28 =	simm.s32 $0x10;
	s29 =	simm.s32 $0x20;
	v32 =	vmul.f32 v56, v23;
	v61 =	vld.idx.msk [tilespmem:v8+s19+$0x0], $0xffff;
	v24 =	vmul.f32 v11, v24  }
0x34a: {  	s9 =	sand.u32 $0xFFFFFF00, s29;
	s1 =	sand.u32 $0x70, s28;
	v34 =	vmul.f32 v34, v12;
	v12 =	vsub.f32 v16, v57;
	v26 =	vsub.f32 $1.000000000e+00, v26;
	v23 =	vld.idx.msk [tilespmem:v21+s18+$0x0], $0xffff  }
0x34b: {  	s9 =	sor.u32 s1, s9;
	v11 =	vand.u32 $0xFFFF0000, v28;
	v28 =	vadd.f32 v32, v31;
	v16 =	vld.idx.msk [tilespmem:v21+s19+$0x0], $0xffff;
	v20 =	vadd.f32 v24, v20  }
0x34c: {  	s30 =	sadd.s32 $0x12000, s9;
	v21 =	vld.idx.msk [tilespmem:v14+s18+$0x0], $0xffff;
	v62 =	vsub.f32 $1.000000000e+00, v22;
	v29 =	vmul.f32 v29, v12;
	v24 =	vsub.f32 v17, v15  }
0x34d: {  	s11 =	simm.s32 $0x1000;
	s1 =	simm.s32 $0x2000;
	v22 =	vld.idx.msk [tilespmem:v59+s18+$0x0], $0xffff;
	v12 =	vand.u32 $0xFFFF0000, v27;
	[tilespmem:s30+$0x80] =	vst v34;
	v31 =	vsub.f32 $1.000000000e+00, v28;
	v63 =	vsub.f32 $1.000000000e+00, v20  }
0x34e: {  	s31 =	sand.u32 $0x60, s11;
	s14 =	sand.u32 $0x3F00, s1;
	v17 =	vld.idx.msk [tilespmem:v59+s19+$0x0], $0xffff;
	v27 =	vmul.f32 v30, v24;
	v24 =	vmul.f32 v26, v62;
	v26 =	vadd.f32 v29, v57  }
0x34f: {  	s12 =	sor.u32 s31, s14;
	s16 =	simm.s32 $0x102;
	s22 =	simm.s32 $0x17050;
	v20 =	vld.idx.msk [tilespmem:v13+s18+$0x0], $0xffff;
	v29 =	vsub.f32 v25, v18;
	v28 =	vsub.f32 v61, v19;
	v25 =	vmul.f32 v63, v31  }
.LBB2_17:
0x350: {  	v30 =	vand.u32 $0xFFFF0000, v5;
	v5 =	vld [tilespmem:s22+$0x0];
	v31 =	vand.u32 $0xFFFF0000, v6;
	s8 =	sadd.s32 $0x20, s8;
	[tilespmem:s12+$0x10000] =	vst v24;
	v15 =	vadd.f32 v27, v15  }
0x351: {  	v6 =	vld [tilespmem:s8+$0x0];
	v24 =	vmul.f32 v30, v29;
	v27 =	vmul.f32 v31, v28;
	[tilespmem:s12+$0x10080] =	vst v25;
	v25 =	vsub.f32 $1.000000000e+00, v26  }
0x352: {  	s16 =	sadd.s32 $0x2, s16;
	v26 =	vld [tilespmem:s8+$0xFFFFFFF0];
	v15 =	vsub.f32 $1.000000000e+00, v15  }
0x353: {  	p0 =	slt.u32 s16, $0x1FE;
	v28 =	vld [tilespmem:s22+$0xFFFFFFF0];
	v18 =	vadd.f32 v24, v18;
	v19 =	vadd.f32 v27, v19  }
0x354: {  	s1 =	sadd.s32 $0x40, s1;
	s11 =	sadd.s32 $0x20, s11;
	v24 =	vld.idx.msk [tilespmem:v14+s19+$0x0], $0xffff;
	v14 =	vsub.f32 v23, v21;
	v15 =	vmul.f32 v15, v25  }
0x355: {  	s12 =	sand.u32 $0x60, s11;
	s14 =	sadd.s32 $0xFFFFF010, s11;
	s15 =	sadd.s32 $0xFFFFE020, s1;
	v23 =	vand.u32 $0xFFFF, v5;
	v25 =	vld.idx.msk [tilespmem:v13+s19+$0x0], $0xffff;
	v18 =	vsub.f32 $1.000000000e+00, v18;
	v19 =	vsub.f32 $1.000000000e+00, v19  }
0x356: {  	s23 =	sand.u32 $0x3F00, s1;
	s14 =	sand.u32 $0x70, s14;
	s15 =	sand.u32 $0xFFFFFF00, s15;
	v22 =	vsub.f32 v22, v20;
	v27 =	vand.u32 $0xFFFF, v6;
	v29 =	vmul.f32 v11, v14;
	v32 =	vld.idx.msk [tilespmem:v10+s18+$0x0], $0xffff;
	[tilespmem:s9+$0x12000] =	vst v15  }
0x357: {  	s12 =	sor.u32 s12, s23;
	v33 =	vadd.s32 $0x1, v23;
	s9 =	sor.u32 s14, s15;
	v10 =	vmovc v23;
	v13 =	vand.u32 $0xFFFF, v26;
	v15 =	vld.idx.msk [tilespmem:v9+s18+$0x0], $0xffff;
	v18 =	vmul.f32 v19, v18;
	v9 =	vmovc v27  }
0x358: {  	s14 =	sadd.s32 $0x12000, s9;
	v14 =	vand.u32 $0xFFFF, v28;
	v34 =	vadd.s32 $0x1, v13;
	v35 =	vadd.s32 $0x1, v9;
	v36 =	vld.idx.msk [tilespmem:v7+s18+$0x0], $0xffff;
	v7 =	vmovc v33  }
0x359: {  	v26 =	vand.u32 $0xFFFF0000, v26;
	v28 =	vand.u32 $0xFFFF0000, v28;
	v37 =	vadd.s32 $0x1, v14;
	v38 =	vld.idx.msk [tilespmem:v8+s18+$0x0], $0xffff;
	[tilespmem:s14+$0x80] =	vst v18;
	v8 =	vmovc v35  }
0x35a: {  	v22 =	vmul.f32 v12, v22;
	v21 =	vadd.f32 v29, v21;
	v16 =	vsub.f32 v16, v24;
	v18 =	vld.idx.msk [tilespmem:v23+s19+$0x0], $0xffff  }
0x35b: {  	v17 =	vsub.f32 v17, v25;
	v19 =	vld.idx.msk [tilespmem:v27+s19+$0x0], $0xffff  }
0x35c: {  	v20 =	vadd.f32 v22, v20;
	v16 =	vmul.f32 v11, v16;
	v11 =	vmovc v28;
	v29 =	vld.idx.msk [tilespmem:v33+s19+$0x0], $0xffff;
	v33 =	vsub.f32 $1.000000000e+00, v21  }
0x35d: {  	v17 =	vmul.f32 v12, v17;
	v12 =	vmov v26;
	v28 =	vld.idx.msk [tilespmem:v35+s19+$0x0], $0xffff  }
0x35e: {  	v21 =	vadd.f32 v16, v24;
	v24 =	vsub.f32 v36, v32;
	v23 =	vld.idx.msk [tilespmem:v37+s18+$0x0], $0xffff  }
.Ltmp7:
0x35f: {  	v25 =	vadd.f32 v17, v25;
	v26 =	vsub.f32 v38, v15;
	v22 =	vld.idx.msk [tilespmem:v34+s18+$0x0], $0xffff;
	(pc) =	sbr.rel @p0 .LBB2_17-.Ltmp7, $4  }
0x360: {  	v20 =	vsub.f32 $1.000000000e+00, v20;
	v35 =	vsub.f32 $1.000000000e+00, v21;
	v30 =	vmul.f32 v30, v24;
	v16 =	vld.idx.msk [tilespmem:v37+s19+$0x0], $0xffff  }
0x361: {  	v25 =	vsub.f32 $1.000000000e+00, v25;
	v27 =	vmul.f32 v31, v26;
	v17 =	vld.idx.msk [tilespmem:v34+s19+$0x0], $0xffff  }
0x362: {  	v24 =	vmul.f32 v20, v33;
	v26 =	vadd.f32 v30, v32;
	v21 =	vld.idx.msk [tilespmem:v14+s18+$0x0], $0xffff  }
0x363: {  	s22 =	sadd.s32 $0x20, s22;
	v29 =	vsub.f32 v29, v18;
	v28 =	vsub.f32 v28, v19;
	v25 =	vmul.f32 v25, v35;
	v20 =	vld.idx.msk [tilespmem:v13+s18+$0x0], $0xffff  }
0x364: {  	_ =	sdelay $0x3  }
0x365: {  	v14 =	vld.idx.msk [tilespmem:v14+s19+$0x0], $0xffff  }
0x366: {  	v13 =	vld.idx.msk [tilespmem:v13+s19+$0x0], $0xffff  }
0x367: {  	v5 =	vand.u32 $0xFFFF0000, v5;
	v10 =	vld.idx.msk [tilespmem:v10+s18+$0x0], $0xffff  }
0x368: {  	v6 =	vand.u32 $0xFFFF0000, v6;
	v9 =	vld.idx.msk [tilespmem:v9+s18+$0x0], $0xffff;
	v15 =	vadd.f32 v27, v15;
	v29 =	vmul.f32 v5, v29  }
0x369: {  	v26 =	vsub.f32 $1.000000000e+00, v26;
	v7 =	vld.idx.msk [tilespmem:v7+s18+$0x0], $0xffff;
	v27 =	vmul.f32 v6, v28  }
0x36a: {  	v8 =	vld.idx.msk [tilespmem:v8+s18+$0x0], $0xffff;
	v15 =	vsub.f32 $1.000000000e+00, v15;
	v18 =	vadd.f32 v29, v18  }
0x36b: {  	v23 =	vsub.f32 v23, v21;
	v19 =	vadd.f32 v27, v19  }
0x36c: {  	v22 =	vsub.f32 v22, v20;
	v18 =	vsub.f32 $1.000000000e+00, v18  }
0x36d: {  	v23 =	vmul.f32 v11, v23;
	v19 =	vsub.f32 $1.000000000e+00, v19;
	v16 =	vsub.f32 v16, v14  }
0x36e: {  	v17 =	vsub.f32 v17, v13;
	v7 =	vsub.f32 v7, v10;
	v22 =	vmul.f32 v12, v22  }
0x36f: {  	v8 =	vsub.f32 v8, v9;
	v21 =	vadd.f32 v23, v21;
	v11 =	vmul.f32 v11, v16  }
0x370: {  	v12 =	vmul.f32 v12, v17;
	v5 =	vmul.f32 v5, v7;
	v16 =	vadd.f32 v22, v20  }
0x371: {  	s1 =	sadd.s32 $0x40, s1;
	s8 =	sadd.s32 $0x20, s11;
	v6 =	vmul.f32 v6, v8;
	v20 =	vsub.f32 $1.000000000e+00, v21;
	v11 =	vadd.f32 v11, v14  }
0x372: {  	s11 =	sadd.s32 $0xFFFFF010, s8;
	s14 =	sadd.s32 $0xFFFFE020, s1;
	v7 =	vadd.f32 v12, v13;
	v5 =	vadd.f32 v5, v10  }
0x373: {  	[tilespmem:s12+$0x10000] =	vst v24;
	s11 =	sand.u32 $0x70, s11;
	s14 =	sand.u32 $0xFFFFFF00, s14;
	v12 =	vmul.f32 v15, v26;
	v6 =	vadd.f32 v6, v9;
	v8 =	vsub.f32 $1.000000000e+00, v16  }
0x374: {  	[tilespmem:s12+$0x10080] =	vst v25;
	s11 =	sor.u32 s11, s14;
	v9 =	vmul.f32 v19, v18;
	v10 =	vsub.f32 $1.000000000e+00, v11;
	v7 =	vsub.f32 $1.000000000e+00, v7  }
0x375: {  	s8 =	sand.u32 $0x60, s8;
	s1 =	sand.u32 $0x3F00, s1;
	s12 =	sadd.s32 $0x12000, s11;
	[tilespmem:s9+$0x12000] =	vst v12;
	v5 =	vsub.f32 $1.000000000e+00, v5;
	v6 =	vsub.f32 $1.000000000e+00, v6;
	v8 =	vmul.f32 v8, v20  }
0x376: {  	s1 =	sor.u32 s8, s1;
	[tilespmem:s12+$0x80] =	vst v9;
	v7 =	vmul.f32 v7, v10  }
0x377: {  	v5 =	vmul.f32 v6, v5;
	[tilespmem:s1+$0x10000] =	vst v8  }
0x378: {  	[tilespmem:s1+$0x10080] =	vst v7  }
0x379: {  	s15 =	simm.s32 $0x12000;
	s16 =	simm.s32 $0x7;
	s14 =	sadd.s32 s7, s10;
	[tilespmem:s11+$0x12000] =	vst v5  }
0x37a: {  	[hbm4b:s14+s20] =	stream.strided.scatter [tilespmem:s15], [sflag:$0x6], $0x2000, s17, s20, $0x38;
	[tilespmem:$0x1E000] =	vst v63  }
0x37b: {  	_ =	swait.ge [sflag:s16], $0x2000  }
0x37c: {  	[sflag:s16] =	ssyncset.done $0x0  }
0x37d: {  	s22 =	simm.s32 $0x18010;
	[sflag:s16] =	ssyncadd.s32 $0xFFFFE000  }
0x37e: {  	s23 =	simm.s32 $0x1C010;
	v7 =	vld [tilespmem:s22+$0x0]  }
0x37f: {  	v8 =	vld [tilespmem:s23+$0x0];
	_ =	sdelay $0x1  }
0x380: {  	v9 =	vld [tilespmem:s22+$0xFFFFFFF0]  }
0x381: {  	v11 =	vld [tilespmem:s23+$0xFFFFFFF0]  }
0x382: {  	v12 =	vand.u32 $0xFFFF, v7  }
0x383: {  	v13 =	vand.u32 $0xFFFF, v8  }
0x384: {  	s8 =	simm.s32 $0x1C030;
	v16 =	vadd.s32 $0x1, v12  }
0x385: {  	s25 =	simm.s32 $0x18030;
	v27 =	vld [tilespmem:s8+$0xFFFFFFF0];
	v10 =	vand.u32 $0xFFFF, v9;
	v17 =	vadd.s32 $0x1, v13  }
0x386: {  	v28 =	vld [tilespmem:s25+$0xFFFFFFF0];
	v14 =	vand.u32 $0xFFFF, v11;
	v5 =	vadd.s32 $0x1, v10  }
0x387: {  	v6 =	vadd.s32 $0x1, v14;
	v15 =	vld.idx.msk [tilespmem:v12+s19+$0x0], $0xffff  }
0x388: {  	v18 =	vld.idx.msk [tilespmem:v13+s19+$0x0], $0xffff  }
0x389: {  	v19 =	vld.idx.msk [tilespmem:v16+s19+$0x0], $0xffff  }
0x38a: {  	v20 =	vld.idx.msk [tilespmem:v17+s19+$0x0], $0xffff  }
0x38b: {  	v21 =	vld.idx.msk [tilespmem:v5+s18+$0x0], $0xffff  }
0x38c: {  	v22 =	vld.idx.msk [tilespmem:v6+s18+$0x0], $0xffff  }
0x38d: {  	v23 =	vld.idx.msk [tilespmem:v5+s19+$0x0], $0xffff  }
0x38e: {  	v24 =	vld.idx.msk [tilespmem:v6+s19+$0x0], $0xffff  }
0x38f: {  	v6 =	vld [tilespmem:s8+$0x0]  }
0x390: {  	v5 =	vld [tilespmem:s25+$0x0]  }
0x391: {  	v26 =	vld.idx.msk [tilespmem:v14+s18+$0x0], $0xffff  }
0x392: {  	v25 =	vld.idx.msk [tilespmem:v10+s18+$0x0], $0xffff;
	v19 =	vsub.f32 v19, v15  }
0x393: {  	v29 =	vand.u32 $0xFFFF0000, v7;
	v30 =	vand.u32 $0xFFFF0000, v8;
	v31 =	vld.idx.msk [tilespmem:v10+s19+$0x0], $0xffff;
	v20 =	vsub.f32 v20, v18  }
0x394: {  	v32 =	vand.u32 $0xFFFF0000, v9;
	v33 =	vld.idx.msk [tilespmem:v12+s18+$0x0], $0xffff;
	v9 =	vand.u32 $0xFFFF, v6;
	v7 =	vmul.f32 v29, v19  }
0x395: {  	v10 =	vand.u32 $0xFFFF, v5;
	v8 =	vmul.f32 v30, v20;
	v20 =	vld.idx.msk [tilespmem:v14+s19+$0x0], $0xffff;
	v14 =	vand.u32 $0xFFFF, v28  }
0x396: {  	v16 =	vld.idx.msk [tilespmem:v16+s18+$0x0], $0xffff;
	v19 =	vsub.f32 v22, v26;
	v12 =	vadd.f32 v7, v15;
	v7 =	vadd.s32 $0x1, v10  }
0x397: {  	v17 =	vld.idx.msk [tilespmem:v17+s18+$0x0], $0xffff;
	v34 =	vadd.f32 v8, v18;
	v18 =	vsub.f32 v21, v25;
	v8 =	vadd.s32 $0x1, v9  }
0x398: {  	v11 =	vand.u32 $0xFFFF0000, v11;
	v23 =	vsub.f32 v23, v31;
	v15 =	vld.idx.msk [tilespmem:v13+s18+$0x0], $0xffff;
	v21 =	vadd.s32 $0x1, v14  }
0x399: {  	v36 =	vmul.f32 v11, v19;
	v19 =	vld.idx.msk [tilespmem:v9+s19+$0x0], $0xffff;
	v12 =	vsub.f32 $1.000000000e+00, v12;
	v22 =	vmul.f32 v32, v18  }
0x39a: {  	v13 =	vand.u32 $0xFFFF, v27;
	v18 =	vld.idx.msk [tilespmem:v10+s19+$0x0], $0xffff;
	v34 =	vsub.f32 $1.000000000e+00, v34;
	v24 =	vsub.f32 v24, v20  }
0x39b: {  	v35 =	vadd.s32 $0x1, v13;
	v26 =	vadd.f32 v36, v26;
	v22 =	vadd.f32 v22, v25;
	v25 =	vld.idx.msk [tilespmem:v7+s19+$0x0], $0xffff  }
0x39c: {  	s26 =	simm.s32 $0x10;
	s28 =	simm.s32 $0x20;
	v32 =	vmul.f32 v32, v23;
	v24 =	vmul.f32 v11, v24;
	v62 =	vld.idx.msk [tilespmem:v8+s19+$0x0], $0xffff  }
0x39d: {  	s9 =	sand.u32 $0xFFFFFF00, s28;
	s1 =	sand.u32 $0x70, s26;
	v34 =	vmul.f32 v34, v12;
	v12 =	vsub.f32 v16, v33;
	v26 =	vsub.f32 $1.000000000e+00, v26;
	v23 =	vld.idx.msk [tilespmem:v21+s18+$0x0], $0xffff  }
0x39e: {  	s9 =	sor.u32 s1, s9;
	v11 =	vand.u32 $0xFFFF0000, v28;
	v28 =	vadd.f32 v32, v31;
	v16 =	vld.idx.msk [tilespmem:v21+s19+$0x0], $0xffff;
	v20 =	vadd.f32 v24, v20  }
0x39f: {  	s29 =	sadd.s32 $0x14000, s9;
	v21 =	vld.idx.msk [tilespmem:v14+s18+$0x0], $0xffff;
	v37 =	vsub.f32 $1.000000000e+00, v22;
	v29 =	vmul.f32 v29, v12;
	v24 =	vsub.f32 v17, v15  }
0x3a0: {  	s11 =	simm.s32 $0x2000;
	s1 =	simm.s32 $0x4000;
	v22 =	vld.idx.msk [tilespmem:v35+s18+$0x0], $0xffff;
	v12 =	vand.u32 $0xFFFF0000, v27;
	[tilespmem:s29+$0x80] =	vst v34;
	v31 =	vsub.f32 $1.000000000e+00, v28;
	v63 =	vsub.f32 $1.000000000e+00, v20  }
0x3a1: {  	s30 =	sand.u32 $0x60, s11;
	s31 =	sand.u32 $0x7F00, s1;
	v17 =	vld.idx.msk [tilespmem:v35+s19+$0x0], $0xffff;
	v27 =	vmul.f32 v30, v24;
	v24 =	vmul.f32 v26, v37;
	v26 =	vadd.f32 v29, v33  }
0x3a2: {  	s12 =	sor.u32 s30, s31;
	s16 =	simm.s32 $0x202;
	s22 =	simm.s32 $0x18050;
	v20 =	vld.idx.msk [tilespmem:v13+s18+$0x0], $0xffff;
	v29 =	vsub.f32 v25, v18;
	v28 =	vsub.f32 v62, v19;
	v25 =	vmul.f32 v63, v31  }
.LBB2_19:
0x3a3: {  	v30 =	vand.u32 $0xFFFF0000, v5;
	v5 =	vld [tilespmem:s22+$0x0];
	v31 =	vand.u32 $0xFFFF0000, v6;
	s8 =	sadd.s32 $0x20, s8;
	[tilespmem:s12+$0x10000] =	vst v24;
	v15 =	vadd.f32 v27, v15  }
0x3a4: {  	v6 =	vld [tilespmem:s8+$0x0];
	v24 =	vmul.f32 v30, v29;
	v27 =	vmul.f32 v31, v28;
	[tilespmem:s12+$0x10080] =	vst v25;
	v25 =	vsub.f32 $1.000000000e+00, v26  }
0x3a5: {  	s16 =	sadd.s32 $0x2, s16;
	v26 =	vld [tilespmem:s8+$0xFFFFFFF0];
	v15 =	vsub.f32 $1.000000000e+00, v15  }
0x3a6: {  	p0 =	slt.u32 s16, $0x2FE;
	v28 =	vld [tilespmem:s22+$0xFFFFFFF0];
	v18 =	vadd.f32 v24, v18;
	v19 =	vadd.f32 v27, v19  }
0x3a7: {  	s1 =	sadd.s32 $0x40, s1;
	s11 =	sadd.s32 $0x20, s11;
	v24 =	vld.idx.msk [tilespmem:v14+s19+$0x0], $0xffff;
	v14 =	vsub.f32 v23, v21;
	v15 =	vmul.f32 v15, v25  }
0x3a8: {  	s12 =	sand.u32 $0x60, s11;
	s14 =	sadd.s32 $0xFFFFE010, s11;
	s15 =	sadd.s32 $0xFFFFC020, s1;
	v23 =	vand.u32 $0xFFFF, v5;
	v25 =	vld.idx.msk [tilespmem:v13+s19+$0x0], $0xffff;
	v18 =	vsub.f32 $1.000000000e+00, v18;
	v19 =	vsub.f32 $1.000000000e+00, v19  }
0x3a9: {  	s23 =	sand.u32 $0x7F00, s1;
	s14 =	sand.u32 $0x70, s14;
	s15 =	sand.u32 $0xFFFFFF00, s15;
	v22 =	vsub.f32 v22, v20;
	v27 =	vand.u32 $0xFFFF, v6;
	v29 =	vmul.f32 v11, v14;
	v32 =	vld.idx.msk [tilespmem:v10+s18+$0x0], $0xffff;
	[tilespmem:s9+$0x14000] =	vst v15  }
0x3aa: {  	s12 =	sor.u32 s12, s23;
	v33 =	vadd.s32 $0x1, v23;
	s9 =	sor.u32 s14, s15;
	v10 =	vmovc v23;
	v13 =	vand.u32 $0xFFFF, v26;
	v15 =	vld.idx.msk [tilespmem:v9+s18+$0x0], $0xffff;
	v18 =	vmul.f32 v19, v18;
	v9 =	vmovc v27  }
0x3ab: {  	s14 =	sadd.s32 $0x14000, s9;
	v14 =	vand.u32 $0xFFFF, v28;
	v34 =	vadd.s32 $0x1, v13;
	v35 =	vadd.s32 $0x1, v9;
	v36 =	vld.idx.msk [tilespmem:v7+s18+$0x0], $0xffff;
	v7 =	vmovc v33  }
0x3ac: {  	v26 =	vand.u32 $0xFFFF0000, v26;
	v28 =	vand.u32 $0xFFFF0000, v28;
	v37 =	vadd.s32 $0x1, v14;
	v38 =	vld.idx.msk [tilespmem:v8+s18+$0x0], $0xffff;
	[tilespmem:s14+$0x80] =	vst v18;
	v8 =	vmovc v35  }
0x3ad: {  	v22 =	vmul.f32 v12, v22;
	v21 =	vadd.f32 v29, v21;
	v16 =	vsub.f32 v16, v24;
	v18 =	vld.idx.msk [tilespmem:v23+s19+$0x0], $0xffff  }
0x3ae: {  	v17 =	vsub.f32 v17, v25;
	v19 =	vld.idx.msk [tilespmem:v27+s19+$0x0], $0xffff  }
0x3af: {  	v20 =	vadd.f32 v22, v20;
	v16 =	vmul.f32 v11, v16;
	v11 =	vmovc v28;
	v29 =	vld.idx.msk [tilespmem:v33+s19+$0x0], $0xffff;
	v33 =	vsub.f32 $1.000000000e+00, v21  }
0x3b0: {  	v17 =	vmul.f32 v12, v17;
	v12 =	vmov v26;
	v28 =	vld.idx.msk [tilespmem:v35+s19+$0x0], $0xffff  }
0x3b1: {  	v21 =	vadd.f32 v16, v24;
	v24 =	vsub.f32 v36, v32;
	v23 =	vld.idx.msk [tilespmem:v37+s18+$0x0], $0xffff  }
.Ltmp8:
0x3b2: {  	v25 =	vadd.f32 v17, v25;
	v26 =	vsub.f32 v38, v15;
	v22 =	vld.idx.msk [tilespmem:v34+s18+$0x0], $0xffff;
	(pc) =	sbr.rel @p0 .LBB2_19-.Ltmp8, $4  }
0x3b3: {  	v20 =	vsub.f32 $1.000000000e+00, v20;
	v35 =	vsub.f32 $1.000000000e+00, v21;
	v30 =	vmul.f32 v30, v24;
	v16 =	vld.idx.msk [tilespmem:v37+s19+$0x0], $0xffff  }
0x3b4: {  	v25 =	vsub.f32 $1.000000000e+00, v25;
	v27 =	vmul.f32 v31, v26;
	v17 =	vld.idx.msk [tilespmem:v34+s19+$0x0], $0xffff  }
0x3b5: {  	v24 =	vmul.f32 v20, v33;
	v26 =	vadd.f32 v30, v32;
	v21 =	vld.idx.msk [tilespmem:v14+s18+$0x0], $0xffff  }
0x3b6: {  	s22 =	sadd.s32 $0x20, s22;
	v29 =	vsub.f32 v29, v18;
	v28 =	vsub.f32 v28, v19;
	v25 =	vmul.f32 v25, v35;
	v20 =	vld.idx.msk [tilespmem:v13+s18+$0x0], $0xffff  }
0x3b7: {  	_ =	sdelay $0x3  }
0x3b8: {  	v14 =	vld.idx.msk [tilespmem:v14+s19+$0x0], $0xffff  }
0x3b9: {  	v13 =	vld.idx.msk [tilespmem:v13+s19+$0x0], $0xffff  }
0x3ba: {  	v5 =	vand.u32 $0xFFFF0000, v5;
	v10 =	vld.idx.msk [tilespmem:v10+s18+$0x0], $0xffff  }
0x3bb: {  	v6 =	vand.u32 $0xFFFF0000, v6;
	v9 =	vld.idx.msk [tilespmem:v9+s18+$0x0], $0xffff;
	v15 =	vadd.f32 v27, v15;
	v29 =	vmul.f32 v5, v29  }
0x3bc: {  	v26 =	vsub.f32 $1.000000000e+00, v26;
	v7 =	vld.idx.msk [tilespmem:v7+s18+$0x0], $0xffff;
	v27 =	vmul.f32 v6, v28  }
0x3bd: {  	v8 =	vld.idx.msk [tilespmem:v8+s18+$0x0], $0xffff;
	v15 =	vsub.f32 $1.000000000e+00, v15;
	v18 =	vadd.f32 v29, v18  }
0x3be: {  	v23 =	vsub.f32 v23, v21;
	v19 =	vadd.f32 v27, v19  }
0x3bf: {  	v22 =	vsub.f32 v22, v20;
	v18 =	vsub.f32 $1.000000000e+00, v18  }
0x3c0: {  	v23 =	vmul.f32 v11, v23;
	v19 =	vsub.f32 $1.000000000e+00, v19;
	v16 =	vsub.f32 v16, v14  }
0x3c1: {  	v17 =	vsub.f32 v17, v13;
	v7 =	vsub.f32 v7, v10;
	v22 =	vmul.f32 v12, v22  }
0x3c2: {  	v8 =	vsub.f32 v8, v9;
	v21 =	vadd.f32 v23, v21;
	v11 =	vmul.f32 v11, v16  }
0x3c3: {  	v12 =	vmul.f32 v12, v17;
	v5 =	vmul.f32 v5, v7;
	v16 =	vadd.f32 v22, v20  }
0x3c4: {  	s1 =	sadd.s32 $0x40, s1;
	s8 =	sadd.s32 $0x20, s11;
	v6 =	vmul.f32 v6, v8;
	v20 =	vsub.f32 $1.000000000e+00, v21;
	v11 =	vadd.f32 v11, v14  }
0x3c5: {  	s11 =	sadd.s32 $0xFFFFE010, s8;
	s14 =	sadd.s32 $0xFFFFC020, s1;
	v7 =	vadd.f32 v12, v13;
	v5 =	vadd.f32 v5, v10  }
0x3c6: {  	[tilespmem:s12+$0x10000] =	vst v24;
	s11 =	sand.u32 $0x70, s11;
	s14 =	sand.u32 $0xFFFFFF00, s14;
	v12 =	vmul.f32 v15, v26;
	v6 =	vadd.f32 v6, v9;
	v8 =	vsub.f32 $1.000000000e+00, v16  }
0x3c7: {  	[tilespmem:s12+$0x10080] =	vst v25;
	s11 =	sor.u32 s11, s14;
	v9 =	vmul.f32 v19, v18;
	v10 =	vsub.f32 $1.000000000e+00, v11;
	v7 =	vsub.f32 $1.000000000e+00, v7  }
0x3c8: {  	s8 =	sand.u32 $0x60, s8;
	s1 =	sand.u32 $0x7F00, s1;
	s15 =	sadd.s32 $0x14000, s11;
	[tilespmem:s9+$0x14000] =	vst v12;
	v5 =	vsub.f32 $1.000000000e+00, v5;
	v6 =	vsub.f32 $1.000000000e+00, v6;
	v8 =	vmul.f32 v8, v20  }
0x3c9: {  	s1 =	sor.u32 s8, s1;
	[tilespmem:s15+$0x80] =	vst v9;
	v7 =	vmul.f32 v7, v10  }
0x3ca: {  	v5 =	vmul.f32 v6, v5;
	[tilespmem:s1+$0x10000] =	vst v8  }
0x3cb: {  	[tilespmem:s1+$0x10080] =	vst v7  }
0x3cc: {  	[tilespmem:s11+$0x14000] =	vst v5  }
0x3cd: {  	s1 =	rddreg [dreg:$0x8]  }
0x3ce: {  	s16 =	simm.s32 $0x14000;
	s1 =	sadd.s32 s7, s1  }
0x3cf: {  	[hbm4b:s1+s20] =	stream.strided.scatter [tilespmem:s16], [sflag:$0x7], $0x2000, s17, s20, $0x38;
	[tilespmem:$0x1E000] =	vst v63  }
0x3d0: {  	_ =	swait.ge [sflag:s24], $0x2000  }
0x3d1: {  	[sflag:s24] =	ssyncset.done $0x0  }
0x3d2: {  	s22 =	simm.s32 $0x19010;
	[sflag:s24] =	ssyncadd.s32 $0xFFFFE000  }
0x3d3: {  	s23 =	simm.s32 $0x1D010;
	v7 =	vld [tilespmem:s22+$0x0]  }
0x3d4: {  	v8 =	vld [tilespmem:s23+$0x0];
	_ =	sdelay $0x1  }
0x3d5: {  	v9 =	vld [tilespmem:s22+$0xFFFFFFF0]  }
0x3d6: {  	v11 =	vld [tilespmem:s23+$0xFFFFFFF0]  }
0x3d7: {  	v12 =	vand.u32 $0xFFFF, v7  }
0x3d8: {  	v13 =	vand.u32 $0xFFFF, v8  }
0x3d9: {  	s7 =	simm.s32 $0x1D030;
	v16 =	vadd.s32 $0x1, v12  }
0x3da: {  	s25 =	simm.s32 $0x19030;
	v27 =	vld [tilespmem:s7+$0xFFFFFFF0];
	v10 =	vand.u32 $0xFFFF, v9;
	v17 =	vadd.s32 $0x1, v13  }
0x3db: {  	v28 =	vld [tilespmem:s25+$0xFFFFFFF0];
	v14 =	vand.u32 $0xFFFF, v11;
	v5 =	vadd.s32 $0x1, v10  }
0x3dc: {  	v6 =	vadd.s32 $0x1, v14;
	v15 =	vld.idx.msk [tilespmem:v12+s19+$0x0], $0xffff  }
0x3dd: {  	v18 =	vld.idx.msk [tilespmem:v13+s19+$0x0], $0xffff  }
0x3de: {  	v19 =	vld.idx.msk [tilespmem:v16+s19+$0x0], $0xffff  }
0x3df: {  	v20 =	vld.idx.msk [tilespmem:v17+s19+$0x0], $0xffff  }
0x3e0: {  	v21 =	vld.idx.msk [tilespmem:v5+s18+$0x0], $0xffff  }
0x3e1: {  	v22 =	vld.idx.msk [tilespmem:v6+s18+$0x0], $0xffff  }
0x3e2: {  	v23 =	vld.idx.msk [tilespmem:v5+s19+$0x0], $0xffff  }
0x3e3: {  	v24 =	vld.idx.msk [tilespmem:v6+s19+$0x0], $0xffff  }
0x3e4: {  	v6 =	vld [tilespmem:s7+$0x0]  }
0x3e5: {  	v5 =	vld [tilespmem:s25+$0x0]  }
0x3e6: {  	v26 =	vld.idx.msk [tilespmem:v14+s18+$0x0], $0xffff  }
0x3e7: {  	v25 =	vld.idx.msk [tilespmem:v10+s18+$0x0], $0xffff;
	v19 =	vsub.f32 v19, v15  }
0x3e8: {  	v29 =	vand.u32 $0xFFFF0000, v7;
	v30 =	vand.u32 $0xFFFF0000, v8;
	v31 =	vld.idx.msk [tilespmem:v10+s19+$0x0], $0xffff;
	v20 =	vsub.f32 v20, v18  }
0x3e9: {  	v32 =	vand.u32 $0xFFFF0000, v9;
	v33 =	vld.idx.msk [tilespmem:v12+s18+$0x0], $0xffff;
	v9 =	vand.u32 $0xFFFF, v6;
	v7 =	vmul.f32 v29, v19  }
0x3ea: {  	v10 =	vand.u32 $0xFFFF, v5;
	v8 =	vmul.f32 v30, v20;
	v20 =	vld.idx.msk [tilespmem:v14+s19+$0x0], $0xffff;
	v14 =	vand.u32 $0xFFFF, v28  }
0x3eb: {  	v16 =	vld.idx.msk [tilespmem:v16+s18+$0x0], $0xffff;
	v19 =	vsub.f32 v22, v26;
	v12 =	vadd.f32 v7, v15;
	v7 =	vadd.s32 $0x1, v10  }
0x3ec: {  	v17 =	vld.idx.msk [tilespmem:v17+s18+$0x0], $0xffff;
	v34 =	vadd.f32 v8, v18;
	v18 =	vsub.f32 v21, v25;
	v8 =	vadd.s32 $0x1, v9  }
0x3ed: {  	v11 =	vand.u32 $0xFFFF0000, v11;
	v23 =	vsub.f32 v23, v31;
	v15 =	vld.idx.msk [tilespmem:v13+s18+$0x0], $0xffff;
	v21 =	vadd.s32 $0x1, v14  }
0x3ee: {  	v36 =	vmul.f32 v11, v19;
	v19 =	vld.idx.msk [tilespmem:v9+s19+$0x0], $0xffff;
	v12 =	vsub.f32 $1.000000000e+00, v12;
	v22 =	vmul.f32 v32, v18  }
0x3ef: {  	v13 =	vand.u32 $0xFFFF, v27;
	v18 =	vld.idx.msk [tilespmem:v10+s19+$0x0], $0xffff;
	v34 =	vsub.f32 $1.000000000e+00, v34;
	v24 =	vsub.f32 v24, v20  }
0x3f0: {  	v35 =	vadd.s32 $0x1, v13;
	v26 =	vadd.f32 v36, v26;
	v22 =	vadd.f32 v22, v25;
	v25 =	vld.idx.msk [tilespmem:v7+s19+$0x0], $0xffff  }
0x3f1: {  	s26 =	simm.s32 $0x10;
	s28 =	simm.s32 $0x20;
	v32 =	vmul.f32 v32, v23;
	v24 =	vmul.f32 v11, v24;
	v62 =	vld.idx.msk [tilespmem:v8+s19+$0x0], $0xffff  }
0x3f2: {  	s8 =	sand.u32 $0xFFFFFF00, s28;
	s1 =	sand.u32 $0x70, s26;
	v34 =	vmul.f32 v34, v12;
	v12 =	vsub.f32 v16, v33;
	v26 =	vsub.f32 $1.000000000e+00, v26;
	v23 =	vld.idx.msk [tilespmem:v21+s18+$0x0], $0xffff  }
0x3f3: {  	s8 =	sor.u32 s1, s8;
	v11 =	vand.u32 $0xFFFF0000, v28;
	v28 =	vadd.f32 v32, v31;
	v16 =	vld.idx.msk [tilespmem:v21+s19+$0x0], $0xffff;
	v20 =	vadd.f32 v24, v20  }
0x3f4: {  	s29 =	sadd.s32 $0x10000, s8;
	v21 =	vld.idx.msk [tilespmem:v14+s18+$0x0], $0xffff;
	v37 =	vsub.f32 $1.000000000e+00, v22;
	v29 =	vmul.f32 v29, v12;
	v24 =	vsub.f32 v17, v15  }
0x3f5: {  	s9 =	simm.s32 $0x3000;
	s1 =	simm.s32 $0x6000;
	v22 =	vld.idx.msk [tilespmem:v35+s18+$0x0], $0xffff;
	v12 =	vand.u32 $0xFFFF0000, v27;
	[tilespmem:s29+$0x80] =	vst v34;
	v31 =	vsub.f32 $1.000000000e+00, v28;
	v63 =	vsub.f32 $1.000000000e+00, v20  }
0x3f6: {  	s30 =	sand.u32 $0x60, s9;
	s31 =	sand.u32 $0x7F00, s1;
	v17 =	vld.idx.msk [tilespmem:v35+s19+$0x0], $0xffff;
	v27 =	vmul.f32 v30, v24;
	v24 =	vmul.f32 v26, v37;
	v26 =	vadd.f32 v29, v33  }
0x3f7: {  	s12 =	simm.s32 $0x302;
	s16 =	simm.s32 $0x19050;
	s11 =	sor.u32 s30, s31;
	v20 =	vld.idx.msk [tilespmem:v13+s18+$0x0], $0xffff;
	v29 =	vsub.f32 v25, v18;
	v28 =	vsub.f32 v62, v19;
	v25 =	vmul.f32 v63, v31  }
.LBB2_21:
0x3f8: {  	v30 =	vand.u32 $0xFFFF0000, v5;
	v5 =	vld [tilespmem:s16+$0x0];
	v31 =	vand.u32 $0xFFFF0000, v6;
	s7 =	sadd.s32 $0x20, s7;
	[tilespmem:s11+$0xA000] =	vst v24;
	v15 =	vadd.f32 v27, v15  }
0x3f9: {  	v6 =	vld [tilespmem:s7+$0x0];
	v24 =	vmul.f32 v30, v29;
	v27 =	vmul.f32 v31, v28;
	[tilespmem:s11+$0xA080] =	vst v25;
	v25 =	vsub.f32 $1.000000000e+00, v26  }
0x3fa: {  	s12 =	sadd.s32 $0x2, s12;
	v26 =	vld [tilespmem:s7+$0xFFFFFFF0];
	v15 =	vsub.f32 $1.000000000e+00, v15  }
0x3fb: {  	p0 =	slt.u32 s12, $0x3FE;
	v28 =	vld [tilespmem:s16+$0xFFFFFFF0];
	v18 =	vadd.f32 v24, v18;
	v19 =	vadd.f32 v27, v19  }
0x3fc: {  	s1 =	sadd.s32 $0x40, s1;
	s9 =	sadd.s32 $0x20, s9;
	v24 =	vld.idx.msk [tilespmem:v14+s19+$0x0], $0xffff;
	v14 =	vsub.f32 v23, v21;
	v15 =	vmul.f32 v15, v25  }
0x3fd: {  	s11 =	sand.u32 $0x60, s9;
	s14 =	sadd.s32 $0xFFFFD010, s9;
	s15 =	sadd.s32 $0xFFFFA020, s1;
	v23 =	vand.u32 $0xFFFF, v5;
	v25 =	vld.idx.msk [tilespmem:v13+s19+$0x0], $0xffff;
	v18 =	vsub.f32 $1.000000000e+00, v18;
	v19 =	vsub.f32 $1.000000000e+00, v19  }
0x3fe: {  	s22 =	sand.u32 $0x7F00, s1;
	s14 =	sand.u32 $0x70, s14;
	s15 =	sand.u32 $0xFFFFFF00, s15;
	v22 =	vsub.f32 v22, v20;
	v27 =	vand.u32 $0xFFFF, v6;
	v29 =	vmul.f32 v11, v14;
	v32 =	vld.idx.msk [tilespmem:v10+s18+$0x0], $0xffff;
	[tilespmem:s8+$0x10000] =	vst v15  }
0x3ff: {  	s11 =	sor.u32 s11, s22;
	v33 =	vadd.s32 $0x1, v23;
	s8 =	sor.u32 s14, s15;
	v10 =	vmovc v23;
	v13 =	vand.u32 $0xFFFF, v26;
	v15 =	vld.idx.msk [tilespmem:v9+s18+$0x0], $0xffff;
	v18 =	vmul.f32 v19, v18;
	v9 =	vmovc v27  }
0x400: {  	s14 =	sadd.s32 $0x10000, s8;
	v14 =	vand.u32 $0xFFFF, v28;
	v34 =	vadd.s32 $0x1, v13;
	v35 =	vadd.s32 $0x1, v9;
	v36 =	vld.idx.msk [tilespmem:v7+s18+$0x0], $0xffff;
	v7 =	vmovc v33  }
0x401: {  	v26 =	vand.u32 $0xFFFF0000, v26;
	v28 =	vand.u32 $0xFFFF0000, v28;
	v37 =	vadd.s32 $0x1, v14;
	v38 =	vld.idx.msk [tilespmem:v8+s18+$0x0], $0xffff;
	[tilespmem:s14+$0x80] =	vst v18;
	v8 =	vmovc v35  }
0x402: {  	v22 =	vmul.f32 v12, v22;
	v21 =	vadd.f32 v29, v21;
	v16 =	vsub.f32 v16, v24;
	v18 =	vld.idx.msk [tilespmem:v23+s19+$0x0], $0xffff  }
0x403: {  	v17 =	vsub.f32 v17, v25;
	v19 =	vld.idx.msk [tilespmem:v27+s19+$0x0], $0xffff  }
0x404: {  	v20 =	vadd.f32 v22, v20;
	v16 =	vmul.f32 v11, v16;
	v11 =	vmovc v28;
	v29 =	vld.idx.msk [tilespmem:v33+s19+$0x0], $0xffff;
	v33 =	vsub.f32 $1.000000000e+00, v21  }
0x405: {  	v17 =	vmul.f32 v12, v17;
	v12 =	vmov v26;
	v28 =	vld.idx.msk [tilespmem:v35+s19+$0x0], $0xffff  }
0x406: {  	v21 =	vadd.f32 v16, v24;
	v24 =	vsub.f32 v36, v32;
	v23 =	vld.idx.msk [tilespmem:v37+s18+$0x0], $0xffff  }
.Ltmp9:
0x407: {  	v25 =	vadd.f32 v17, v25;
	v26 =	vsub.f32 v38, v15;
	v22 =	vld.idx.msk [tilespmem:v34+s18+$0x0], $0xffff;
	(pc) =	sbr.rel @p0 .LBB2_21-.Ltmp9, $4  }
0x408: {  	v20 =	vsub.f32 $1.000000000e+00, v20;
	v35 =	vsub.f32 $1.000000000e+00, v21;
	v30 =	vmul.f32 v30, v24;
	v16 =	vld.idx.msk [tilespmem:v37+s19+$0x0], $0xffff  }
0x409: {  	v25 =	vsub.f32 $1.000000000e+00, v25;
	v27 =	vmul.f32 v31, v26;
	v17 =	vld.idx.msk [tilespmem:v34+s19+$0x0], $0xffff  }
0x40a: {  	v24 =	vmul.f32 v20, v33;
	v26 =	vadd.f32 v30, v32;
	v21 =	vld.idx.msk [tilespmem:v14+s18+$0x0], $0xffff  }
0x40b: {  	s16 =	sadd.s32 $0x20, s16;
	v29 =	vsub.f32 v29, v18;
	v28 =	vsub.f32 v28, v19;
	v25 =	vmul.f32 v25, v35;
	v20 =	vld.idx.msk [tilespmem:v13+s18+$0x0], $0xffff  }
0x40c: {  	_ =	sdelay $0x3  }
0x40d: {  	v14 =	vld.idx.msk [tilespmem:v14+s19+$0x0], $0xffff  }
0x40e: {  	v13 =	vld.idx.msk [tilespmem:v13+s19+$0x0], $0xffff  }
0x40f: {  	v5 =	vand.u32 $0xFFFF0000, v5;
	v10 =	vld.idx.msk [tilespmem:v10+s18+$0x0], $0xffff  }
0x410: {  	v6 =	vand.u32 $0xFFFF0000, v6;
	v9 =	vld.idx.msk [tilespmem:v9+s18+$0x0], $0xffff;
	v15 =	vadd.f32 v27, v15;
	v29 =	vmul.f32 v5, v29  }
0x411: {  	v26 =	vsub.f32 $1.000000000e+00, v26;
	v7 =	vld.idx.msk [tilespmem:v7+s18+$0x0], $0xffff;
	v54 =	vmul.f32 v6, v28  }
0x412: {  	v8 =	vld.idx.msk [tilespmem:v8+s18+$0x0], $0xffff;
	v15 =	vsub.f32 $1.000000000e+00, v15;
	v18 =	vadd.f32 v29, v18  }
0x413: {  	v23 =	vsub.f32 v23, v21;
	v19 =	vadd.f32 v54, v19  }
0x414: {  	v22 =	vsub.f32 v22, v20;
	v18 =	vsub.f32 $1.000000000e+00, v18  }
0x415: {  	v23 =	vmul.f32 v11, v23;
	v19 =	vsub.f32 $1.000000000e+00, v19;
	v16 =	vsub.f32 v16, v14  }
0x416: {  	v17 =	vsub.f32 v17, v13;
	v7 =	vsub.f32 v7, v10;
	v22 =	vmul.f32 v12, v22  }
0x417: {  	v8 =	vsub.f32 v8, v9;
	v55 =	vadd.f32 v23, v21;
	v56 =	vmul.f32 v11, v16  }
0x418: {  	v59 =	vmul.f32 v12, v17;
	v5 =	vmul.f32 v5, v7;
	v57 =	vadd.f32 v22, v20  }
0x419: {  	s1 =	sadd.s32 $0x40, s1;
	s7 =	sadd.s32 $0x20, s9;
	v6 =	vmul.f32 v6, v8;
	v58 =	vsub.f32 $1.000000000e+00, v55;
	v11 =	vadd.f32 v56, v14  }
0x41a: {  	s9 =	sadd.s32 $0xFFFFD010, s7;
	s12 =	sadd.s32 $0xFFFFA020, s1;
	v7 =	vadd.f32 v59, v13;
	v5 =	vadd.f32 v5, v10  }
0x41b: {  	[tilespmem:s11+$0xA000] =	vst v24;
	s9 =	sand.u32 $0x70, s9;
	s12 =	sand.u32 $0xFFFFFF00, s12;
	v61 =	vmul.f32 v15, v26;
	v6 =	vadd.f32 v6, v9;
	v60 =	vsub.f32 $1.000000000e+00, v57  }
0x41c: {  	s0 =	sadd.s32 $0x1, s0;
	[tilespmem:s11+$0xA080] =	vst v25;
	s7 =	sand.u32 $0x60, s7;
	s9 =	sor.u32 s9, s12;
	v62 =	vmul.f32 v19, v18;
	v63 =	vsub.f32 $1.000000000e+00, v11;
	v7 =	vsub.f32 $1.000000000e+00, v7  }
0x41d: {  	s1 =	sand.u32 $0x7F00, s1;
	p0 =	sne.s32 s0, $0x8;
	s30 =	sadd.s32 $0x10000, s9;
	[tilespmem:s8+$0x10000] =	vst v61;
	v5 =	vsub.f32 $1.000000000e+00, v5;
	v6 =	vsub.f32 $1.000000000e+00, v6;
	v8 =	vmul.f32 v60, v58  }
.Ltmp10:
0x41e: {  	s2 =	sor.u32 s6, s2;
	s1 =	sor.u32 s7, s1;
	[tilespmem:s30+$0x80] =	vst v62;
	v7 =	vmul.f32 v7, v63;
	(pc) =	sbr.rel @p0 .LBB2_6-.Ltmp10, $4  }
0x41f: {  	s2 =	sshrl.u32 s2, $0x3;
	v5 =	vmul.f32 v6, v5;
	[tilespmem:s1+$0xA000] =	vst v8  }
0x420: {  	s31 =	sor.u32 $0x3000, s2;
	[tilespmem:s1+$0xA080] =	vst v7  }
0x421: {  	[tilespmem:s9+$0x10000] =	vst v5;
	s1 =	sadd.s32 s3, s31  }
0x422: {  	[hbm4b:s1+s20] =	stream.strided.scatter [tilespmem:s21], [sflag:$0x5], $0x2000, s17, s20, $0x38;
	[tilespmem:$0x1E000] =	vst v63  }
0x423: {  	_ =	swait.ge [sflag:s24], $0x2000  }
0x424: {  	[sflag:s24] =	ssyncset.done $0x0  }
0x425: {  	s0 =	simm.s32 $0x6;
	[sflag:s24] =	ssyncadd.s32 $0xFFFFE000  }
0x426: {  	_ =	swait.ge [sflag:s0], $0x2000  }
0x427: {  	[sflag:s0] =	ssyncset.done $0x0  }
0x428: {  	s1 =	simm.s32 $0x7;
	[sflag:s0] =	ssyncadd.s32 $0xFFFFE000  }
0x429: {  	_ =	swait.ge [sflag:s1], $0x2000  }
0x42a: {  	s2 =	rddreg [dreg:$0xa]  }
0x42b: {  	s31 =	rddreg [dreg:$0x9];
	s2 =	sadd.s32 $0x1, s2  }
0x42c: {  	p0 =	sne.s32 s2, s31  }
.Ltmp11:
0x42d: {  	_ = 	snop;
	(pc) =	sbr.rel @p0 .LBB2_1-.Ltmp11, $3  }
0x42e: {  	_ =	sdelay $0x1  }
0x42f: {  	[sflag:s1] =	ssyncset.done $0x0  }
0x430: {  	[sflag:s1] =	ssyncadd.s32 $0xFFFFE000  }
0x431: {  	_ =	sfence.sel $0x180000  }
0x432: {  	[bflag:$0x0] =	sbarrier.arrive $0xFFFF  }
0x433: {  	_ =	strace $0x90000047  }
0x434: {  	s0 =	stileid.u32;
	[bflag:$0x2] =	sbarrier.arrive $0xFFFF  }
0x435: {  	p0 =	sne.s32 s0, $0x0;
	s0 =	rddreg [dreg:$0x3]  }
0x436: {  	s0 =	sadd.s32 @!p0 $0x100000, s0  }
0x437: {  	[sflag:s0] =	ssyncadd.tile.s32 @!p0 $0x1;
	_ =	shalt  }
.Lfunc_end2:
_tile_overlayer_lowered:
.L_overlay_start_2:
0x438: {  	(tag) =	ssettag $0x2  }
0x439: {  	s0 =	rddreg [dreg:$0x0];
	s2 =	stileid.u32  }
0x43a: {  	s1 =	rddreg [dreg:$0x1];
	p0 =	sne.s32 s2, $0x0  }
0x43b: {  	s3 =	rddreg [dreg:$0x2];
	[bflag:$0x3] =	sbarrier.arrive $0xFFFF;
	s2 =	simm.s32 @!p0 $0x1C08  }
0x43c: {  	[timem:s3], [sflag:s2] =	dma.local @!p0 [hbm:s0], s1  }
0x43d: {  	s0 =	simm.s32 @!p0 $0x8  }
0x43e: {  	_ =	swait.ge @!p0 [sflag:s0], s1  }
0x43f: {  	s1 =	ssub.s32 @!p0 $0x0, s1;
	[sflag:s0] =	ssyncset.done @!p0 $0x0  }
0x440: {  	[sflag:s0] =	ssyncadd.s32 @!p0 s1  }
0x441: {  	[bflag:$0x3] =	sbarrier.arrive $0xFFFF  }
0x442: {  	_ =	shalt  }

</sc_bundles>
